<compile_context>
chip_gen: v7x
topology: tpu7x:2x2x1
jax: 0.10.2.dev20260603
libtpu: 0.0.44.dev20260713+nightly
codegen_flags: <defaults>
</compile_context>

<pallas_src>
import functools

import jax
import jax.numpy as jnp
from jax import lax
from jax.experimental import pallas as pl
from jax.experimental.pallas import tpu as pltpu
from jax.experimental.pallas import tpu_sc as plsc

F = 26
B = 1024
V = 100000
D = 64
NC = 2
NS = 16
NW = NC * NS
RPW = B // NW
C = 128
L = 16


def _scal(vec, l):
    return jnp.squeeze(lax.slice_in_dim(vec, l, l + 1, axis=0))


def _body(values_h, offs0_h, offs1_h, weights_h, tables_h, out_h,
          offs_v, offs1_v, vals_v, w_v, idx_v, dst_v, rows_v, acc_sh,
          sem_g, sem_s):
    cid = lax.axis_index("c")
    sid = lax.axis_index("s")
    wid = cid * NS + sid
    i32 = jnp.int32
    mo = pl.multiple_of

    def zbody(i, c):
        for k in range(4):
            rows_v[i, pl.ds(k * L, L)] = jnp.zeros((L,), jnp.float32)
        return c
    lax.fori_loop(0, C, zbody, 0)
    abase = mo(sid * (RPW * F), RPW * F)
    for j in range(6):
        pltpu.sync_copy(rows_v, acc_sh.at[pl.ds(abase + j * C, C)])
    pltpu.sync_copy(rows_v.at[pl.ds(0, 64)], acc_sh.at[pl.ds(abase + 6 * C, 64)])

    pltpu.sync_copy(offs0_h, offs_v)
    pltpu.sync_copy(offs1_h, offs1_v)

    def fbody(f, carry):
        base = mo(f * B + wid * RPW, RPW)
        vec0 = offs_v[pl.ds(base, L)]
        vecA = offs1_v[pl.ds(base, L)]
        vecB = offs1_v[pl.ds(base + L, L)]
        start = _scal(vec0, 0)
        end = _scal(vecB, L - 1)
        start_al = mo(start - lax.rem(start, 8), 8)
        nch = lax.div(end - start_al + (C - 1), C)
        oj = ([_scal(vecA, l) for l in range(L)]
              + [_scal(vecB, l) for l in range(L)])
        fv = f * V

        def cbody(j, cc):
            p0 = mo(start_al + j * C, 8)
            pltpu.sync_copy(values_h.at[pl.ds(p0, C)], vals_v)
            pltpu.sync_copy(weights_h.at[pl.ds(p0, C)], w_v)

            def g1(g, c1):
                s = mo(g * L, L)
                pos = p0 + s + lax.iota(i32, L)
                v16 = vals_v[pl.ds(s, L)]
                idx_v[pl.ds(s, L)] = v16 + fv
                valid = (pos >= start) & (pos < end)
                w_v[pl.ds(s, L)] = jnp.where(valid, w_v[pl.ds(s, L)], 0.0)
                b16 = jnp.zeros((L,), i32)
                one = jnp.ones((L,), i32)
                zero = jnp.zeros((L,), i32)
                for o in oj:
                    b16 = b16 + jnp.where(pos >= o, one, zero)
                b16 = jnp.minimum(b16, RPW - 1)
                dst_v[pl.ds(s, L)] = abase + b16 * F + f
                return c1
            lax.fori_loop(0, C // L, g1, 0)

            pltpu.async_copy(tables_h.at[idx_v], rows_v, sem_g).wait()

            def g2(g, c2):
                s = mo(g * L, L)
                w16 = w_v[pl.ds(s, L)]
                for l in range(L):
                    wl = _scal(w16, l)
                    for k in range(4):
                        rows_v[s + l, pl.ds(k * L, L)] = (
                            rows_v[s + l, pl.ds(k * L, L)] * wl)
                return c2
            lax.fori_loop(0, C // L, g2, 0)

            pltpu.async_copy(rows_v, acc_sh.at[dst_v], sem_s, add=True).wait()
            return cc
        lax.fori_loop(0, nch, cbody, 0)
        return carry
    lax.fori_loop(0, F, fbody, 0)

    pltpu.sync_copy(acc_sh.at[pl.ds(abase, RPW * F)],
                    out_h.at[pl.ds(mo(wid * (RPW * F), RPW * F), RPW * F)])


@jax.jit
def kernel(values, offsets, weights, tables):
    n = values.shape[0]
    pad = C + 8
    values_p = jnp.concatenate([values, jnp.zeros((pad,), jnp.int32)])
    weights_p = jnp.concatenate([weights, jnp.zeros((pad,), jnp.float32)])
    opad = 48
    offs0 = jnp.concatenate([offsets, jnp.full((opad - 1,), n, jnp.int32)])
    offs1 = jnp.concatenate([offsets[1:], jnp.full((opad,), n, jnp.int32)])
    olen = int(offs0.shape[0])
    tflat = tables.reshape(F * V, D)

    mesh = plsc.VectorSubcoreMesh(core_axis_name="c", subcore_axis_name="s")
    f = pl.kernel(
        _body,
        out_type=jax.ShapeDtypeStruct((B * F, D), jnp.float32),
        mesh=mesh,
        compiler_params=pltpu.CompilerParams(use_tc_tiling_on_sc=False),
        scratch_types=[
            pltpu.VMEM((olen,), jnp.int32),
            pltpu.VMEM((olen,), jnp.int32),
            pltpu.VMEM((C,), jnp.int32),
            pltpu.VMEM((C,), jnp.float32),
            pltpu.VMEM((C,), jnp.int32),
            pltpu.VMEM((C,), jnp.int32),
            pltpu.VMEM((C, D), jnp.float32),
            pltpu.VMEM_SHARED((NS * RPW * F, D), jnp.float32),
            pltpu.SemaphoreType.DMA,
            pltpu.SemaphoreType.DMA,
        ],
    )
    out = f(values_p, offs0, offs1, weights_p, tflat)
    return out.reshape(B, F * D)

# --- scband reference (transcript-rebuilt; emitter-appended) ---
"""Pipeline reference for scband-batched-fused-embedding-lookups-16527034155587 (READ-ONLY COPY).

The authoritative reference and input builder live on the scoring server;
editing this copy changes nothing except your own understanding.
"""

import jax, jax.numpy as jnp
import numpy as np

NUM_TABLES = 26
BATCH = 1024
VOCAB = 100000
DIM = 64
AVG_L = 20
TOTAL_BAGS = NUM_TABLES * BATCH
TOTAL_VALUES = TOTAL_BAGS * AVG_L


def setup_inputs(seed: int = 0) -> dict:
    key = jax.random.key(seed)
    k1, k2, k3, k4 = jax.random.split(key, 4)
    values = jax.random.randint(k1, (TOTAL_VALUES,), 0, VOCAB, dtype=jnp.int32)
    offsets = jnp.sort(jax.random.randint(k2, (TOTAL_BAGS + 1,), 0, TOTAL_VALUES, dtype=jnp.int32))
    offsets = offsets.at[0].set(0).at[-1].set(TOTAL_VALUES)
    weights = jax.random.uniform(k3, (TOTAL_VALUES,), dtype=jnp.float32)
    # fused embedding tables: all tables have identical (V, D) so stack them [F, V, D]
    # mimics uniform_(weight_init_min, weight_init_max) with default sqrt(1/num_embeddings) bound
    bound = float(np.sqrt(1.0 / VOCAB))
    tables = jax.random.uniform(k4, (NUM_TABLES, VOCAB, DIM), dtype=jnp.float32, minval=-bound, maxval=bound)
    return {"values": values, "offsets": offsets, "weights": weights, "tables": tables}


def reference(values, offsets, weights, tables):
    # TBE CSR semantics: offsets has length F*B + 1, bags laid out feature-major
    # (feature 0's B bags, then feature 1's B bags, ...). Each value belongs to the
    # bag whose offset range contains its position.
    n_vals = values.shape[0]
    positions = jnp.arange(n_vals, dtype=jnp.int32)
    bag_ids = jnp.searchsorted(offsets, positions, side='right') - 1
    bag_ids = jnp.clip(bag_ids, 0, TOTAL_BAGS - 1)
    feat_ids = bag_ids // BATCH  # feature -> table (identity feature_table_map)
    # gather rows from the fused tables
    emb = tables[feat_ids, values]  # [n_vals, DIM]
    # weighted SUM pooling per bag (per_sample_weights)
    weighted = emb * weights[:, None]
    pooled = jax.ops.segment_sum(weighted, bag_ids, num_segments=TOTAL_BAGS)  # [F*B, D]
    # TBE output layout: [B, table_0_dim + table_1_dim + ...]
    out = pooled.reshape(NUM_TABLES, BATCH, DIM).transpose(1, 0, 2).reshape(BATCH, NUM_TABLES * DIM)
    return out

if __name__ == "__main__":
    import jax
    _d = setup_inputs()
    print(jax.jit(kernel)(*tuple(_d.values())))

</pallas_src>

<mosaic_0001>
#map = affine_map<(d0, d1) -> (0)>
#map1 = affine_map<(d0, d1) -> (0, 0)>
module attributes {stable_mosaic.version = 14 : i64} {
  func.func @_body(%arg0: i32, %arg1: i32, %arg2: memref<532616xi32, #tpu.memory_space<hbm>>, %arg3: memref<26672xi32, #tpu.memory_space<hbm>>, %arg4: memref<26672xi32, #tpu.memory_space<hbm>>, %arg5: memref<532616xf32, #tpu.memory_space<hbm>>, %arg6: memref<2600000x64xf32, #tpu.memory_space<hbm>>, %arg7: memref<26624x64xf32, #tpu.memory_space<hbm>>, %arg8: memref<26672xi32, #tpu.memory_space<vmem>>, %arg9: memref<26672xi32, #tpu.memory_space<vmem>>, %arg10: memref<128xi32, #tpu.memory_space<vmem>>, %arg11: memref<128xf32, #tpu.memory_space<vmem>>, %arg12: memref<128xi32, #tpu.memory_space<vmem>>, %arg13: memref<128xi32, #tpu.memory_space<vmem>>, %arg14: memref<128x64xf32, #tpu.memory_space<vmem>>, %arg15: memref<13312x64xf32, #tpu.memory_space<vmem_shared>>, %arg16: memref<!tpu.dma_semaphore, #tpu.memory_space<semaphore_mem>>, %arg17: memref<!tpu.dma_semaphore, #tpu.memory_space<semaphore_mem>>) attributes {dimension_semantics = [#tpu.dimension_semantics<core_parallel>, #tpu.dimension_semantics<subcore_parallel>], iteration_bounds = array<i64: 2, 16>, scalar_prefetch = 0 : i64, scratch_operands = 10 : i64, tpu.core_type = #tpu.core_type<sc_vector_subcore>, window_params = [{transform_indices = #map}, {transform_indices = #map}, {transform_indices = #map}, {transform_indices = #map}, {transform_indices = #map1}, {transform_indices = #map1}]} {
    %mul3A = arith.constant 16 : i32
    %mul3A_0 = arith.muli %arg0, %mul3A : i32
    %add3A = arith.addi %mul3A_0, %arg1 : i32
    %scan3A = arith.constant 0 : i32
    %scan3A_1 = arith.constant 0 : i32
    %scan3A_2 = arith.constant 128 : i32
    %scan3A_3 = arith.addi %scan3A_1, %scan3A_2 : i32
    %scan3A_4 = arith.constant 1 : i32
    scf.for %scan3A_31 = %scan3A_1 to %scan3A_3 step %scan3A_4  : i32 {
      %broadcast_in_dim3A = arith.constant 0.000000e+00 : f32
      %broadcast_in_dim3A_32 = vector.broadcast %broadcast_in_dim3A : f32 to vector<16xf32>
      %swap3A = arith.index_cast %scan3A_31 : i32 to index
      %swap3A_33 = arith.constant 0 : index
      %swap3A_34 = tpu.vector_load %arg14[%swap3A, %swap3A_33] {strides = array<i32>} : memref<128x64xf32, #tpu.memory_space<vmem>>, vector<1x16xf32>,
      %swap3A_35 = vector.shape_cast %swap3A_34 : vector<1x16xf32> to vector<16xf32>
      %swap3A_36 = vector.shape_cast %broadcast_in_dim3A_32 : vector<16xf32> to vector<1x16xf32>
      tpu.vector_store %arg14[%swap3A, %swap3A_33], %swap3A_36 {strides = array<i32>} : memref<128x64xf32, #tpu.memory_space<vmem>>, vector<1x16xf32>,
      %broadcast_in_dim3A_37 = arith.constant 0.000000e+00 : f32
      %broadcast_in_dim3A_38 = vector.broadcast %broadcast_in_dim3A_37 : f32 to vector<16xf32>
      %swap3A_39 = arith.index_cast %scan3A_31 : i32 to index
      %swap3A_40 = arith.constant 16 : index
      %swap3A_41 = tpu.vector_load %arg14[%swap3A_39, %swap3A_40] {strides = array<i32>} : memref<128x64xf32, #tpu.memory_space<vmem>>, vector<1x16xf32>,
      %swap3A_42 = vector.shape_cast %swap3A_41 : vector<1x16xf32> to vector<16xf32>
      %swap3A_43 = vector.shape_cast %broadcast_in_dim3A_38 : vector<16xf32> to vector<1x16xf32>
      tpu.vector_store %arg14[%swap3A_39, %swap3A_40], %swap3A_43 {strides = array<i32>} : memref<128x64xf32, #tpu.memory_space<vmem>>, vector<1x16xf32>,
      %broadcast_in_dim3A_44 = arith.constant 0.000000e+00 : f32
      %broadcast_in_dim3A_45 = vector.broadcast %broadcast_in_dim3A_44 : f32 to vector<16xf32>
      %swap3A_46 = arith.index_cast %scan3A_31 : i32 to index
      %swap3A_47 = arith.constant 32 : index
      %swap3A_48 = tpu.vector_load %arg14[%swap3A_46, %swap3A_47] {strides = array<i32>} : memref<128x64xf32, #tpu.memory_space<vmem>>, vector<1x16xf32>,
      %swap3A_49 = vector.shape_cast %swap3A_48 : vector<1x16xf32> to vector<16xf32>
      %swap3A_50 = vector.shape_cast %broadcast_in_dim3A_45 : vector<16xf32> to vector<1x16xf32>
      tpu.vector_store %arg14[%swap3A_46, %swap3A_47], %swap3A_50 {strides = array<i32>} : memref<128x64xf32, #tpu.memory_space<vmem>>, vector<1x16xf32>,
      %broadcast_in_dim3A_51 = arith.constant 0.000000e+00 : f32
      %broadcast_in_dim3A_52 = vector.broadcast %broadcast_in_dim3A_51 : f32 to vector<16xf32>
      %swap3A_53 = arith.index_cast %scan3A_31 : i32 to index
      %swap3A_54 = arith.constant 48 : index
      %swap3A_55 = tpu.vector_load %arg14[%swap3A_53, %swap3A_54] {strides = array<i32>} : memref<128x64xf32, #tpu.memory_space<vmem>>, vector<1x16xf32>,
      %swap3A_56 = vector.shape_cast %swap3A_55 : vector<1x16xf32> to vector<16xf32>
      %swap3A_57 = vector.shape_cast %broadcast_in_dim3A_52 : vector<16xf32> to vector<1x16xf32>
      tpu.vector_store %arg14[%swap3A_53, %swap3A_54], %swap3A_57 {strides = array<i32>} : memref<128x64xf32, #tpu.memory_space<vmem>>, vector<1x16xf32>,
    }
    %scan3A_5 = arith.constant 128 : i32
    %mul3A_6 = arith.constant 832 : i32
    %mul3A_7 = arith.muli %arg1, %mul3A_6 : i32
    %multiple_of3A = tpu.assume_multiple %mul3A_7, 832 : i32
    %add3A_8 = arith.constant 0 : i32
    %add3A_9 = arith.addi %multiple_of3A, %add3A_8 : i32
    "tpu.region"() ({
      %run_scoped3A = tpu.sem_alloc : memref<!tpu.dma_semaphore, #tpu.memory_space<semaphore_mem>>
      %dma_start3A = arith.constant 0 : i32
      %dma_start3A_31 = tpu.memref_slice %arg15[%add3A_9, %dma_start3A] : memref<13312x64xf32, #tpu.memory_space<vmem_shared>> -> memref<128x64xf32, #tpu.memory_space<vmem_shared>>
      %dma_start3A_32 = arith.constant 0 : i32
      %dma_start3A_33 = tpu.memref_slice %arg15[%add3A_9, %dma_start3A_32] : memref<13312x64xf32, #tpu.memory_space<vmem_shared>> -> memref<128x64xf32, #tpu.memory_space<vmem_shared>>
      tpu.enqueue_dma source(%arg14 : memref<128x64xf32, #tpu.memory_space<vmem>>) target(%dma_start3A_33 : memref<128x64xf32, #tpu.memory_space<vmem_shared>>) target_semaphore(%run_scoped3A : memref<!tpu.dma_semaphore, #tpu.memory_space<semaphore_mem>>)
      %dma_wait3A = arith.constant 0 : i32
      %dma_wait3A_34 = tpu.memref_slice %arg15[%add3A_9, %dma_wait3A] : memref<13312x64xf32, #tpu.memory_space<vmem_shared>> -> memref<128x64xf32, #tpu.memory_space<vmem_shared>>
      %dma_wait3A_35 = arith.constant 0 : i32
      %dma_wait3A_36 = tpu.memref_slice %arg15[%add3A_9, %dma_wait3A_35] : memref<13312x64xf32, #tpu.memory_space<vmem_shared>> -> memref<128x64xf32, #tpu.memory_space<vmem_shared>>
      tpu.wait_dma2 semaphore(%run_scoped3A : memref<!tpu.dma_semaphore, #tpu.memory_space<semaphore_mem>>) src(%arg14 : memref<128x64xf32, #tpu.memory_space<vmem>>) dst(%dma_wait3A_36 : memref<128x64xf32, #tpu.memory_space<vmem_shared>>)
      tpu.yield
    }) : () -> ()
    %add3A_10 = arith.constant 128 : i32
    %add3A_11 = arith.addi %multiple_of3A, %add3A_10 : i32
    "tpu.region"() ({
      %run_scoped3A = tpu.sem_alloc : memref<!tpu.dma_semaphore, #tpu.memory_space<semaphore_mem>>
      %dma_start3A = arith.constant 0 : i32
      %dma_start3A_31 = tpu.memref_slice %arg15[%add3A_11, %dma_start3A] : memref<13312x64xf32, #tpu.memory_space<vmem_shared>> -> memref<128x64xf32, #tpu.memory_space<vmem_shared>>
      %dma_start3A_32 = arith.constant 0 : i32
      %dma_start3A_33 = tpu.memref_slice %arg15[%add3A_11, %dma_start3A_32] : memref<13312x64xf32, #tpu.memory_space<vmem_shared>> -> memref<128x64xf32, #tpu.memory_space<vmem_shared>>
      tpu.enqueue_dma source(%arg14 : memref<128x64xf32, #tpu.memory_space<vmem>>) target(%dma_start3A_33 : memref<128x64xf32, #tpu.memory_space<vmem_shared>>) target_semaphore(%run_scoped3A : memref<!tpu.dma_semaphore, #tpu.memory_space<semaphore_mem>>)
      %dma_wait3A = arith.constant 0 : i32
      %dma_wait3A_34 = tpu.memref_slice %arg15[%add3A_11, %dma_wait3A] : memref<13312x64xf32, #tpu.memory_space<vmem_shared>> -> memref<128x64xf32, #tpu.memory_space<vmem_shared>>
      %dma_wait3A_35 = arith.constant 0 : i32
      %dma_wait3A_36 = tpu.memref_slice %arg15[%add3A_11, %dma_wait3A_35] : memref<13312x64xf32, #tpu.memory_space<vmem_shared>> -> memref<128x64xf32, #tpu.memory_space<vmem_shared>>
      tpu.wait_dma2 semaphore(%run_scoped3A : memref<!tpu.dma_semaphore, #tpu.memory_space<semaphore_mem>>) src(%arg14 : memref<128x64xf32, #tpu.memory_space<vmem>>) dst(%dma_wait3A_36 : memref<128x64xf32, #tpu.memory_space<vmem_shared>>)
      tpu.yield
    }) : () -> ()
    %add3A_12 = arith.constant 256 : i32
    %add3A_13 = arith.addi %multiple_of3A, %add3A_12 : i32
    "tpu.region"() ({
      %run_scoped3A = tpu.sem_alloc : memref<!tpu.dma_semaphore, #tpu.memory_space<semaphore_mem>>
      %dma_start3A = arith.constant 0 : i32
      %dma_start3A_31 = tpu.memref_slice %arg15[%add3A_13, %dma_start3A] : memref<13312x64xf32, #tpu.memory_space<vmem_shared>> -> memref<128x64xf32, #tpu.memory_space<vmem_shared>>
      %dma_start3A_32 = arith.constant 0 : i32
      %dma_start3A_33 = tpu.memref_slice %arg15[%add3A_13, %dma_start3A_32] : memref<13312x64xf32, #tpu.memory_space<vmem_shared>> -> memref<128x64xf32, #tpu.memory_space<vmem_shared>>
      tpu.enqueue_dma source(%arg14 : memref<128x64xf32, #tpu.memory_space<vmem>>) target(%dma_start3A_33 : memref<128x64xf32, #tpu.memory_space<vmem_shared>>) target_semaphore(%run_scoped3A : memref<!tpu.dma_semaphore, #tpu.memory_space<semaphore_mem>>)
      %dma_wait3A = arith.constant 0 : i32
      %dma_wait3A_34 = tpu.memref_slice %arg15[%add3A_13, %dma_wait3A] : memref<13312x64xf32, #tpu.memory_space<vmem_shared>> -> memref<128x64xf32, #tpu.memory_space<vmem_shared>>
      %dma_wait3A_35 = arith.constant 0 : i32
      %dma_wait3A_36 = tpu.memref_slice %arg15[%add3A_13, %dma_wait3A_35] : memref<13312x64xf32, #tpu.memory_space<vmem_shared>> -> memref<128x64xf32, #tpu.memory_space<vmem_shared>>
      tpu.wait_dma2 semaphore(%run_scoped3A : memref<!tpu.dma_semaphore, #tpu.memory_space<semaphore_mem>>) src(%arg14 : memref<128x64xf32, #tpu.memory_space<vmem>>) dst(%dma_wait3A_36 : memref<128x64xf32, #tpu.memory_space<vmem_shared>>)
      tpu.yield
    }) : () -> ()
    %add3A_14 = arith.constant 384 : i32
    %add3A_15 = arith.addi %multiple_of3A, %add3A_14 : i32
    "tpu.region"() ({
      %run_scoped3A = tpu.sem_alloc : memref<!tpu.dma_semaphore, #tpu.memory_space<semaphore_mem>>
      %dma_start3A = arith.constant 0 : i32
      %dma_start3A_31 = tpu.memref_slice %arg15[%add3A_15, %dma_start3A] : memref<13312x64xf32, #tpu.memory_space<vmem_shared>> -> memref<128x64xf32, #tpu.memory_space<vmem_shared>>
      %dma_start3A_32 = arith.constant 0 : i32
      %dma_start3A_33 = tpu.memref_slice %arg15[%add3A_15, %dma_start3A_32] : memref<13312x64xf32, #tpu.memory_space<vmem_shared>> -> memref<128x64xf32, #tpu.memory_space<vmem_shared>>
      tpu.enqueue_dma source(%arg14 : memref<128x64xf32, #tpu.memory_space<vmem>>) target(%dma_start3A_33 : memref<128x64xf32, #tpu.memory_space<vmem_shared>>) target_semaphore(%run_scoped3A : memref<!tpu.dma_semaphore, #tpu.memory_space<semaphore_mem>>)
      %dma_wait3A = arith.constant 0 : i32
      %dma_wait3A_34 = tpu.memref_slice %arg15[%add3A_15, %dma_wait3A] : memref<13312x64xf32, #tpu.memory_space<vmem_shared>> -> memref<128x64xf32, #tpu.memory_space<vmem_shared>>
      %dma_wait3A_35 = arith.constant 0 : i32
      %dma_wait3A_36 = tpu.memref_slice %arg15[%add3A_15, %dma_wait3A_35] : memref<13312x64xf32, #tpu.memory_space<vmem_shared>> -> memref<128x64xf32, #tpu.memory_space<vmem_shared>>
      tpu.wait_dma2 semaphore(%run_scoped3A : memref<!tpu.dma_semaphore, #tpu.memory_space<semaphore_mem>>) src(%arg14 : memref<128x64xf32, #tpu.memory_space<vmem>>) dst(%dma_wait3A_36 : memref<128x64xf32, #tpu.memory_space<vmem_shared>>)
      tpu.yield
    }) : () -> ()
    %add3A_16 = arith.constant 512 : i32
    %add3A_17 = arith.addi %multiple_of3A, %add3A_16 : i32
    "tpu.region"() ({
      %run_scoped3A = tpu.sem_alloc : memref<!tpu.dma_semaphore, #tpu.memory_space<semaphore_mem>>
      %dma_start3A = arith.constant 0 : i32
      %dma_start3A_31 = tpu.memref_slice %arg15[%add3A_17, %dma_start3A] : memref<13312x64xf32, #tpu.memory_space<vmem_shared>> -> memref<128x64xf32, #tpu.memory_space<vmem_shared>>
      %dma_start3A_32 = arith.constant 0 : i32
      %dma_start3A_33 = tpu.memref_slice %arg15[%add3A_17, %dma_start3A_32] : memref<13312x64xf32, #tpu.memory_space<vmem_shared>> -> memref<128x64xf32, #tpu.memory_space<vmem_shared>>
      tpu.enqueue_dma source(%arg14 : memref<128x64xf32, #tpu.memory_space<vmem>>) target(%dma_start3A_33 : memref<128x64xf32, #tpu.memory_space<vmem_shared>>) target_semaphore(%run_scoped3A : memref<!tpu.dma_semaphore, #tpu.memory_space<semaphore_mem>>)
      %dma_wait3A = arith.constant 0 : i32
      %dma_wait3A_34 = tpu.memref_slice %arg15[%add3A_17, %dma_wait3A] : memref<13312x64xf32, #tpu.memory_space<vmem_shared>> -> memref<128x64xf32, #tpu.memory_space<vmem_shared>>
      %dma_wait3A_35 = arith.constant 0 : i32
      %dma_wait3A_36 = tpu.memref_slice %arg15[%add3A_17, %dma_wait3A_35] : memref<13312x64xf32, #tpu.memory_space<vmem_shared>> -> memref<128x64xf32, #tpu.memory_space<vmem_shared>>
      tpu.wait_dma2 semaphore(%run_scoped3A : memref<!tpu.dma_semaphore, #tpu.memory_space<semaphore_mem>>) src(%arg14 : memref<128x64xf32, #tpu.memory_space<vmem>>) dst(%dma_wait3A_36 : memref<128x64xf32, #tpu.memory_space<vmem_shared>>)
      tpu.yield
    }) : () -> ()
    %add3A_18 = arith.constant 640 : i32
    %add3A_19 = arith.addi %multiple_of3A, %add3A_18 : i32
    "tpu.region"() ({
      %run_scoped3A = tpu.sem_alloc : memref<!tpu.dma_semaphore, #tpu.memory_space<semaphore_mem>>
      %dma_start3A = arith.constant 0 : i32
      %dma_start3A_31 = tpu.memref_slice %arg15[%add3A_19, %dma_start3A] : memref<13312x64xf32, #tpu.memory_space<vmem_shared>> -> memref<128x64xf32, #tpu.memory_space<vmem_shared>>
      %dma_start3A_32 = arith.constant 0 : i32
      %dma_start3A_33 = tpu.memref_slice %arg15[%add3A_19, %dma_start3A_32] : memref<13312x64xf32, #tpu.memory_space<vmem_shared>> -> memref<128x64xf32, #tpu.memory_space<vmem_shared>>
      tpu.enqueue_dma source(%arg14 : memref<128x64xf32, #tpu.memory_space<vmem>>) target(%dma_start3A_33 : memref<128x64xf32, #tpu.memory_space<vmem_shared>>) target_semaphore(%run_scoped3A : memref<!tpu.dma_semaphore, #tpu.memory_space<semaphore_mem>>)
      %dma_wait3A = arith.constant 0 : i32
      %dma_wait3A_34 = tpu.memref_slice %arg15[%add3A_19, %dma_wait3A] : memref<13312x64xf32, #tpu.memory_space<vmem_shared>> -> memref<128x64xf32, #tpu.memory_space<vmem_shared>>
      %dma_wait3A_35 = arith.constant 0 : i32
      %dma_wait3A_36 = tpu.memref_slice %arg15[%add3A_19, %dma_wait3A_35] : memref<13312x64xf32, #tpu.memory_space<vmem_shared>> -> memref<128x64xf32, #tpu.memory_space<vmem_shared>>
      tpu.wait_dma2 semaphore(%run_scoped3A : memref<!tpu.dma_semaphore, #tpu.memory_space<semaphore_mem>>) src(%arg14 : memref<128x64xf32, #tpu.memory_space<vmem>>) dst(%dma_wait3A_36 : memref<128x64xf32, #tpu.memory_space<vmem_shared>>)
      tpu.yield
    }) : () -> ()
    %add3A_20 = arith.constant 768 : i32
    %add3A_21 = arith.addi %multiple_of3A, %add3A_20 : i32
    "tpu.region"() ({
      %run_scoped3A = tpu.sem_alloc : memref<!tpu.dma_semaphore, #tpu.memory_space<semaphore_mem>>
      %dma_start3A = arith.constant 0 : i32
      %dma_start3A_31 = arith.constant 0 : i32
      %dma_start3A_32 = tpu.memref_slice %arg14[%dma_start3A, %dma_start3A_31] : memref<128x64xf32, #tpu.memory_space<vmem>> -> memref<64x64xf32, #tpu.memory_space<vmem>>
      %dma_start3A_33 = arith.constant 0 : i32
      %dma_start3A_34 = tpu.memref_slice %arg15[%add3A_21, %dma_start3A_33] : memref<13312x64xf32, #tpu.memory_space<vmem_shared>> -> memref<64x64xf32, #tpu.memory_space<vmem_shared>>
      %dma_start3A_35 = arith.constant 0 : i32
      %dma_start3A_36 = tpu.memref_slice %arg15[%add3A_21, %dma_start3A_35] : memref<13312x64xf32, #tpu.memory_space<vmem_shared>> -> memref<64x64xf32, #tpu.memory_space<vmem_shared>>
      %dma_start3A_37 = arith.constant 0 : i32
      %dma_start3A_38 = arith.constant 0 : i32
      %dma_start3A_39 = tpu.memref_slice %arg14[%dma_start3A_37, %dma_start3A_38] : memref<128x64xf32, #tpu.memory_space<vmem>> -> memref<64x64xf32, #tpu.memory_space<vmem>>
      tpu.enqueue_dma source(%dma_start3A_39 : memref<64x64xf32, #tpu.memory_space<vmem>>) target(%dma_start3A_36 : memref<64x64xf32, #tpu.memory_space<vmem_shared>>) target_semaphore(%run_scoped3A : memref<!tpu.dma_semaphore, #tpu.memory_space<semaphore_mem>>)
      %dma_wait3A = arith.constant 0 : i32
      %dma_wait3A_40 = arith.constant 0 : i32
      %dma_wait3A_41 = tpu.memref_slice %arg14[%dma_wait3A, %dma_wait3A_40] : memref<128x64xf32, #tpu.memory_space<vmem>> -> memref<64x64xf32, #tpu.memory_space<vmem>>
      %dma_wait3A_42 = arith.constant 0 : i32
      %dma_wait3A_43 = tpu.memref_slice %arg15[%add3A_21, %dma_wait3A_42] : memref<13312x64xf32, #tpu.memory_space<vmem_shared>> -> memref<64x64xf32, #tpu.memory_space<vmem_shared>>
      %dma_wait3A_44 = arith.constant 0 : i32
      %dma_wait3A_45 = tpu.memref_slice %arg15[%add3A_21, %dma_wait3A_44] : memref<13312x64xf32, #tpu.memory_space<vmem_shared>> -> memref<64x64xf32, #tpu.memory_space<vmem_shared>>
      %dma_wait3A_46 = arith.constant 0 : i32
      %dma_wait3A_47 = arith.constant 0 : i32
      %dma_wait3A_48 = tpu.memref_slice %arg14[%dma_wait3A_46, %dma_wait3A_47] : memref<128x64xf32, #tpu.memory_space<vmem>> -> memref<64x64xf32, #tpu.memory_space<vmem>>
      tpu.wait_dma2 semaphore(%run_scoped3A : memref<!tpu.dma_semaphore, #tpu.memory_space<semaphore_mem>>) src(%dma_wait3A_48 : memref<64x64xf32, #tpu.memory_space<vmem>>) dst(%dma_wait3A_45 : memref<64x64xf32, #tpu.memory_space<vmem_shared>>)
      tpu.yield
    }) : () -> ()
    "tpu.region"() ({
      %run_scoped3A = tpu.sem_alloc : memref<!tpu.dma_semaphore, #tpu.memory_space<semaphore_mem>>
      tpu.enqueue_dma source(%arg3 : memref<26672xi32, #tpu.memory_space<hbm>>) target(%arg8 : memref<26672xi32, #tpu.memory_space<vmem>>) target_semaphore(%run_scoped3A : memref<!tpu.dma_semaphore, #tpu.memory_space<semaphore_mem>>)
      tpu.wait_dma2 semaphore(%run_scoped3A : memref<!tpu.dma_semaphore, #tpu.memory_space<semaphore_mem>>) src(%arg3 : memref<26672xi32, #tpu.memory_space<hbm>>) dst(%arg8 : memref<26672xi32, #tpu.memory_space<vmem>>)
      tpu.yield
    }) : () -> ()
    "tpu.region"() ({
      %run_scoped3A = tpu.sem_alloc : memref<!tpu.dma_semaphore, #tpu.memory_space<semaphore_mem>>
      tpu.enqueue_dma source(%arg4 : memref<26672xi32, #tpu.memory_space<hbm>>) target(%arg9 : memref<26672xi32, #tpu.memory_space<vmem>>) target_semaphore(%run_scoped3A : memref<!tpu.dma_semaphore, #tpu.memory_space<semaphore_mem>>)
      tpu.wait_dma2 semaphore(%run_scoped3A : memref<!tpu.dma_semaphore, #tpu.memory_space<semaphore_mem>>) src(%arg4 : memref<26672xi32, #tpu.memory_space<hbm>>) dst(%arg9 : memref<26672xi32, #tpu.memory_space<vmem>>)
      tpu.yield
    }) : () -> ()
    %scan3A_22 = arith.constant 0 : i32
    %scan3A_23 = arith.constant 0 : i32
    %scan3A_24 = arith.constant 26 : i32
    %scan3A_25 = arith.addi %scan3A_23, %scan3A_24 : i32
    %scan3A_26 = arith.constant 1 : i32
    scf.for %scan3A_31 = %scan3A_23 to %scan3A_25 step %scan3A_26  : i32 {
      %mul3A_32 = arith.constant 1024 : i32
      %mul3A_33 = arith.muli %scan3A_31, %mul3A_32 : i32
      %mul3A_34 = arith.constant 32 : i32
      %mul3A_35 = arith.muli %add3A, %mul3A_34 : i32
      %add3A_36 = arith.addi %mul3A_33, %mul3A_35 : i32
      %multiple_of3A_37 = tpu.assume_multiple %add3A_36, 32 : i32
      %get3A = arith.index_cast %multiple_of3A_37 : i32 to index
      %get3A_38 = tpu.vector_load %arg8[%get3A] {strides = array<i32>} : memref<26672xi32, #tpu.memory_space<vmem>>, vector<16xi32>,
      %get3A_39 = vector.shape_cast %get3A_38 : vector<16xi32> to vector<16xi32>
      %get3A_40 = arith.index_cast %multiple_of3A_37 : i32 to index
      %get3A_41 = tpu.vector_load %arg9[%get3A_40] {strides = array<i32>} : memref<26672xi32, #tpu.memory_space<vmem>>, vector<16xi32>,
      %get3A_42 = vector.shape_cast %get3A_41 : vector<16xi32> to vector<16xi32>
      %add3A_43 = arith.constant 16 : i32
      %add3A_44 = arith.addi %multiple_of3A_37, %add3A_43 : i32
      %get3A_45 = arith.index_cast %add3A_44 : i32 to index
      %get3A_46 = tpu.vector_load %arg9[%get3A_45] {strides = array<i32>} : memref<26672xi32, #tpu.memory_space<vmem>>, vector<16xi32>,
      %get3A_47 = vector.shape_cast %get3A_46 : vector<16xi32> to vector<16xi32>
      %slice3A = vector.extract_strided_slice %get3A_39 {offsets = [0], sizes = [1], strides = [1]} : vector<16xi32> to vector<1xi32>
      %squeeze3A = vector.extract %slice3A[0] : i32 from vector<1xi32>
      %slice3A_48 = vector.extract_strided_slice %get3A_47 {offsets = [15], sizes = [1], strides = [1]} : vector<16xi32> to vector<1xi32>
      %squeeze3A_49 = vector.extract %slice3A_48[0] : i32 from vector<1xi32>
      %rem3A = arith.constant 8 : i32
      %rem3A_50 = arith.remsi %squeeze3A, %rem3A : i32
      %sub3A = arith.subi %squeeze3A, %rem3A_50 : i32
      %multiple_of3A_51 = tpu.assume_multiple %sub3A, 8 : i32
      %sub3A_52 = arith.subi %squeeze3A_49, %multiple_of3A_51 : i32
      %add3A_53 = arith.constant 127 : i32
      %add3A_54 = arith.addi %sub3A_52, %add3A_53 : i32
      %div3A = arith.constant 128 : i32
      %div3A_55 = arith.divsi %add3A_54, %div3A : i32
      %slice3A_56 = vector.extract_strided_slice %get3A_42 {offsets = [0], sizes = [1], strides = [1]} : vector<16xi32> to vector<1xi32>
      %squeeze3A_57 = vector.extract %slice3A_56[0] : i32 from vector<1xi32>
      %slice3A_58 = vector.extract_strided_slice %get3A_42 {offsets = [1], sizes = [1], strides = [1]} : vector<16xi32> to vector<1xi32>
      %squeeze3A_59 = vector.extract %slice3A_58[0] : i32 from vector<1xi32>
      %slice3A_60 = vector.extract_strided_slice %get3A_42 {offsets = [2], sizes = [1], strides = [1]} : vector<16xi32> to vector<1xi32>
      %squeeze3A_61 = vector.extract %slice3A_60[0] : i32 from vector<1xi32>
      %slice3A_62 = vector.extract_strided_slice %get3A_42 {offsets = [3], sizes = [1], strides = [1]} : vector<16xi32> to vector<1xi32>
      %squeeze3A_63 = vector.extract %slice3A_62[0] : i32 from vector<1xi32>
      %slice3A_64 = vector.extract_strided_slice %get3A_42 {offsets = [4], sizes = [1], strides = [1]} : vector<16xi32> to vector<1xi32>
      %squeeze3A_65 = vector.extract %slice3A_64[0] : i32 from vector<1xi32>
      %slice3A_66 = vector.extract_strided_slice %get3A_42 {offsets = [5], sizes = [1], strides = [1]} : vector<16xi32> to vector<1xi32>
      %squeeze3A_67 = vector.extract %slice3A_66[0] : i32 from vector<1xi32>
      %slice3A_68 = vector.extract_strided_slice %get3A_42 {offsets = [6], sizes = [1], strides = [1]} : vector<16xi32> to vector<1xi32>
      %squeeze3A_69 = vector.extract %slice3A_68[0] : i32 from vector<1xi32>
      %slice3A_70 = vector.extract_strided_slice %get3A_42 {offsets = [7], sizes = [1], strides = [1]} : vector<16xi32> to vector<1xi32>
      %squeeze3A_71 = vector.extract %slice3A_70[0] : i32 from vector<1xi32>
      %slice3A_72 = vector.extract_strided_slice %get3A_42 {offsets = [8], sizes = [1], strides = [1]} : vector<16xi32> to vector<1xi32>
      %squeeze3A_73 = vector.extract %slice3A_72[0] : i32 from vector<1xi32>
      %slice3A_74 = vector.extract_strided_slice %get3A_42 {offsets = [9], sizes = [1], strides = [1]} : vector<16xi32> to vector<1xi32>
      %squeeze3A_75 = vector.extract %slice3A_74[0] : i32 from vector<1xi32>
      %slice3A_76 = vector.extract_strided_slice %get3A_42 {offsets = [10], sizes = [1], strides = [1]} : vector<16xi32> to vector<1xi32>
      %squeeze3A_77 = vector.extract %slice3A_76[0] : i32 from vector<1xi32>
      %slice3A_78 = vector.extract_strided_slice %get3A_42 {offsets = [11], sizes = [1], strides = [1]} : vector<16xi32> to vector<1xi32>
      %squeeze3A_79 = vector.extract %slice3A_78[0] : i32 from vector<1xi32>
      %slice3A_80 = vector.extract_strided_slice %get3A_42 {offsets = [12], sizes = [1], strides = [1]} : vector<16xi32> to vector<1xi32>
      %squeeze3A_81 = vector.extract %slice3A_80[0] : i32 from vector<1xi32>
      %slice3A_82 = vector.extract_strided_slice %get3A_42 {offsets = [13], sizes = [1], strides = [1]} : vector<16xi32> to vector<1xi32>
      %squeeze3A_83 = vector.extract %slice3A_82[0] : i32 from vector<1xi32>
      %slice3A_84 = vector.extract_strided_slice %get3A_42 {offsets = [14], sizes = [1], strides = [1]} : vector<16xi32> to vector<1xi32>
      %squeeze3A_85 = vector.extract %slice3A_84[0] : i32 from vector<1xi32>
      %slice3A_86 = vector.extract_strided_slice %get3A_42 {offsets = [15], sizes = [1], strides = [1]} : vector<16xi32> to vector<1xi32>
      %squeeze3A_87 = vector.extract %slice3A_86[0] : i32 from vector<1xi32>
      %slice3A_88 = vector.extract_strided_slice %get3A_47 {offsets = [0], sizes = [1], strides = [1]} : vector<16xi32> to vector<1xi32>
      %squeeze3A_89 = vector.extract %slice3A_88[0] : i32 from vector<1xi32>
      %slice3A_90 = vector.extract_strided_slice %get3A_47 {offsets = [1], sizes = [1], strides = [1]} : vector<16xi32> to vector<1xi32>
      %squeeze3A_91 = vector.extract %slice3A_90[0] : i32 from vector<1xi32>
      %slice3A_92 = vector.extract_strided_slice %get3A_47 {offsets = [2], sizes = [1], strides = [1]} : vector<16xi32> to vector<1xi32>
      %squeeze3A_93 = vector.extract %slice3A_92[0] : i32 from vector<1xi32>
      %slice3A_94 = vector.extract_strided_slice %get3A_47 {offsets = [3], sizes = [1], strides = [1]} : vector<16xi32> to vector<1xi32>
      %squeeze3A_95 = vector.extract %slice3A_94[0] : i32 from vector<1xi32>
      %slice3A_96 = vector.extract_strided_slice %get3A_47 {offsets = [4], sizes = [1], strides = [1]} : vector<16xi32> to vector<1xi32>
      %squeeze3A_97 = vector.extract %slice3A_96[0] : i32 from vector<1xi32>
      %slice3A_98 = vector.extract_strided_slice %get3A_47 {offsets = [5], sizes = [1], strides = [1]} : vector<16xi32> to vector<1xi32>
      %squeeze3A_99 = vector.extract %slice3A_98[0] : i32 from vector<1xi32>
      %slice3A_100 = vector.extract_strided_slice %get3A_47 {offsets = [6], sizes = [1], strides = [1]} : vector<16xi32> to vector<1xi32>
      %squeeze3A_101 = vector.extract %slice3A_100[0] : i32 from vector<1xi32>
      %slice3A_102 = vector.extract_strided_slice %get3A_47 {offsets = [7], sizes = [1], strides = [1]} : vector<16xi32> to vector<1xi32>
      %squeeze3A_103 = vector.extract %slice3A_102[0] : i32 from vector<1xi32>
      %slice3A_104 = vector.extract_strided_slice %get3A_47 {offsets = [8], sizes = [1], strides = [1]} : vector<16xi32> to vector<1xi32>
      %squeeze3A_105 = vector.extract %slice3A_104[0] : i32 from vector<1xi32>
      %slice3A_106 = vector.extract_strided_slice %get3A_47 {offsets = [9], sizes = [1], strides = [1]} : vector<16xi32> to vector<1xi32>
      %squeeze3A_107 = vector.extract %slice3A_106[0] : i32 from vector<1xi32>
      %slice3A_108 = vector.extract_strided_slice %get3A_47 {offsets = [10], sizes = [1], strides = [1]} : vector<16xi32> to vector<1xi32>
      %squeeze3A_109 = vector.extract %slice3A_108[0] : i32 from vector<1xi32>
      %slice3A_110 = vector.extract_strided_slice %get3A_47 {offsets = [11], sizes = [1], strides = [1]} : vector<16xi32> to vector<1xi32>
      %squeeze3A_111 = vector.extract %slice3A_110[0] : i32 from vector<1xi32>
      %slice3A_112 = vector.extract_strided_slice %get3A_47 {offsets = [12], sizes = [1], strides = [1]} : vector<16xi32> to vector<1xi32>
      %squeeze3A_113 = vector.extract %slice3A_112[0] : i32 from vector<1xi32>
      %slice3A_114 = vector.extract_strided_slice %get3A_47 {offsets = [13], sizes = [1], strides = [1]} : vector<16xi32> to vector<1xi32>
      %squeeze3A_115 = vector.extract %slice3A_114[0] : i32 from vector<1xi32>
      %slice3A_116 = vector.extract_strided_slice %get3A_47 {offsets = [14], sizes = [1], strides = [1]} : vector<16xi32> to vector<1xi32>
      %squeeze3A_117 = vector.extract %slice3A_116[0] : i32 from vector<1xi32>
      %slice3A_118 = vector.extract_strided_slice %get3A_47 {offsets = [15], sizes = [1], strides = [1]} : vector<16xi32> to vector<1xi32>
      %squeeze3A_119 = vector.extract %slice3A_118[0] : i32 from vector<1xi32>
      %mul3A_120 = arith.constant 100000 : i32
      %mul3A_121 = arith.muli %scan3A_31, %mul3A_120 : i32
      %while3A = arith.constant 0 : i32
      %while3A_122 = arith.constant 0 : i32
      %while3A_123 = arith.subi %div3A_55, %while3A_122 : i32
      %while3A_124 = arith.addi %while3A_122, %while3A_123 : i32
      %while3A_125 = arith.constant 1 : i32
      %while3A_126 = arith.divsi %while3A_123, %while3A_125 : i32
      %while3A_127 = arith.muli %while3A_126, %while3A_125 : i32
      %while3A_128 = arith.addi %while3A_122, %while3A_127 : i32
      %while3A_129 = arith.constant 1 : i32
      scf.for %while3A_131 = %while3A_122 to %while3A_128 step %while3A_129  : i32 {
        %mul3A_132 = arith.constant 128 : i32
        %mul3A_133 = arith.muli %while3A_131, %mul3A_132 : i32
        %add3A_134 = arith.addi %multiple_of3A_51, %mul3A_133 : i32
        %multiple_of3A_135 = tpu.assume_multiple %add3A_134, 8 : i32
        "tpu.region"() ({
          %run_scoped3A = tpu.sem_alloc : memref<!tpu.dma_semaphore, #tpu.memory_space<semaphore_mem>>
          %dma_start3A_158 = tpu.memref_slice %arg2[%multiple_of3A_135] : memref<532616xi32, #tpu.memory_space<hbm>> -> memref<128xi32, #tpu.memory_space<hbm>>
          %dma_start3A_159 = tpu.memref_slice %arg2[%multiple_of3A_135] : memref<532616xi32, #tpu.memory_space<hbm>> -> memref<128xi32, #tpu.memory_space<hbm>>
          tpu.enqueue_dma source(%dma_start3A_159 : memref<128xi32, #tpu.memory_space<hbm>>) target(%arg10 : memref<128xi32, #tpu.memory_space<vmem>>) target_semaphore(%run_scoped3A : memref<!tpu.dma_semaphore, #tpu.memory_space<semaphore_mem>>)
          %dma_wait3A_160 = tpu.memref_slice %arg2[%multiple_of3A_135] : memref<532616xi32, #tpu.memory_space<hbm>> -> memref<128xi32, #tpu.memory_space<hbm>>
          %dma_wait3A_161 = tpu.memref_slice %arg2[%multiple_of3A_135] : memref<532616xi32, #tpu.memory_space<hbm>> -> memref<128xi32, #tpu.memory_space<hbm>>
          tpu.wait_dma2 semaphore(%run_scoped3A : memref<!tpu.dma_semaphore, #tpu.memory_space<semaphore_mem>>) src(%dma_wait3A_161 : memref<128xi32, #tpu.memory_space<hbm>>) dst(%arg10 : memref<128xi32, #tpu.memory_space<vmem>>)
          tpu.yield
        }) : () -> ()
        "tpu.region"() ({
          %run_scoped3A = tpu.sem_alloc : memref<!tpu.dma_semaphore, #tpu.memory_space<semaphore_mem>>
          %dma_start3A_158 = tpu.memref_slice %arg5[%multiple_of3A_135] : memref<532616xf32, #tpu.memory_space<hbm>> -> memref<128xf32, #tpu.memory_space<hbm>>
          %dma_start3A_159 = tpu.memref_slice %arg5[%multiple_of3A_135] : memref<532616xf32, #tpu.memory_space<hbm>> -> memref<128xf32, #tpu.memory_space<hbm>>
          tpu.enqueue_dma source(%dma_start3A_159 : memref<128xf32, #tpu.memory_space<hbm>>) target(%arg11 : memref<128xf32, #tpu.memory_space<vmem>>) target_semaphore(%run_scoped3A : memref<!tpu.dma_semaphore, #tpu.memory_space<semaphore_mem>>)
          %dma_wait3A_160 = tpu.memref_slice %arg5[%multiple_of3A_135] : memref<532616xf32, #tpu.memory_space<hbm>> -> memref<128xf32, #tpu.memory_space<hbm>>
          %dma_wait3A_161 = tpu.memref_slice %arg5[%multiple_of3A_135] : memref<532616xf32, #tpu.memory_space<hbm>> -> memref<128xf32, #tpu.memory_space<hbm>>
          tpu.wait_dma2 semaphore(%run_scoped3A : memref<!tpu.dma_semaphore, #tpu.memory_space<semaphore_mem>>) src(%dma_wait3A_161 : memref<128xf32, #tpu.memory_space<hbm>>) dst(%arg11 : memref<128xf32, #tpu.memory_space<vmem>>)
          tpu.yield
        }) : () -> ()
        %scan3A_136 = arith.constant 0 : i32
        %scan3A_137 = arith.constant 0 : i32
        %scan3A_138 = arith.constant 8 : i32
        %scan3A_139 = arith.addi %scan3A_137, %scan3A_138 : i32
        %scan3A_140 = arith.constant 1 : i32
        scf.for %scan3A_158 = %scan3A_137 to %scan3A_139 step %scan3A_140  : i32 {
          %mul3A_159 = arith.constant 16 : i32
          %mul3A_160 = arith.muli %scan3A_158, %mul3A_159 : i32
          %multiple_of3A_161 = tpu.assume_multiple %mul3A_160, 16 : i32
          %add3A_162 = arith.addi %multiple_of3A_135, %multiple_of3A_161 : i32
          %iota3A = tpu.iota {dimensions = array<i32: 0>} : vector<16xi32>
          %add3A_163 = vector.broadcast %add3A_162 : i32 to vector<16xi32>
          %add3A_164 = arith.addi %add3A_163, %iota3A : vector<16xi32>
          %get3A_165 = arith.index_cast %multiple_of3A_161 : i32 to index
          %get3A_166 = tpu.vector_load %arg10[%get3A_165] {strides = array<i32>} : memref<128xi32, #tpu.memory_space<vmem>>, vector<16xi32>,
          %get3A_167 = vector.shape_cast %get3A_166 : vector<16xi32> to vector<16xi32>
          %add3A_168 = vector.broadcast %mul3A_121 : i32 to vector<16xi32>
          %add3A_169 = arith.addi %get3A_167, %add3A_168 : vector<16xi32>
          %swap3A = arith.index_cast %multiple_of3A_161 : i32 to index
          %swap3A_170 = tpu.vector_load %arg12[%swap3A] {strides = array<i32>} : memref<128xi32, #tpu.memory_space<vmem>>, vector<16xi32>,
          %swap3A_171 = vector.shape_cast %swap3A_170 : vector<16xi32> to vector<16xi32>
          %swap3A_172 = vector.shape_cast %add3A_169 : vector<16xi32> to vector<16xi32>
          tpu.vector_store %arg12[%swap3A], %swap3A_172 {strides = array<i32>} : memref<128xi32, #tpu.memory_space<vmem>>, vector<16xi32>,
          %ge3A = vector.broadcast %squeeze3A : i32 to vector<16xi32>
          %ge3A_173 = arith.cmpi sge, %add3A_164, %ge3A : vector<16xi32>
          %lt3A = vector.broadcast %squeeze3A_49 : i32 to vector<16xi32>
          %lt3A_174 = arith.cmpi slt, %add3A_164, %lt3A : vector<16xi32>
          %and3A = arith.andi %ge3A_173, %lt3A_174 : vector<16xi1>
          %get3A_175 = arith.index_cast %multiple_of3A_161 : i32 to index
          %get3A_176 = tpu.vector_load %arg11[%get3A_175] {strides = array<i32>} : memref<128xf32, #tpu.memory_space<vmem>>, vector<16xf32>,
          %get3A_177 = vector.shape_cast %get3A_176 : vector<16xf32> to vector<16xf32>
          %jit3A = arith.constant 0.000000e+00 : f32
          %broadcast_in_dim3A = vector.broadcast %jit3A : f32 to vector<16xf32>
          %select_n3A = arith.select %and3A, %get3A_177, %broadcast_in_dim3A : vector<16xi1>, vector<16xf32>
          %swap3A_178 = arith.index_cast %multiple_of3A_161 : i32 to index
          %swap3A_179 = tpu.vector_load %arg11[%swap3A_178] {strides = array<i32>} : memref<128xf32, #tpu.memory_space<vmem>>, vector<16xf32>,
          %swap3A_180 = vector.shape_cast %swap3A_179 : vector<16xf32> to vector<16xf32>
          %swap3A_181 = vector.shape_cast %select_n3A : vector<16xf32> to vector<16xf32>
          tpu.vector_store %arg11[%swap3A_178], %swap3A_181 {strides = array<i32>} : memref<128xf32, #tpu.memory_space<vmem>>, vector<16xf32>,
          %broadcast_in_dim3A_182 = arith.constant 0 : i32
          %broadcast_in_dim3A_183 = vector.broadcast %broadcast_in_dim3A_182 : i32 to vector<16xi32>
          %broadcast_in_dim3A_184 = arith.constant 1 : i32
          %broadcast_in_dim3A_185 = vector.broadcast %broadcast_in_dim3A_184 : i32 to vector<16xi32>
          %broadcast_in_dim3A_186 = arith.constant 0 : i32
          %broadcast_in_dim3A_187 = vector.broadcast %broadcast_in_dim3A_186 : i32 to vector<16xi32>
          %ge3A_188 = vector.broadcast %squeeze3A_57 : i32 to vector<16xi32>
          %ge3A_189 = arith.cmpi sge, %add3A_164, %ge3A_188 : vector<16xi32>
          %select_n3A_190 = arith.select %ge3A_189, %broadcast_in_dim3A_185, %broadcast_in_dim3A_187 : vector<16xi1>, vector<16xi32>
          %add3A_191 = arith.addi %broadcast_in_dim3A_183, %select_n3A_190 : vector<16xi32>
          %ge3A_192 = vector.broadcast %squeeze3A_59 : i32 to vector<16xi32>
          %ge3A_193 = arith.cmpi sge, %add3A_164, %ge3A_192 : vector<16xi32>
          %select_n3A_194 = arith.select %ge3A_193, %broadcast_in_dim3A_185, %broadcast_in_dim3A_187 : vector<16xi1>, vector<16xi32>
          %add3A_195 = arith.addi %add3A_191, %select_n3A_194 : vector<16xi32>
          %ge3A_196 = vector.broadcast %squeeze3A_61 : i32 to vector<16xi32>
          %ge3A_197 = arith.cmpi sge, %add3A_164, %ge3A_196 : vector<16xi32>
          %select_n3A_198 = arith.select %ge3A_197, %broadcast_in_dim3A_185, %broadcast_in_dim3A_187 : vector<16xi1>, vector<16xi32>
          %add3A_199 = arith.addi %add3A_195, %select_n3A_198 : vector<16xi32>
          %ge3A_200 = vector.broadcast %squeeze3A_63 : i32 to vector<16xi32>
          %ge3A_201 = arith.cmpi sge, %add3A_164, %ge3A_200 : vector<16xi32>
          %select_n3A_202 = arith.select %ge3A_201, %broadcast_in_dim3A_185, %broadcast_in_dim3A_187 : vector<16xi1>, vector<16xi32>
          %add3A_203 = arith.addi %add3A_199, %select_n3A_202 : vector<16xi32>
          %ge3A_204 = vector.broadcast %squeeze3A_65 : i32 to vector<16xi32>
          %ge3A_205 = arith.cmpi sge, %add3A_164, %ge3A_204 : vector<16xi32>
          %select_n3A_206 = arith.select %ge3A_205, %broadcast_in_dim3A_185, %broadcast_in_dim3A_187 : vector<16xi1>, vector<16xi32>
          %add3A_207 = arith.addi %add3A_203, %select_n3A_206 : vector<16xi32>
          %ge3A_208 = vector.broadcast %squeeze3A_67 : i32 to vector<16xi32>
          %ge3A_209 = arith.cmpi sge, %add3A_164, %ge3A_208 : vector<16xi32>
          %select_n3A_210 = arith.select %ge3A_209, %broadcast_in_dim3A_185, %broadcast_in_dim3A_187 : vector<16xi1>, vector<16xi32>
          %add3A_211 = arith.addi %add3A_207, %select_n3A_210 : vector<16xi32>
          %ge3A_212 = vector.broadcast %squeeze3A_69 : i32 to vector<16xi32>
          %ge3A_213 = arith.cmpi sge, %add3A_164, %ge3A_212 : vector<16xi32>
          %select_n3A_214 = arith.select %ge3A_213, %broadcast_in_dim3A_185, %broadcast_in_dim3A_187 : vector<16xi1>, vector<16xi32>
          %add3A_215 = arith.addi %add3A_211, %select_n3A_214 : vector<16xi32>
          %ge3A_216 = vector.broadcast %squeeze3A_71 : i32 to vector<16xi32>
          %ge3A_217 = arith.cmpi sge, %add3A_164, %ge3A_216 : vector<16xi32>
          %select_n3A_218 = arith.select %ge3A_217, %broadcast_in_dim3A_185, %broadcast_in_dim3A_187 : vector<16xi1>, vector<16xi32>
          %add3A_219 = arith.addi %add3A_215, %select_n3A_218 : vector<16xi32>
          %ge3A_220 = vector.broadcast %squeeze3A_73 : i32 to vector<16xi32>
          %ge3A_221 = arith.cmpi sge, %add3A_164, %ge3A_220 : vector<16xi32>
          %select_n3A_222 = arith.select %ge3A_221, %broadcast_in_dim3A_185, %broadcast_in_dim3A_187 : vector<16xi1>, vector<16xi32>
          %add3A_223 = arith.addi %add3A_219, %select_n3A_222 : vector<16xi32>
          %ge3A_224 = vector.broadcast %squeeze3A_75 : i32 to vector<16xi32>
          %ge3A_225 = arith.cmpi sge, %add3A_164, %ge3A_224 : vector<16xi32>
          %select_n3A_226 = arith.select %ge3A_225, %broadcast_in_dim3A_185, %broadcast_in_dim3A_187 : vector<16xi1>, vector<16xi32>
          %add3A_227 = arith.addi %add3A_223, %select_n3A_226 : vector<16xi32>
          %ge3A_228 = vector.broadcast %squeeze3A_77 : i32 to vector<16xi32>
          %ge3A_229 = arith.cmpi sge, %add3A_164, %ge3A_228 : vector<16xi32>
          %select_n3A_230 = arith.select %ge3A_229, %broadcast_in_dim3A_185, %broadcast_in_dim3A_187 : vector<16xi1>, vector<16xi32>
          %add3A_231 = arith.addi %add3A_227, %select_n3A_230 : vector<16xi32>
          %ge3A_232 = vector.broadcast %squeeze3A_79 : i32 to vector<16xi32>
          %ge3A_233 = arith.cmpi sge, %add3A_164, %ge3A_232 : vector<16xi32>
          %select_n3A_234 = arith.select %ge3A_233, %broadcast_in_dim3A_185, %broadcast_in_dim3A_187 : vector<16xi1>, vector<16xi32>
          %add3A_235 = arith.addi %add3A_231, %select_n3A_234 : vector<16xi32>
          %ge3A_236 = vector.broadcast %squeeze3A_81 : i32 to vector<16xi32>
          %ge3A_237 = arith.cmpi sge, %add3A_164, %ge3A_236 : vector<16xi32>
          %select_n3A_238 = arith.select %ge3A_237, %broadcast_in_dim3A_185, %broadcast_in_dim3A_187 : vector<16xi1>, vector<16xi32>
          %add3A_239 = arith.addi %add3A_235, %select_n3A_238 : vector<16xi32>
          %ge3A_240 = vector.broadcast %squeeze3A_83 : i32 to vector<16xi32>
          %ge3A_241 = arith.cmpi sge, %add3A_164, %ge3A_240 : vector<16xi32>
          %select_n3A_242 = arith.select %ge3A_241, %broadcast_in_dim3A_185, %broadcast_in_dim3A_187 : vector<16xi1>, vector<16xi32>
          %add3A_243 = arith.addi %add3A_239, %select_n3A_242 : vector<16xi32>
          %ge3A_244 = vector.broadcast %squeeze3A_85 : i32 to vector<16xi32>
          %ge3A_245 = arith.cmpi sge, %add3A_164, %ge3A_244 : vector<16xi32>
          %select_n3A_246 = arith.select %ge3A_245, %broadcast_in_dim3A_185, %broadcast_in_dim3A_187 : vector<16xi1>, vector<16xi32>
          %add3A_247 = arith.addi %add3A_243, %select_n3A_246 : vector<16xi32>
          %ge3A_248 = vector.broadcast %squeeze3A_87 : i32 to vector<16xi32>
          %ge3A_249 = arith.cmpi sge, %add3A_164, %ge3A_248 : vector<16xi32>
          %select_n3A_250 = arith.select %ge3A_249, %broadcast_in_dim3A_185, %broadcast_in_dim3A_187 : vector<16xi1>, vector<16xi32>
          %add3A_251 = arith.addi %add3A_247, %select_n3A_250 : vector<16xi32>
          %ge3A_252 = vector.broadcast %squeeze3A_89 : i32 to vector<16xi32>
          %ge3A_253 = arith.cmpi sge, %add3A_164, %ge3A_252 : vector<16xi32>
          %select_n3A_254 = arith.select %ge3A_253, %broadcast_in_dim3A_185, %broadcast_in_dim3A_187 : vector<16xi1>, vector<16xi32>
          %add3A_255 = arith.addi %add3A_251, %select_n3A_254 : vector<16xi32>
          %ge3A_256 = vector.broadcast %squeeze3A_91 : i32 to vector<16xi32>
          %ge3A_257 = arith.cmpi sge, %add3A_164, %ge3A_256 : vector<16xi32>
          %select_n3A_258 = arith.select %ge3A_257, %broadcast_in_dim3A_185, %broadcast_in_dim3A_187 : vector<16xi1>, vector<16xi32>
          %add3A_259 = arith.addi %add3A_255, %select_n3A_258 : vector<16xi32>
          %ge3A_260 = vector.broadcast %squeeze3A_93 : i32 to vector<16xi32>
          %ge3A_261 = arith.cmpi sge, %add3A_164, %ge3A_260 : vector<16xi32>
          %select_n3A_262 = arith.select %ge3A_261, %broadcast_in_dim3A_185, %broadcast_in_dim3A_187 : vector<16xi1>, vector<16xi32>
          %add3A_263 = arith.addi %add3A_259, %select_n3A_262 : vector<16xi32>
          %ge3A_264 = vector.broadcast %squeeze3A_95 : i32 to vector<16xi32>
          %ge3A_265 = arith.cmpi sge, %add3A_164, %ge3A_264 : vector<16xi32>
          %select_n3A_266 = arith.select %ge3A_265, %broadcast_in_dim3A_185, %broadcast_in_dim3A_187 : vector<16xi1>, vector<16xi32>
          %add3A_267 = arith.addi %add3A_263, %select_n3A_266 : vector<16xi32>
          %ge3A_268 = vector.broadcast %squeeze3A_97 : i32 to vector<16xi32>
          %ge3A_269 = arith.cmpi sge, %add3A_164, %ge3A_268 : vector<16xi32>
          %select_n3A_270 = arith.select %ge3A_269, %broadcast_in_dim3A_185, %broadcast_in_dim3A_187 : vector<16xi1>, vector<16xi32>
          %add3A_271 = arith.addi %add3A_267, %select_n3A_270 : vector<16xi32>
          %ge3A_272 = vector.broadcast %squeeze3A_99 : i32 to vector<16xi32>
          %ge3A_273 = arith.cmpi sge, %add3A_164, %ge3A_272 : vector<16xi32>
          %select_n3A_274 = arith.select %ge3A_273, %broadcast_in_dim3A_185, %broadcast_in_dim3A_187 : vector<16xi1>, vector<16xi32>
          %add3A_275 = arith.addi %add3A_271, %select_n3A_274 : vector<16xi32>
          %ge3A_276 = vector.broadcast %squeeze3A_101 : i32 to vector<16xi32>
          %ge3A_277 = arith.cmpi sge, %add3A_164, %ge3A_276 : vector<16xi32>
          %select_n3A_278 = arith.select %ge3A_277, %broadcast_in_dim3A_185, %broadcast_in_dim3A_187 : vector<16xi1>, vector<16xi32>
          %add3A_279 = arith.addi %add3A_275, %select_n3A_278 : vector<16xi32>
          %ge3A_280 = vector.broadcast %squeeze3A_103 : i32 to vector<16xi32>
          %ge3A_281 = arith.cmpi sge, %add3A_164, %ge3A_280 : vector<16xi32>
          %select_n3A_282 = arith.select %ge3A_281, %broadcast_in_dim3A_185, %broadcast_in_dim3A_187 : vector<16xi1>, vector<16xi32>
          %add3A_283 = arith.addi %add3A_279, %select_n3A_282 : vector<16xi32>
          %ge3A_284 = vector.broadcast %squeeze3A_105 : i32 to vector<16xi32>
          %ge3A_285 = arith.cmpi sge, %add3A_164, %ge3A_284 : vector<16xi32>
          %select_n3A_286 = arith.select %ge3A_285, %broadcast_in_dim3A_185, %broadcast_in_dim3A_187 : vector<16xi1>, vector<16xi32>
          %add3A_287 = arith.addi %add3A_283, %select_n3A_286 : vector<16xi32>
          %ge3A_288 = vector.broadcast %squeeze3A_107 : i32 to vector<16xi32>
          %ge3A_289 = arith.cmpi sge, %add3A_164, %ge3A_288 : vector<16xi32>
          %select_n3A_290 = arith.select %ge3A_289, %broadcast_in_dim3A_185, %broadcast_in_dim3A_187 : vector<16xi1>, vector<16xi32>
          %add3A_291 = arith.addi %add3A_287, %select_n3A_290 : vector<16xi32>
          %ge3A_292 = vector.broadcast %squeeze3A_109 : i32 to vector<16xi32>
          %ge3A_293 = arith.cmpi sge, %add3A_164, %ge3A_292 : vector<16xi32>
          %select_n3A_294 = arith.select %ge3A_293, %broadcast_in_dim3A_185, %broadcast_in_dim3A_187 : vector<16xi1>, vector<16xi32>
          %add3A_295 = arith.addi %add3A_291, %select_n3A_294 : vector<16xi32>
          %ge3A_296 = vector.broadcast %squeeze3A_111 : i32 to vector<16xi32>
          %ge3A_297 = arith.cmpi sge, %add3A_164, %ge3A_296 : vector<16xi32>
          %select_n3A_298 = arith.select %ge3A_297, %broadcast_in_dim3A_185, %broadcast_in_dim3A_187 : vector<16xi1>, vector<16xi32>
          %add3A_299 = arith.addi %add3A_295, %select_n3A_298 : vector<16xi32>
          %ge3A_300 = vector.broadcast %squeeze3A_113 : i32 to vector<16xi32>
          %ge3A_301 = arith.cmpi sge, %add3A_164, %ge3A_300 : vector<16xi32>
          %select_n3A_302 = arith.select %ge3A_301, %broadcast_in_dim3A_185, %broadcast_in_dim3A_187 : vector<16xi1>, vector<16xi32>
          %add3A_303 = arith.addi %add3A_299, %select_n3A_302 : vector<16xi32>
          %ge3A_304 = vector.broadcast %squeeze3A_115 : i32 to vector<16xi32>
          %ge3A_305 = arith.cmpi sge, %add3A_164, %ge3A_304 : vector<16xi32>
          %select_n3A_306 = arith.select %ge3A_305, %broadcast_in_dim3A_185, %broadcast_in_dim3A_187 : vector<16xi1>, vector<16xi32>
          %add3A_307 = arith.addi %add3A_303, %select_n3A_306 : vector<16xi32>
          %ge3A_308 = vector.broadcast %squeeze3A_117 : i32 to vector<16xi32>
          %ge3A_309 = arith.cmpi sge, %add3A_164, %ge3A_308 : vector<16xi32>
          %select_n3A_310 = arith.select %ge3A_309, %broadcast_in_dim3A_185, %broadcast_in_dim3A_187 : vector<16xi1>, vector<16xi32>
          %add3A_311 = arith.addi %add3A_307, %select_n3A_310 : vector<16xi32>
          %ge3A_312 = vector.broadcast %squeeze3A_119 : i32 to vector<16xi32>
          %ge3A_313 = arith.cmpi sge, %add3A_164, %ge3A_312 : vector<16xi32>
          %select_n3A_314 = arith.select %ge3A_313, %broadcast_in_dim3A_185, %broadcast_in_dim3A_187 : vector<16xi1>, vector<16xi32>
          %add3A_315 = arith.addi %add3A_311, %select_n3A_314 : vector<16xi32>
          %min3A = arith.constant 31 : i32
          %min3A_316 = vector.broadcast %min3A : i32 to vector<16xi32>
          %min3A_317 = arith.minsi %add3A_315, %min3A_316 : vector<16xi32>
          %mul3A_318 = arith.constant 26 : i32
          %mul3A_319 = vector.broadcast %mul3A_318 : i32 to vector<16xi32>
          %mul3A_320 = arith.muli %min3A_317, %mul3A_319 : vector<16xi32>
          %add3A_321 = vector.broadcast %multiple_of3A : i32 to vector<16xi32>
          %add3A_322 = arith.addi %add3A_321, %mul3A_320 : vector<16xi32>
          %add3A_323 = vector.broadcast %scan3A_31 : i32 to vector<16xi32>
          %add3A_324 = arith.addi %add3A_322, %add3A_323 : vector<16xi32>
          %swap3A_325 = arith.index_cast %multiple_of3A_161 : i32 to index
          %swap3A_326 = tpu.vector_load %arg13[%swap3A_325] {strides = array<i32>} : memref<128xi32, #tpu.memory_space<vmem>>, vector<16xi32>,
          %swap3A_327 = vector.shape_cast %swap3A_326 : vector<16xi32> to vector<16xi32>
          %swap3A_328 = vector.shape_cast %add3A_324 : vector<16xi32> to vector<16xi32>
          tpu.vector_store %arg13[%swap3A_325], %swap3A_328 {strides = array<i32>} : memref<128xi32, #tpu.memory_space<vmem>>, vector<16xi32>,
        }
        %scan3A_141 = arith.constant 8 : i32
        %dma_start3A = arith.constant 0 : i32
        %dma_start3A_142 = arith.constant 0 : i32
        %dma_start3A_143 = tpu.memref_slice %arg6[%dma_start3A, %dma_start3A_142] : memref<2600000x64xf32, #tpu.memory_space<hbm>> -> memref<2600000x64xf32, #tpu.memory_space<hbm>>
        tpu.enqueue_indirect_dma source(%dma_start3A_143 : memref<2600000x64xf32, #tpu.memory_space<hbm>>) target(%arg14 : memref<128x64xf32, #tpu.memory_space<vmem>>) offsets(%arg12 : memref<128xi32, #tpu.memory_space<vmem>>) semaphore(%arg16 : memref<!tpu.dma_semaphore, #tpu.memory_space<semaphore_mem>>)
        %dma_wait3A = arith.constant 0 : i32
        %dma_wait3A_144 = arith.constant 0 : i32
        %dma_wait3A_145 = tpu.memref_slice %arg6[%dma_wait3A, %dma_wait3A_144] : memref<2600000x64xf32, #tpu.memory_space<hbm>> -> memref<2600000x64xf32, #tpu.memory_space<hbm>>
        tpu.wait_indirect_dma semaphore(%arg16 : memref<!tpu.dma_semaphore, #tpu.memory_space<semaphore_mem>>) src(%dma_wait3A_145 : memref<2600000x64xf32, #tpu.memory_space<hbm>>) dst(%arg14 : memref<128x64xf32, #tpu.memory_space<vmem>>)
        %scan3A_146 = arith.constant 0 : i32
        %scan3A_147 = arith.constant 0 : i32
        %scan3A_148 = arith.constant 8 : i32
        %scan3A_149 = arith.addi %scan3A_147, %scan3A_148 : i32
        %scan3A_150 = arith.constant 1 : i32
        scf.for %scan3A_158 = %scan3A_147 to %scan3A_149 step %scan3A_150  : i32 {
          %mul3A_159 = arith.constant 16 : i32
          %mul3A_160 = arith.muli %scan3A_158, %mul3A_159 : i32
          %multiple_of3A_161 = tpu.assume_multiple %mul3A_160, 16 : i32
          %get3A_162 = arith.index_cast %multiple_of3A_161 : i32 to index
          %get3A_163 = tpu.vector_load %arg11[%get3A_162] {strides = array<i32>} : memref<128xf32, #tpu.memory_space<vmem>>, vector<16xf32>,
          %get3A_164 = vector.shape_cast %get3A_163 : vector<16xf32> to vector<16xf32>
          %slice3A_165 = vector.extract_strided_slice %get3A_164 {offsets = [0], sizes = [1], strides = [1]} : vector<16xf32> to vector<1xf32>
          %squeeze3A_166 = vector.extract %slice3A_165[0] : f32 from vector<1xf32>
          %add3A_167 = arith.constant 0 : i32
          %add3A_168 = arith.addi %multiple_of3A_161, %add3A_167 : i32
          %get3A_169 = arith.index_cast %add3A_168 : i32 to index
          %get3A_170 = arith.constant 0 : index
          %get3A_171 = tpu.vector_load %arg14[%get3A_169, %get3A_170] {strides = array<i32>} : memref<128x64xf32, #tpu.memory_space<vmem>>, vector<1x16xf32>,
          %get3A_172 = vector.shape_cast %get3A_171 : vector<1x16xf32> to vector<16xf32>
          %mul3A_173 = vector.broadcast %squeeze3A_166 : f32 to vector<16xf32>
          %mul3A_174 = arith.mulf %get3A_172, %mul3A_173 : vector<16xf32>
          %add3A_175 = arith.constant 0 : i32
          %add3A_176 = arith.addi %multiple_of3A_161, %add3A_175 : i32
          %swap3A = arith.index_cast %add3A_176 : i32 to index
          %swap3A_177 = arith.constant 0 : index
          %swap3A_178 = tpu.vector_load %arg14[%swap3A, %swap3A_177] {strides = array<i32>} : memref<128x64xf32, #tpu.memory_space<vmem>>, vector<1x16xf32>,
          %swap3A_179 = vector.shape_cast %swap3A_178 : vector<1x16xf32> to vector<16xf32>
          %swap3A_180 = vector.shape_cast %mul3A_174 : vector<16xf32> to vector<1x16xf32>
          tpu.vector_store %arg14[%swap3A, %swap3A_177], %swap3A_180 {strides = array<i32>} : memref<128x64xf32, #tpu.memory_space<vmem>>, vector<1x16xf32>,
          %add3A_181 = arith.constant 0 : i32
          %add3A_182 = arith.addi %multiple_of3A_161, %add3A_181 : i32
          %get3A_183 = arith.index_cast %add3A_182 : i32 to index
          %get3A_184 = arith.constant 16 : index
          %get3A_185 = tpu.vector_load %arg14[%get3A_183, %get3A_184] {strides = array<i32>} : memref<128x64xf32, #tpu.memory_space<vmem>>, vector<1x16xf32>,
          %get3A_186 = vector.shape_cast %get3A_185 : vector<1x16xf32> to vector<16xf32>
          %mul3A_187 = vector.broadcast %squeeze3A_166 : f32 to vector<16xf32>
          %mul3A_188 = arith.mulf %get3A_186, %mul3A_187 : vector<16xf32>
          %add3A_189 = arith.constant 0 : i32
          %add3A_190 = arith.addi %multiple_of3A_161, %add3A_189 : i32
          %swap3A_191 = arith.index_cast %add3A_190 : i32 to index
          %swap3A_192 = arith.constant 16 : index
          %swap3A_193 = tpu.vector_load %arg14[%swap3A_191, %swap3A_192] {strides = array<i32>} : memref<128x64xf32, #tpu.memory_space<vmem>>, vector<1x16xf32>,
          %swap3A_194 = vector.shape_cast %swap3A_193 : vector<1x16xf32> to vector<16xf32>
          %swap3A_195 = vector.shape_cast %mul3A_188 : vector<16xf32> to vector<1x16xf32>
          tpu.vector_store %arg14[%swap3A_191, %swap3A_192], %swap3A_195 {strides = array<i32>} : memref<128x64xf32, #tpu.memory_space<vmem>>, vector<1x16xf32>,
          %add3A_196 = arith.constant 0 : i32
          %add3A_197 = arith.addi %multiple_of3A_161, %add3A_196 : i32
          %get3A_198 = arith.index_cast %add3A_197 : i32 to index
          %get3A_199 = arith.constant 32 : index
          %get3A_200 = tpu.vector_load %arg14[%get3A_198, %get3A_199] {strides = array<i32>} : memref<128x64xf32, #tpu.memory_space<vmem>>, vector<1x16xf32>,
          %get3A_201 = vector.shape_cast %get3A_200 : vector<1x16xf32> to vector<16xf32>
          %mul3A_202 = vector.broadcast %squeeze3A_166 : f32 to vector<16xf32>
          %mul3A_203 = arith.mulf %get3A_201, %mul3A_202 : vector<16xf32>
          %add3A_204 = arith.constant 0 : i32
          %add3A_205 = arith.addi %multiple_of3A_161, %add3A_204 : i32
          %swap3A_206 = arith.index_cast %add3A_205 : i32 to index
          %swap3A_207 = arith.constant 32 : index
          %swap3A_208 = tpu.vector_load %arg14[%swap3A_206, %swap3A_207] {strides = array<i32>} : memref<128x64xf32, #tpu.memory_space<vmem>>, vector<1x16xf32>,
          %swap3A_209 = vector.shape_cast %swap3A_208 : vector<1x16xf32> to vector<16xf32>
          %swap3A_210 = vector.shape_cast %mul3A_203 : vector<16xf32> to vector<1x16xf32>
          tpu.vector_store %arg14[%swap3A_206, %swap3A_207], %swap3A_210 {strides = array<i32>} : memref<128x64xf32, #tpu.memory_space<vmem>>, vector<1x16xf32>,
          %add3A_211 = arith.constant 0 : i32
          %add3A_212 = arith.addi %multiple_of3A_161, %add3A_211 : i32
          %get3A_213 = arith.index_cast %add3A_212 : i32 to index
          %get3A_214 = arith.constant 48 : index
          %get3A_215 = tpu.vector_load %arg14[%get3A_213, %get3A_214] {strides = array<i32>} : memref<128x64xf32, #tpu.memory_space<vmem>>, vector<1x16xf32>,
          %get3A_216 = vector.shape_cast %get3A_215 : vector<1x16xf32> to vector<16xf32>
          %mul3A_217 = vector.broadcast %squeeze3A_166 : f32 to vector<16xf32>
          %mul3A_218 = arith.mulf %get3A_216, %mul3A_217 : vector<16xf32>
          %add3A_219 = arith.constant 0 : i32
          %add3A_220 = arith.addi %multiple_of3A_161, %add3A_219 : i32
          %swap3A_221 = arith.index_cast %add3A_220 : i32 to index
          %swap3A_222 = arith.constant 48 : index
          %swap3A_223 = tpu.vector_load %arg14[%swap3A_221, %swap3A_222] {strides = array<i32>} : memref<128x64xf32, #tpu.memory_space<vmem>>, vector<1x16xf32>,
          %swap3A_224 = vector.shape_cast %swap3A_223 : vector<1x16xf32> to vector<16xf32>
          %swap3A_225 = vector.shape_cast %mul3A_218 : vector<16xf32> to vector<1x16xf32>
          tpu.vector_store %arg14[%swap3A_221, %swap3A_222], %swap3A_225 {strides = array<i32>} : memref<128x64xf32, #tpu.memory_space<vmem>>, vector<1x16xf32>,
          %slice3A_226 = vector.extract_strided_slice %get3A_164 {offsets = [1], sizes = [1], strides = [1]} : vector<16xf32> to vector<1xf32>
          %squeeze3A_227 = vector.extract %slice3A_226[0] : f32 from vector<1xf32>
          %add3A_228 = arith.constant 1 : i32
          %add3A_229 = arith.addi %multiple_of3A_161, %add3A_228 : i32
          %get3A_230 = arith.index_cast %add3A_229 : i32 to index
          %get3A_231 = arith.constant 0 : index
          %get3A_232 = tpu.vector_load %arg14[%get3A_230, %get3A_231] {strides = array<i32>} : memref<128x64xf32, #tpu.memory_space<vmem>>, vector<1x16xf32>,
          %get3A_233 = vector.shape_cast %get3A_232 : vector<1x16xf32> to vector<16xf32>
          %mul3A_234 = vector.broadcast %squeeze3A_227 : f32 to vector<16xf32>
          %mul3A_235 = arith.mulf %get3A_233, %mul3A_234 : vector<16xf32>
          %add3A_236 = arith.constant 1 : i32
          %add3A_237 = arith.addi %multiple_of3A_161, %add3A_236 : i32
          %swap3A_238 = arith.index_cast %add3A_237 : i32 to index
          %swap3A_239 = arith.constant 0 : index
          %swap3A_240 = tpu.vector_load %arg14[%swap3A_238, %swap3A_239] {strides = array<i32>} : memref<128x64xf32, #tpu.memory_space<vmem>>, vector<1x16xf32>,
          %swap3A_241 = vector.shape_cast %swap3A_240 : vector<1x16xf32> to vector<16xf32>
          %swap3A_242 = vector.shape_cast %mul3A_235 : vector<16xf32> to vector<1x16xf32>
          tpu.vector_store %arg14[%swap3A_238, %swap3A_239], %swap3A_242 {strides = array<i32>} : memref<128x64xf32, #tpu.memory_space<vmem>>, vector<1x16xf32>,
          %add3A_243 = arith.constant 1 : i32
          %add3A_244 = arith.addi %multiple_of3A_161, %add3A_243 : i32
          %get3A_245 = arith.index_cast %add3A_244 : i32 to index
          %get3A_246 = arith.constant 16 : index
          %get3A_247 = tpu.vector_load %arg14[%get3A_245, %get3A_246] {strides = array<i32>} : memref<128x64xf32, #tpu.memory_space<vmem>>, vector<1x16xf32>,
          %get3A_248 = vector.shape_cast %get3A_247 : vector<1x16xf32> to vector<16xf32>
          %mul3A_249 = vector.broadcast %squeeze3A_227 : f32 to vector<16xf32>
          %mul3A_250 = arith.mulf %get3A_248, %mul3A_249 : vector<16xf32>
          %add3A_251 = arith.constant 1 : i32
          %add3A_252 = arith.addi %multiple_of3A_161, %add3A_251 : i32
          %swap3A_253 = arith.index_cast %add3A_252 : i32 to index
          %swap3A_254 = arith.constant 16 : index
          %swap3A_255 = tpu.vector_load %arg14[%swap3A_253, %swap3A_254] {strides = array<i32>} : memref<128x64xf32, #tpu.memory_space<vmem>>, vector<1x16xf32>,
          %swap3A_256 = vector.shape_cast %swap3A_255 : vector<1x16xf32> to vector<16xf32>
          %swap3A_257 = vector.shape_cast %mul3A_250 : vector<16xf32> to vector<1x16xf32>
          tpu.vector_store %arg14[%swap3A_253, %swap3A_254], %swap3A_257 {strides = array<i32>} : memref<128x64xf32, #tpu.memory_space<vmem>>, vector<1x16xf32>,
          %add3A_258 = arith.constant 1 : i32
          %add3A_259 = arith.addi %multiple_of3A_161, %add3A_258 : i32
          %get3A_260 = arith.index_cast %add3A_259 : i32 to index
          %get3A_261 = arith.constant 32 : index
          %get3A_262 = tpu.vector_load %arg14[%get3A_260, %get3A_261] {strides = array<i32>} : memref<128x64xf32, #tpu.memory_space<vmem>>, vector<1x16xf32>,
          %get3A_263 = vector.shape_cast %get3A_262 : vector<1x16xf32> to vector<16xf32>
          %mul3A_264 = vector.broadcast %squeeze3A_227 : f32 to vector<16xf32>
          %mul3A_265 = arith.mulf %get3A_263, %mul3A_264 : vector<16xf32>
          %add3A_266 = arith.constant 1 : i32
          %add3A_267 = arith.addi %multiple_of3A_161, %add3A_266 : i32
          %swap3A_268 = arith.index_cast %add3A_267 : i32 to index
          %swap3A_269 = arith.constant 32 : index
          %swap3A_270 = tpu.vector_load %arg14[%swap3A_268, %swap3A_269] {strides = array<i32>} : memref<128x64xf32, #tpu.memory_space<vmem>>, vector<1x16xf32>,
          %swap3A_271 = vector.shape_cast %swap3A_270 : vector<1x16xf32> to vector<16xf32>
          %swap3A_272 = vector.shape_cast %mul3A_265 : vector<16xf32> to vector<1x16xf32>
          tpu.vector_store %arg14[%swap3A_268, %swap3A_269], %swap3A_272 {strides = array<i32>} : memref<128x64xf32, #tpu.memory_space<vmem>>, vector<1x16xf32>,
          %add3A_273 = arith.constant 1 : i32
          %add3A_274 = arith.addi %multiple_of3A_161, %add3A_273 : i32
          %get3A_275 = arith.index_cast %add3A_274 : i32 to index
          %get3A_276 = arith.constant 48 : index
          %get3A_277 = tpu.vector_load %arg14[%get3A_275, %get3A_276] {strides = array<i32>} : memref<128x64xf32, #tpu.memory_space<vmem>>, vector<1x16xf32>,
          %get3A_278 = vector.shape_cast %get3A_277 : vector<1x16xf32> to vector<16xf32>
          %mul3A_279 = vector.broadcast %squeeze3A_227 : f32 to vector<16xf32>
          %mul3A_280 = arith.mulf %get3A_278, %mul3A_279 : vector<16xf32>
          %add3A_281 = arith.constant 1 : i32
          %add3A_282 = arith.addi %multiple_of3A_161, %add3A_281 : i32
          %swap3A_283 = arith.index_cast %add3A_282 : i32 to index
          %swap3A_284 = arith.constant 48 : index
          %swap3A_285 = tpu.vector_load %arg14[%swap3A_283, %swap3A_284] {strides = array<i32>} : memref<128x64xf32, #tpu.memory_space<vmem>>, vector<1x16xf32>,
          %swap3A_286 = vector.shape_cast %swap3A_285 : vector<1x16xf32> to vector<16xf32>
          %swap3A_287 = vector.shape_cast %mul3A_280 : vector<16xf32> to vector<1x16xf32>
          tpu.vector_store %arg14[%swap3A_283, %swap3A_284], %swap3A_287 {strides = array<i32>} : memref<128x64xf32, #tpu.memory_space<vmem>>, vector<1x16xf32>,
          %slice3A_288 = vector.extract_strided_slice %get3A_164 {offsets = [2], sizes = [1], strides = [1]} : vector<16xf32> to vector<1xf32>
          %squeeze3A_289 = vector.extract %slice3A_288[0] : f32 from vector<1xf32>
          %add3A_290 = arith.constant 2 : i32
          %add3A_291 = arith.addi %multiple_of3A_161, %add3A_290 : i32
          %get3A_292 = arith.index_cast %add3A_291 : i32 to index
          %get3A_293 = arith.constant 0 : index
          %get3A_294 = tpu.vector_load %arg14[%get3A_292, %get3A_293] {strides = array<i32>} : memref<128x64xf32, #tpu.memory_space<vmem>>, vector<1x16xf32>,
          %get3A_295 = vector.shape_cast %get3A_294 : vector<1x16xf32> to vector<16xf32>
          %mul3A_296 = vector.broadcast %squeeze3A_289 : f32 to vector<16xf32>
          %mul3A_297 = arith.mulf %get3A_295, %mul3A_296 : vector<16xf32>
          %add3A_298 = arith.constant 2 : i32
          %add3A_299 = arith.addi %multiple_of3A_161, %add3A_298 : i32
          %swap3A_300 = arith.index_cast %add3A_299 : i32 to index
          %swap3A_301 = arith.constant 0 : index
          %swap3A_302 = tpu.vector_load %arg14[%swap3A_300, %swap3A_301] {strides = array<i32>} : memref<128x64xf32, #tpu.memory_space<vmem>>, vector<1x16xf32>,
          %swap3A_303 = vector.shape_cast %swap3A_302 : vector<1x16xf32> to vector<16xf32>
          %swap3A_304 = vector.shape_cast %mul3A_297 : vector<16xf32> to vector<1x16xf32>
          tpu.vector_store %arg14[%swap3A_300, %swap3A_301], %swap3A_304 {strides = array<i32>} : memref<128x64xf32, #tpu.memory_space<vmem>>, vector<1x16xf32>,
          %add3A_305 = arith.constant 2 : i32
          %add3A_306 = arith.addi %multiple_of3A_161, %add3A_305 : i32
          %get3A_307 = arith.index_cast %add3A_306 : i32 to index
          %get3A_308 = arith.constant 16 : index
          %get3A_309 = tpu.vector_load %arg14[%get3A_307, %get3A_308] {strides = array<i32>} : memref<128x64xf32, #tpu.memory_space<vmem>>, vector<1x16xf32>,
          %get3A_310 = vector.shape_cast %get3A_309 : vector<1x16xf32> to vector<16xf32>
          %mul3A_311 = vector.broadcast %squeeze3A_289 : f32 to vector<16xf32>
          %mul3A_312 = arith.mulf %get3A_310, %mul3A_311 : vector<16xf32>
          %add3A_313 = arith.constant 2 : i32
          %add3A_314 = arith.addi %multiple_of3A_161, %add3A_313 : i32
          %swap3A_315 = arith.index_cast %add3A_314 : i32 to index
          %swap3A_316 = arith.constant 16 : index
          %swap3A_317 = tpu.vector_load %arg14[%swap3A_315, %swap3A_316] {strides = array<i32>} : memref<128x64xf32, #tpu.memory_space<vmem>>, vector<1x16xf32>,
          %swap3A_318 = vector.shape_cast %swap3A_317 : vector<1x16xf32> to vector<16xf32>
          %swap3A_319 = vector.shape_cast %mul3A_312 : vector<16xf32> to vector<1x16xf32>
          tpu.vector_store %arg14[%swap3A_315, %swap3A_316], %swap3A_319 {strides = array<i32>} : memref<128x64xf32, #tpu.memory_space<vmem>>, vector<1x16xf32>,
          %add3A_320 = arith.constant 2 : i32
          %add3A_321 = arith.addi %multiple_of3A_161, %add3A_320 : i32
          %get3A_322 = arith.index_cast %add3A_321 : i32 to index
          %get3A_323 = arith.constant 32 : index
          %get3A_324 = tpu.vector_load %arg14[%get3A_322, %get3A_323] {strides = array<i32>} : memref<128x64xf32, #tpu.memory_space<vmem>>, vector<1x16xf32>,
          %get3A_325 = vector.shape_cast %get3A_324 : vector<1x16xf32> to vector<16xf32>
          %mul3A_326 = vector.broadcast %squeeze3A_289 : f32 to vector<16xf32>
          %mul3A_327 = arith.mulf %get3A_325, %mul3A_326 : vector<16xf32>
          %add3A_328 = arith.constant 2 : i32
          %add3A_329 = arith.addi %multiple_of3A_161, %add3A_328 : i32
          %swap3A_330 = arith.index_cast %add3A_329 : i32 to index
          %swap3A_331 = arith.constant 32 : index
          %swap3A_332 = tpu.vector_load %arg14[%swap3A_330, %swap3A_331] {strides = array<i32>} : memref<128x64xf32, #tpu.memory_space<vmem>>, vector<1x16xf32>,
          %swap3A_333 = vector.shape_cast %swap3A_332 : vector<1x16xf32> to vector<16xf32>
          %swap3A_334 = vector.shape_cast %mul3A_327 : vector<16xf32> to vector<1x16xf32>
          tpu.vector_store %arg14[%swap3A_330, %swap3A_331], %swap3A_334 {strides = array<i32>} : memref<128x64xf32, #tpu.memory_space<vmem>>, vector<1x16xf32>,
          %add3A_335 = arith.constant 2 : i32
          %add3A_336 = arith.addi %multiple_of3A_161, %add3A_335 : i32
          %get3A_337 = arith.index_cast %add3A_336 : i32 to index
          %get3A_338 = arith.constant 48 : index
          %get3A_339 = tpu.vector_load %arg14[%get3A_337, %get3A_338] {strides = array<i32>} : memref<128x64xf32, #tpu.memory_space<vmem>>, vector<1x16xf32>,
          %get3A_340 = vector.shape_cast %get3A_339 : vector<1x16xf32> to vector<16xf32>
          %mul3A_341 = vector.broadcast %squeeze3A_289 : f32 to vector<16xf32>
          %mul3A_342 = arith.mulf %get3A_340, %mul3A_341 : vector<16xf32>
          %add3A_343 = arith.constant 2 : i32
          %add3A_344 = arith.addi %multiple_of3A_161, %add3A_343 : i32
          %swap3A_345 = arith.index_cast %add3A_344 : i32 to index
          %swap3A_346 = arith.constant 48 : index
          %swap3A_347 = tpu.vector_load %arg14[%swap3A_345, %swap3A_346] {strides = array<i32>} : memref<128x64xf32, #tpu.memory_space<vmem>>, vector<1x16xf32>,
          %swap3A_348 = vector.shape_cast %swap3A_347 : vector<1x16xf32> to vector<16xf32>
          %swap3A_349 = vector.shape_cast %mul3A_342 : vector<16xf32> to vector<1x16xf32>
          tpu.vector_store %arg14[%swap3A_345, %swap3A_346], %swap3A_349 {strides = array<i32>} : memref<128x64xf32, #tpu.memory_space<vmem>>, vector<1x16xf32>,
          %slice3A_350 = vector.extract_strided_slice %get3A_164 {offsets = [3], sizes = [1], strides = [1]} : vector<16xf32> to vector<1xf32>
          %squeeze3A_351 = vector.extract %slice3A_350[0] : f32 from vector<1xf32>
          %add3A_352 = arith.constant 3 : i32
          %add3A_353 = arith.addi %multiple_of3A_161, %add3A_352 : i32
          %get3A_354 = arith.index_cast %add3A_353 : i32 to index
          %get3A_355 = arith.constant 0 : index
          %get3A_356 = tpu.vector_load %arg14[%get3A_354, %get3A_355] {strides = array<i32>} : memref<128x64xf32, #tpu.memory_space<vmem>>, vector<1x16xf32>,
          %get3A_357 = vector.shape_cast %get3A_356 : vector<1x16xf32> to vector<16xf32>
          %mul3A_358 = vector.broadcast %squeeze3A_351 : f32 to vector<16xf32>
          %mul3A_359 = arith.mulf %get3A_357, %mul3A_358 : vector<16xf32>
          %add3A_360 = arith.constant 3 : i32
          %add3A_361 = arith.addi %multiple_of3A_161, %add3A_360 : i32
          %swap3A_362 = arith.index_cast %add3A_361 : i32 to index
          %swap3A_363 = arith.constant 0 : index
          %swap3A_364 = tpu.vector_load %arg14[%swap3A_362, %swap3A_363] {strides = array<i32>} : memref<128x64xf32, #tpu.memory_space<vmem>>, vector<1x16xf32>,
          %swap3A_365 = vector.shape_cast %swap3A_364 : vector<1x16xf32> to vector<16xf32>
          %swap3A_366 = vector.shape_cast %mul3A_359 : vector<16xf32> to vector<1x16xf32>
          tpu.vector_store %arg14[%swap3A_362, %swap3A_363], %swap3A_366 {strides = array<i32>} : memref<128x64xf32, #tpu.memory_space<vmem>>, vector<1x16xf32>,
          %add3A_367 = arith.constant 3 : i32
          %add3A_368 = arith.addi %multiple_of3A_161, %add3A_367 : i32
          %get3A_369 = arith.index_cast %add3A_368 : i32 to index
          %get3A_370 = arith.constant 16 : index
          %get3A_371 = tpu.vector_load %arg14[%get3A_369, %get3A_370] {strides = array<i32>} : memref<128x64xf32, #tpu.memory_space<vmem>>, vector<1x16xf32>,
          %get3A_372 = vector.shape_cast %get3A_371 : vector<1x16xf32> to vector<16xf32>
          %mul3A_373 = vector.broadcast %squeeze3A_351 : f32 to vector<16xf32>
          %mul3A_374 = arith.mulf %get3A_372, %mul3A_373 : vector<16xf32>
          %add3A_375 = arith.constant 3 : i32
          %add3A_376 = arith.addi %multiple_of3A_161, %add3A_375 : i32
          %swap3A_377 = arith.index_cast %add3A_376 : i32 to index
          %swap3A_378 = arith.constant 16 : index
          %swap3A_379 = tpu.vector_load %arg14[%swap3A_377, %swap3A_378] {strides = array<i32>} : memref<128x64xf32, #tpu.memory_space<vmem>>, vector<1x16xf32>,
          %swap3A_380 = vector.shape_cast %swap3A_379 : vector<1x16xf32> to vector<16xf32>
          %swap3A_381 = vector.shape_cast %mul3A_374 : vector<16xf32> to vector<1x16xf32>
          tpu.vector_store %arg14[%swap3A_377, %swap3A_378], %swap3A_381 {strides = array<i32>} : memref<128x64xf32, #tpu.memory_space<vmem>>, vector<1x16xf32>,
          %add3A_382 = arith.constant 3 : i32
          %add3A_383 = arith.addi %multiple_of3A_161, %add3A_382 : i32
          %get3A_384 = arith.index_cast %add3A_383 : i32 to index
          %get3A_385 = arith.constant 32 : index
          %get3A_386 = tpu.vector_load %arg14[%get3A_384, %get3A_385] {strides = array<i32>} : memref<128x64xf32, #tpu.memory_space<vmem>>, vector<1x16xf32>,
          %get3A_387 = vector.shape_cast %get3A_386 : vector<1x16xf32> to vector<16xf32>
          %mul3A_388 = vector.broadcast %squeeze3A_351 : f32 to vector<16xf32>
          %mul3A_389 = arith.mulf %get3A_387, %mul3A_388 : vector<16xf32>
          %add3A_390 = arith.constant 3 : i32
          %add3A_391 = arith.addi %multiple_of3A_161, %add3A_390 : i32
          %swap3A_392 = arith.index_cast %add3A_391 : i32 to index
          %swap3A_393 = arith.constant 32 : index
          %swap3A_394 = tpu.vector_load %arg14[%swap3A_392, %swap3A_393] {strides = array<i32>} : memref<128x64xf32, #tpu.memory_space<vmem>>, vector<1x16xf32>,
          %swap3A_395 = vector.shape_cast %swap3A_394 : vector<1x16xf32> to vector<16xf32>
          %swap3A_396 = vector.shape_cast %mul3A_389 : vector<16xf32> to vector<1x16xf32>
          tpu.vector_store %arg14[%swap3A_392, %swap3A_393], %swap3A_396 {strides = array<i32>} : memref<128x64xf32, #tpu.memory_space<vmem>>, vector<1x16xf32>,
          %add3A_397 = arith.constant 3 : i32
          %add3A_398 = arith.addi %multiple_of3A_161, %add3A_397 : i32
          %get3A_399 = arith.index_cast %add3A_398 : i32 to index
          %get3A_400 = arith.constant 48 : index
          %get3A_401 = tpu.vector_load %arg14[%get3A_399, %get3A_400] {strides = array<i32>} : memref<128x64xf32, #tpu.memory_space<vmem>>, vector<1x16xf32>,
          %get3A_402 = vector.shape_cast %get3A_401 : vector<1x16xf32> to vector<16xf32>
          %mul3A_403 = vector.broadcast %squeeze3A_351 : f32 to vector<16xf32>
          %mul3A_404 = arith.mulf %get3A_402, %mul3A_403 : vector<16xf32>
          %add3A_405 = arith.constant 3 : i32
          %add3A_406 = arith.addi %multiple_of3A_161, %add3A_405 : i32
          %swap3A_407 = arith.index_cast %add3A_406 : i32 to index
          %swap3A_408 = arith.constant 48 : index
          %swap3A_409 = tpu.vector_load %arg14[%swap3A_407, %swap3A_408] {strides = array<i32>} : memref<128x64xf32, #tpu.memory_space<vmem>>, vector<1x16xf32>,
          %swap3A_410 = vector.shape_cast %swap3A_409 : vector<1x16xf32> to vector<16xf32>
          %swap3A_411 = vector.shape_cast %mul3A_404 : vector<16xf32> to vector<1x16xf32>
          tpu.vector_store %arg14[%swap3A_407, %swap3A_408], %swap3A_411 {strides = array<i32>} : memref<128x64xf32, #tpu.memory_space<vmem>>, vector<1x16xf32>,
          %slice3A_412 = vector.extract_strided_slice %get3A_164 {offsets = [4], sizes = [1], strides = [1]} : vector<16xf32> to vector<1xf32>
          %squeeze3A_413 = vector.extract %slice3A_412[0] : f32 from vector<1xf32>
          %add3A_414 = arith.constant 4 : i32
          %add3A_415 = arith.addi %multiple_of3A_161, %add3A_414 : i32
          %get3A_416 = arith.index_cast %add3A_415 : i32 to index
          %get3A_417 = arith.constant 0 : index
          %get3A_418 = tpu.vector_load %arg14[%get3A_416, %get3A_417] {strides = array<i32>} : memref<128x64xf32, #tpu.memory_space<vmem>>, vector<1x16xf32>,
          %get3A_419 = vector.shape_cast %get3A_418 : vector<1x16xf32> to vector<16xf32>
          %mul3A_420 = vector.broadcast %squeeze3A_413 : f32 to vector<16xf32>
          %mul3A_421 = arith.mulf %get3A_419, %mul3A_420 : vector<16xf32>
          %add3A_422 = arith.constant 4 : i32
          %add3A_423 = arith.addi %multiple_of3A_161, %add3A_422 : i32
          %swap3A_424 = arith.index_cast %add3A_423 : i32 to index
          %swap3A_425 = arith.constant 0 : index
          %swap3A_426 = tpu.vector_load %arg14[%swap3A_424, %swap3A_425] {strides = array<i32>} : memref<128x64xf32, #tpu.memory_space<vmem>>, vector<1x16xf32>,
          %swap3A_427 = vector.shape_cast %swap3A_426 : vector<1x16xf32> to vector<16xf32>
          %swap3A_428 = vector.shape_cast %mul3A_421 : vector<16xf32> to vector<1x16xf32>
          tpu.vector_store %arg14[%swap3A_424, %swap3A_425], %swap3A_428 {strides = array<i32>} : memref<128x64xf32, #tpu.memory_space<vmem>>, vector<1x16xf32>,
          %add3A_429 = arith.constant 4 : i32
          %add3A_430 = arith.addi %multiple_of3A_161, %add3A_429 : i32
          %get3A_431 = arith.index_cast %add3A_430 : i32 to index
          %get3A_432 = arith.constant 16 : index
          %get3A_433 = tpu.vector_load %arg14[%get3A_431, %get3A_432] {strides = array<i32>} : memref<128x64xf32, #tpu.memory_space<vmem>>, vector<1x16xf32>,
          %get3A_434 = vector.shape_cast %get3A_433 : vector<1x16xf32> to vector<16xf32>
          %mul3A_435 = vector.broadcast %squeeze3A_413 : f32 to vector<16xf32>
          %mul3A_436 = arith.mulf %get3A_434, %mul3A_435 : vector<16xf32>
          %add3A_437 = arith.constant 4 : i32
          %add3A_438 = arith.addi %multiple_of3A_161, %add3A_437 : i32
          %swap3A_439 = arith.index_cast %add3A_438 : i32 to index
          %swap3A_440 = arith.constant 16 : index
          %swap3A_441 = tpu.vector_load %arg14[%swap3A_439, %swap3A_440] {strides = array<i32>} : memref<128x64xf32, #tpu.memory_space<vmem>>, vector<1x16xf32>,
          %swap3A_442 = vector.shape_cast %swap3A_441 : vector<1x16xf32> to vector<16xf32>
          %swap3A_443 = vector.shape_cast %mul3A_436 : vector<16xf32> to vector<1x16xf32>
          tpu.vector_store %arg14[%swap3A_439, %swap3A_440], %swap3A_443 {strides = array<i32>} : memref<128x64xf32, #tpu.memory_space<vmem>>, vector<1x16xf32>,
          %add3A_444 = arith.constant 4 : i32
          %add3A_445 = arith.addi %multiple_of3A_161, %add3A_444 : i32
          %get3A_446 = arith.index_cast %add3A_445 : i32 to index
          %get3A_447 = arith.constant 32 : index
          %get3A_448 = tpu.vector_load %arg14[%get3A_446, %get3A_447] {strides = array<i32>} : memref<128x64xf32, #tpu.memory_space<vmem>>, vector<1x16xf32>,
          %get3A_449 = vector.shape_cast %get3A_448 : vector<1x16xf32> to vector<16xf32>
          %mul3A_450 = vector.broadcast %squeeze3A_413 : f32 to vector<16xf32>
          %mul3A_451 = arith.mulf %get3A_449, %mul3A_450 : vector<16xf32>
          %add3A_452 = arith.constant 4 : i32
          %add3A_453 = arith.addi %multiple_of3A_161, %add3A_452 : i32
          %swap3A_454 = arith.index_cast %add3A_453 : i32 to index
          %swap3A_455 = arith.constant 32 : index
          %swap3A_456 = tpu.vector_load %arg14[%swap3A_454, %swap3A_455] {strides = array<i32>} : memref<128x64xf32, #tpu.memory_space<vmem>>, vector<1x16xf32>,
          %swap3A_457 = vector.shape_cast %swap3A_456 : vector<1x16xf32> to vector<16xf32>
          %swap3A_458 = vector.shape_cast %mul3A_451 : vector<16xf32> to vector<1x16xf32>
          tpu.vector_store %arg14[%swap3A_454, %swap3A_455], %swap3A_458 {strides = array<i32>} : memref<128x64xf32, #tpu.memory_space<vmem>>, vector<1x16xf32>,
          %add3A_459 = arith.constant 4 : i32
          %add3A_460 = arith.addi %multiple_of3A_161, %add3A_459 : i32
          %get3A_461 = arith.index_cast %add3A_460 : i32 to index
          %get3A_462 = arith.constant 48 : index
          %get3A_463 = tpu.vector_load %arg14[%get3A_461, %get3A_462] {strides = array<i32>} : memref<128x64xf32, #tpu.memory_space<vmem>>, vector<1x16xf32>,
          %get3A_464 = vector.shape_cast %get3A_463 : vector<1x16xf32> to vector<16xf32>
          %mul3A_465 = vector.broadcast %squeeze3A_413 : f32 to vector<16xf32>
          %mul3A_466 = arith.mulf %get3A_464, %mul3A_465 : vector<16xf32>
          %add3A_467 = arith.constant 4 : i32
          %add3A_468 = arith.addi %multiple_of3A_161, %add3A_467 : i32
          %swap3A_469 = arith.index_cast %add3A_468 : i32 to index
          %swap3A_470 = arith.constant 48 : index
          %swap3A_471 = tpu.vector_load %arg14[%swap3A_469, %swap3A_470] {strides = array<i32>} : memref<128x64xf32, #tpu.memory_space<vmem>>, vector<1x16xf32>,
          %swap3A_472 = vector.shape_cast %swap3A_471 : vector<1x16xf32> to vector<16xf32>
          %swap3A_473 = vector.shape_cast %mul3A_466 : vector<16xf32> to vector<1x16xf32>
          tpu.vector_store %arg14[%swap3A_469, %swap3A_470], %swap3A_473 {strides = array<i32>} : memref<128x64xf32, #tpu.memory_space<vmem>>, vector<1x16xf32>,
          %slice3A_474 = vector.extract_strided_slice %get3A_164 {offsets = [5], sizes = [1], strides = [1]} : vector<16xf32> to vector<1xf32>
          %squeeze3A_475 = vector.extract %slice3A_474[0] : f32 from vector<1xf32>
          %add3A_476 = arith.constant 5 : i32
          %add3A_477 = arith.addi %multiple_of3A_161, %add3A_476 : i32
          %get3A_478 = arith.index_cast %add3A_477 : i32 to index
          %get3A_479 = arith.constant 0 : index
          %get3A_480 = tpu.vector_load %arg14[%get3A_478, %get3A_479] {strides = array<i32>} : memref<128x64xf32, #tpu.memory_space<vmem>>, vector<1x16xf32>,
          %get3A_481 = vector.shape_cast %get3A_480 : vector<1x16xf32> to vector<16xf32>
          %mul3A_482 = vector.broadcast %squeeze3A_475 : f32 to vector<16xf32>
          %mul3A_483 = arith.mulf %get3A_481, %mul3A_482 : vector<16xf32>
          %add3A_484 = arith.constant 5 : i32
          %add3A_485 = arith.addi %multiple_of3A_161, %add3A_484 : i32
          %swap3A_486 = arith.index_cast %add3A_485 : i32 to index
          %swap3A_487 = arith.constant 0 : index
          %swap3A_488 = tpu.vector_load %arg14[%swap3A_486, %swap3A_487] {strides = array<i32>} : memref<128x64xf32, #tpu.memory_space<vmem>>, vector<1x16xf32>,
          %swap3A_489 = vector.shape_cast %swap3A_488 : vector<1x16xf32> to vector<16xf32>
          %swap3A_490 = vector.shape_cast %mul3A_483 : vector<16xf32> to vector<1x16xf32>
          tpu.vector_store %arg14[%swap3A_486, %swap3A_487], %swap3A_490 {strides = array<i32>} : memref<128x64xf32, #tpu.memory_space<vmem>>, vector<1x16xf32>,
          %add3A_491 = arith.constant 5 : i32
          %add3A_492 = arith.addi %multiple_of3A_161, %add3A_491 : i32
          %get3A_493 = arith.index_cast %add3A_492 : i32 to index
          %get3A_494 = arith.constant 16 : index
          %get3A_495 = tpu.vector_load %arg14[%get3A_493, %get3A_494] {strides = array<i32>} : memref<128x64xf32, #tpu.memory_space<vmem>>, vector<1x16xf32>,
          %get3A_496 = vector.shape_cast %get3A_495 : vector<1x16xf32> to vector<16xf32>
          %mul3A_497 = vector.broadcast %squeeze3A_475 : f32 to vector<16xf32>
          %mul3A_498 = arith.mulf %get3A_496, %mul3A_497 : vector<16xf32>
          %add3A_499 = arith.constant 5 : i32
          %add3A_500 = arith.addi %multiple_of3A_161, %add3A_499 : i32
          %swap3A_501 = arith.index_cast %add3A_500 : i32 to index
          %swap3A_502 = arith.constant 16 : index
          %swap3A_503 = tpu.vector_load %arg14[%swap3A_501, %swap3A_502] {strides = array<i32>} : memref<128x64xf32, #tpu.memory_space<vmem>>, vector<1x16xf32>,
          %swap3A_504 = vector.shape_cast %swap3A_503 : vector<1x16xf32> to vector<16xf32>
          %swap3A_505 = vector.shape_cast %mul3A_498 : vector<16xf32> to vector<1x16xf32>
          tpu.vector_store %arg14[%swap3A_501, %swap3A_502], %swap3A_505 {strides = array<i32>} : memref<128x64xf32, #tpu.memory_space<vmem>>, vector<1x16xf32>,
          %add3A_506 = arith.constant 5 : i32
          %add3A_507 = arith.addi %multiple_of3A_161, %add3A_506 : i32
          %get3A_508 = arith.index_cast %add3A_507 : i32 to index
          %get3A_509 = arith.constant 32 : index
          %get3A_510 = tpu.vector_load %arg14[%get3A_508, %get3A_509] {strides = array<i32>} : memref<128x64xf32, #tpu.memory_space<vmem>>, vector<1x16xf32>,
          %get3A_511 = vector.shape_cast %get3A_510 : vector<1x16xf32> to vector<16xf32>
          %mul3A_512 = vector.broadcast %squeeze3A_475 : f32 to vector<16xf32>
          %mul3A_513 = arith.mulf %get3A_511, %mul3A_512 : vector<16xf32>
          %add3A_514 = arith.constant 5 : i32
          %add3A_515 = arith.addi %multiple_of3A_161, %add3A_514 : i32
          %swap3A_516 = arith.index_cast %add3A_515 : i32 to index
          %swap3A_517 = arith.constant 32 : index
          %swap3A_518 = tpu.vector_load %arg14[%swap3A_516, %swap3A_517] {strides = array<i32>} : memref<128x64xf32, #tpu.memory_space<vmem>>, vector<1x16xf32>,
          %swap3A_519 = vector.shape_cast %swap3A_518 : vector<1x16xf32> to vector<16xf32>
          %swap3A_520 = vector.shape_cast %mul3A_513 : vector<16xf32> to vector<1x16xf32>
          tpu.vector_store %arg14[%swap3A_516, %swap3A_517], %swap3A_520 {strides = array<i32>} : memref<128x64xf32, #tpu.memory_space<vmem>>, vector<1x16xf32>,
          %add3A_521 = arith.constant 5 : i32
          %add3A_522 = arith.addi %multiple_of3A_161, %add3A_521 : i32
          %get3A_523 = arith.index_cast %add3A_522 : i32 to index
          %get3A_524 = arith.constant 48 : index
          %get3A_525 = tpu.vector_load %arg14[%get3A_523, %get3A_524] {strides = array<i32>} : memref<128x64xf32, #tpu.memory_space<vmem>>, vector<1x16xf32>,
          %get3A_526 = vector.shape_cast %get3A_525 : vector<1x16xf32> to vector<16xf32>
          %mul3A_527 = vector.broadcast %squeeze3A_475 : f32 to vector<16xf32>
          %mul3A_528 = arith.mulf %get3A_526, %mul3A_527 : vector<16xf32>
          %add3A_529 = arith.constant 5 : i32
          %add3A_530 = arith.addi %multiple_of3A_161, %add3A_529 : i32
          %swap3A_531 = arith.index_cast %add3A_530 : i32 to index
          %swap3A_532 = arith.constant 48 : index
          %swap3A_533 = tpu.vector_load %arg14[%swap3A_531, %swap3A_532] {strides = array<i32>} : memref<128x64xf32, #tpu.memory_space<vmem>>, vector<1x16xf32>,
          %swap3A_534 = vector.shape_cast %swap3A_533 : vector<1x16xf32> to vector<16xf32>
          %swap3A_535 = vector.shape_cast %mul3A_528 : vector<16xf32> to vector<1x16xf32>
          tpu.vector_store %arg14[%swap3A_531, %swap3A_532], %swap3A_535 {strides = array<i32>} : memref<128x64xf32, #tpu.memory_space<vmem>>, vector<1x16xf32>,
          %slice3A_536 = vector.extract_strided_slice %get3A_164 {offsets = [6], sizes = [1], strides = [1]} : vector<16xf32> to vector<1xf32>
          %squeeze3A_537 = vector.extract %slice3A_536[0] : f32 from vector<1xf32>
          %add3A_538 = arith.constant 6 : i32
          %add3A_539 = arith.addi %multiple_of3A_161, %add3A_538 : i32
          %get3A_540 = arith.index_cast %add3A_539 : i32 to index
          %get3A_541 = arith.constant 0 : index
          %get3A_542 = tpu.vector_load %arg14[%get3A_540, %get3A_541] {strides = array<i32>} : memref<128x64xf32, #tpu.memory_space<vmem>>, vector<1x16xf32>,
          %get3A_543 = vector.shape_cast %get3A_542 : vector<1x16xf32> to vector<16xf32>
          %mul3A_544 = vector.broadcast %squeeze3A_537 : f32 to vector<16xf32>
          %mul3A_545 = arith.mulf %get3A_543, %mul3A_544 : vector<16xf32>
          %add3A_546 = arith.constant 6 : i32
          %add3A_547 = arith.addi %multiple_of3A_161, %add3A_546 : i32
          %swap3A_548 = arith.index_cast %add3A_547 : i32 to index
          %swap3A_549 = arith.constant 0 : index
          %swap3A_550 = tpu.vector_load %arg14[%swap3A_548, %swap3A_549] {strides = array<i32>} : memref<128x64xf32, #tpu.memory_space<vmem>>, vector<1x16xf32>,
          %swap3A_551 = vector.shape_cast %swap3A_550 : vector<1x16xf32> to vector<16xf32>
          %swap3A_552 = vector.shape_cast %mul3A_545 : vector<16xf32> to vector<1x16xf32>
          tpu.vector_store %arg14[%swap3A_548, %swap3A_549], %swap3A_552 {strides = array<i32>} : memref<128x64xf32, #tpu.memory_space<vmem>>, vector<1x16xf32>,
          %add3A_553 = arith.constant 6 : i32
          %add3A_554 = arith.addi %multiple_of3A_161, %add3A_553 : i32
          %get3A_555 = arith.index_cast %add3A_554 : i32 to index
          %get3A_556 = arith.constant 16 : index
          %get3A_557 = tpu.vector_load %arg14[%get3A_555, %get3A_556] {strides = array<i32>} : memref<128x64xf32, #tpu.memory_space<vmem>>, vector<1x16xf32>,
          %get3A_558 = vector.shape_cast %get3A_557 : vector<1x16xf32> to vector<16xf32>
          %mul3A_559 = vector.broadcast %squeeze3A_537 : f32 to vector<16xf32>
          %mul3A_560 = arith.mulf %get3A_558, %mul3A_559 : vector<16xf32>
          %add3A_561 = arith.constant 6 : i32
          %add3A_562 = arith.addi %multiple_of3A_161, %add3A_561 : i32
          %swap3A_563 = arith.index_cast %add3A_562 : i32 to index
          %swap3A_564 = arith.constant 16 : index
          %swap3A_565 = tpu.vector_load %arg14[%swap3A_563, %swap3A_564] {strides = array<i32>} : memref<128x64xf32, #tpu.memory_space<vmem>>, vector<1x16xf32>,
          %swap3A_566 = vector.shape_cast %swap3A_565 : vector<1x16xf32> to vector<16xf32>
          %swap3A_567 = vector.shape_cast %mul3A_560 : vector<16xf32> to vector<1x16xf32>
          tpu.vector_store %arg14[%swap3A_563, %swap3A_564], %swap3A_567 {strides = array<i32>} : memref<128x64xf32, #tpu.memory_space<vmem>>, vector<1x16xf32>,
          %add3A_568 = arith.constant 6 : i32
          %add3A_569 = arith.addi %multiple_of3A_161, %add3A_568 : i32
          %get3A_570 = arith.index_cast %add3A_569 : i32 to index
          %get3A_571 = arith.constant 32 : index
          %get3A_572 = tpu.vector_load %arg14[%get3A_570, %get3A_571] {strides = array<i32>} : memref<128x64xf32, #tpu.memory_space<vmem>>, vector<1x16xf32>,
          %get3A_573 = vector.shape_cast %get3A_572 : vector<1x16xf32> to vector<16xf32>
          %mul3A_574 = vector.broadcast %squeeze3A_537 : f32 to vector<16xf32>
          %mul3A_575 = arith.mulf %get3A_573, %mul3A_574 : vector<16xf32>
          %add3A_576 = arith.constant 6 : i32
          %add3A_577 = arith.addi %multiple_of3A_161, %add3A_576 : i32
          %swap3A_578 = arith.index_cast %add3A_577 : i32 to index
          %swap3A_579 = arith.constant 32 : index
          %swap3A_580 = tpu.vector_load %arg14[%swap3A_578, %swap3A_579] {strides = array<i32>} : memref<128x64xf32, #tpu.memory_space<vmem>>, vector<1x16xf32>,
          %swap3A_581 = vector.shape_cast %swap3A_580 : vector<1x16xf32> to vector<16xf32>
          %swap3A_582 = vector.shape_cast %mul3A_575 : vector<16xf32> to vector<1x16xf32>
          tpu.vector_store %arg14[%swap3A_578, %swap3A_579], %swap3A_582 {strides = array<i32>} : memref<128x64xf32, #tpu.memory_space<vmem>>, vector<1x16xf32>,
          %add3A_583 = arith.constant 6 : i32
          %add3A_584 = arith.addi %multiple_of3A_161, %add3A_583 : i32
          %get3A_585 = arith.index_cast %add3A_584 : i32 to index
          %get3A_586 = arith.constant 48 : index
          %get3A_587 = tpu.vector_load %arg14[%get3A_585, %get3A_586] {strides = array<i32>} : memref<128x64xf32, #tpu.memory_space<vmem>>, vector<1x16xf32>,
          %get3A_588 = vector.shape_cast %get3A_587 : vector<1x16xf32> to vector<16xf32>
          %mul3A_589 = vector.broadcast %squeeze3A_537 : f32 to vector<16xf32>
          %mul3A_590 = arith.mulf %get3A_588, %mul3A_589 : vector<16xf32>
          %add3A_591 = arith.constant 6 : i32
          %add3A_592 = arith.addi %multiple_of3A_161, %add3A_591 : i32
          %swap3A_593 = arith.index_cast %add3A_592 : i32 to index
          %swap3A_594 = arith.constant 48 : index
          %swap3A_595 = tpu.vector_load %arg14[%swap3A_593, %swap3A_594] {strides = array<i32>} : memref<128x64xf32, #tpu.memory_space<vmem>>, vector<1x16xf32>,
          %swap3A_596 = vector.shape_cast %swap3A_595 : vector<1x16xf32> to vector<16xf32>
          %swap3A_597 = vector.shape_cast %mul3A_590 : vector<16xf32> to vector<1x16xf32>
          tpu.vector_store %arg14[%swap3A_593, %swap3A_594], %swap3A_597 {strides = array<i32>} : memref<128x64xf32, #tpu.memory_space<vmem>>, vector<1x16xf32>,
          %slice3A_598 = vector.extract_strided_slice %get3A_164 {offsets = [7], sizes = [1], strides = [1]} : vector<16xf32> to vector<1xf32>
          %squeeze3A_599 = vector.extract %slice3A_598[0] : f32 from vector<1xf32>
          %add3A_600 = arith.constant 7 : i32
          %add3A_601 = arith.addi %multiple_of3A_161, %add3A_600 : i32
          %get3A_602 = arith.index_cast %add3A_601 : i32 to index
          %get3A_603 = arith.constant 0 : index
          %get3A_604 = tpu.vector_load %arg14[%get3A_602, %get3A_603] {strides = array<i32>} : memref<128x64xf32, #tpu.memory_space<vmem>>, vector<1x16xf32>,
          %get3A_605 = vector.shape_cast %get3A_604 : vector<1x16xf32> to vector<16xf32>
          %mul3A_606 = vector.broadcast %squeeze3A_599 : f32 to vector<16xf32>
          %mul3A_607 = arith.mulf %get3A_605, %mul3A_606 : vector<16xf32>
          %add3A_608 = arith.constant 7 : i32
          %add3A_609 = arith.addi %multiple_of3A_161, %add3A_608 : i32
          %swap3A_610 = arith.index_cast %add3A_609 : i32 to index
          %swap3A_611 = arith.constant 0 : index
          %swap3A_612 = tpu.vector_load %arg14[%swap3A_610, %swap3A_611] {strides = array<i32>} : memref<128x64xf32, #tpu.memory_space<vmem>>, vector<1x16xf32>,
          %swap3A_613 = vector.shape_cast %swap3A_612 : vector<1x16xf32> to vector<16xf32>
          %swap3A_614 = vector.shape_cast %mul3A_607 : vector<16xf32> to vector<1x16xf32>
          tpu.vector_store %arg14[%swap3A_610, %swap3A_611], %swap3A_614 {strides = array<i32>} : memref<128x64xf32, #tpu.memory_space<vmem>>, vector<1x16xf32>,
          %add3A_615 = arith.constant 7 : i32
          %add3A_616 = arith.addi %multiple_of3A_161, %add3A_615 : i32
          %get3A_617 = arith.index_cast %add3A_616 : i32 to index
          %get3A_618 = arith.constant 16 : index
          %get3A_619 = tpu.vector_load %arg14[%get3A_617, %get3A_618] {strides = array<i32>} : memref<128x64xf32, #tpu.memory_space<vmem>>, vector<1x16xf32>,
          %get3A_620 = vector.shape_cast %get3A_619 : vector<1x16xf32> to vector<16xf32>
          %mul3A_621 = vector.broadcast %squeeze3A_599 : f32 to vector<16xf32>
          %mul3A_622 = arith.mulf %get3A_620, %mul3A_621 : vector<16xf32>
          %add3A_623 = arith.constant 7 : i32
          %add3A_624 = arith.addi %multiple_of3A_161, %add3A_623 : i32
          %swap3A_625 = arith.index_cast %add3A_624 : i32 to index
          %swap3A_626 = arith.constant 16 : index
          %swap3A_627 = tpu.vector_load %arg14[%swap3A_625, %swap3A_626] {strides = array<i32>} : memref<128x64xf32, #tpu.memory_space<vmem>>, vector<1x16xf32>,
          %swap3A_628 = vector.shape_cast %swap3A_627 : vector<1x16xf32> to vector<16xf32>
          %swap3A_629 = vector.shape_cast %mul3A_622 : vector<16xf32> to vector<1x16xf32>
          tpu.vector_store %arg14[%swap3A_625, %swap3A_626], %swap3A_629 {strides = array<i32>} : memref<128x64xf32, #tpu.memory_space<vmem>>, vector<1x16xf32>,
          %add3A_630 = arith.constant 7 : i32
          %add3A_631 = arith.addi %multiple_of3A_161, %add3A_630 : i32
          %get3A_632 = arith.index_cast %add3A_631 : i32 to index
          %get3A_633 = arith.constant 32 : index
          %get3A_634 = tpu.vector_load %arg14[%get3A_632, %get3A_633] {strides = array<i32>} : memref<128x64xf32, #tpu.memory_space<vmem>>, vector<1x16xf32>,
          %get3A_635 = vector.shape_cast %get3A_634 : vector<1x16xf32> to vector<16xf32>
          %mul3A_636 = vector.broadcast %squeeze3A_599 : f32 to vector<16xf32>
          %mul3A_637 = arith.mulf %get3A_635, %mul3A_636 : vector<16xf32>
          %add3A_638 = arith.constant 7 : i32
          %add3A_639 = arith.addi %multiple_of3A_161, %add3A_638 : i32
          %swap3A_640 = arith.index_cast %add3A_639 : i32 to index
          %swap3A_641 = arith.constant 32 : index
          %swap3A_642 = tpu.vector_load %arg14[%swap3A_640, %swap3A_641] {strides = array<i32>} : memref<128x64xf32, #tpu.memory_space<vmem>>, vector<1x16xf32>,
          %swap3A_643 = vector.shape_cast %swap3A_642 : vector<1x16xf32> to vector<16xf32>
          %swap3A_644 = vector.shape_cast %mul3A_637 : vector<16xf32> to vector<1x16xf32>
          tpu.vector_store %arg14[%swap3A_640, %swap3A_641], %swap3A_644 {strides = array<i32>} : memref<128x64xf32, #tpu.memory_space<vmem>>, vector<1x16xf32>,
          %add3A_645 = arith.constant 7 : i32
          %add3A_646 = arith.addi %multiple_of3A_161, %add3A_645 : i32
          %get3A_647 = arith.index_cast %add3A_646 : i32 to index
          %get3A_648 = arith.constant 48 : index
          %get3A_649 = tpu.vector_load %arg14[%get3A_647, %get3A_648] {strides = array<i32>} : memref<128x64xf32, #tpu.memory_space<vmem>>, vector<1x16xf32>,
          %get3A_650 = vector.shape_cast %get3A_649 : vector<1x16xf32> to vector<16xf32>
          %mul3A_651 = vector.broadcast %squeeze3A_599 : f32 to vector<16xf32>
          %mul3A_652 = arith.mulf %get3A_650, %mul3A_651 : vector<16xf32>
          %add3A_653 = arith.constant 7 : i32
          %add3A_654 = arith.addi %multiple_of3A_161, %add3A_653 : i32
          %swap3A_655 = arith.index_cast %add3A_654 : i32 to index
          %swap3A_656 = arith.constant 48 : index
          %swap3A_657 = tpu.vector_load %arg14[%swap3A_655, %swap3A_656] {strides = array<i32>} : memref<128x64xf32, #tpu.memory_space<vmem>>, vector<1x16xf32>,
          %swap3A_658 = vector.shape_cast %swap3A_657 : vector<1x16xf32> to vector<16xf32>
          %swap3A_659 = vector.shape_cast %mul3A_652 : vector<16xf32> to vector<1x16xf32>
          tpu.vector_store %arg14[%swap3A_655, %swap3A_656], %swap3A_659 {strides = array<i32>} : memref<128x64xf32, #tpu.memory_space<vmem>>, vector<1x16xf32>,
          %slice3A_660 = vector.extract_strided_slice %get3A_164 {offsets = [8], sizes = [1], strides = [1]} : vector<16xf32> to vector<1xf32>
          %squeeze3A_661 = vector.extract %slice3A_660[0] : f32 from vector<1xf32>
          %add3A_662 = arith.constant 8 : i32
          %add3A_663 = arith.addi %multiple_of3A_161, %add3A_662 : i32
          %get3A_664 = arith.index_cast %add3A_663 : i32 to index
          %get3A_665 = arith.constant 0 : index
          %get3A_666 = tpu.vector_load %arg14[%get3A_664, %get3A_665] {strides = array<i32>} : memref<128x64xf32, #tpu.memory_space<vmem>>, vector<1x16xf32>,
          %get3A_667 = vector.shape_cast %get3A_666 : vector<1x16xf32> to vector<16xf32>
          %mul3A_668 = vector.broadcast %squeeze3A_661 : f32 to vector<16xf32>
          %mul3A_669 = arith.mulf %get3A_667, %mul3A_668 : vector<16xf32>
          %add3A_670 = arith.constant 8 : i32
          %add3A_671 = arith.addi %multiple_of3A_161, %add3A_670 : i32
          %swap3A_672 = arith.index_cast %add3A_671 : i32 to index
          %swap3A_673 = arith.constant 0 : index
          %swap3A_674 = tpu.vector_load %arg14[%swap3A_672, %swap3A_673] {strides = array<i32>} : memref<128x64xf32, #tpu.memory_space<vmem>>, vector<1x16xf32>,
          %swap3A_675 = vector.shape_cast %swap3A_674 : vector<1x16xf32> to vector<16xf32>
          %swap3A_676 = vector.shape_cast %mul3A_669 : vector<16xf32> to vector<1x16xf32>
          tpu.vector_store %arg14[%swap3A_672, %swap3A_673], %swap3A_676 {strides = array<i32>} : memref<128x64xf32, #tpu.memory_space<vmem>>, vector<1x16xf32>,
          %add3A_677 = arith.constant 8 : i32
          %add3A_678 = arith.addi %multiple_of3A_161, %add3A_677 : i32
          %get3A_679 = arith.index_cast %add3A_678 : i32 to index
          %get3A_680 = arith.constant 16 : index
          %get3A_681 = tpu.vector_load %arg14[%get3A_679, %get3A_680] {strides = array<i32>} : memref<128x64xf32, #tpu.memory_space<vmem>>, vector<1x16xf32>,
          %get3A_682 = vector.shape_cast %get3A_681 : vector<1x16xf32> to vector<16xf32>
          %mul3A_683 = vector.broadcast %squeeze3A_661 : f32 to vector<16xf32>
          %mul3A_684 = arith.mulf %get3A_682, %mul3A_683 : vector<16xf32>
          %add3A_685 = arith.constant 8 : i32
          %add3A_686 = arith.addi %multiple_of3A_161, %add3A_685 : i32
          %swap3A_687 = arith.index_cast %add3A_686 : i32 to index
          %swap3A_688 = arith.constant 16 : index
          %swap3A_689 = tpu.vector_load %arg14[%swap3A_687, %swap3A_688] {strides = array<i32>} : memref<128x64xf32, #tpu.memory_space<vmem>>, vector<1x16xf32>,
          %swap3A_690 = vector.shape_cast %swap3A_689 : vector<1x16xf32> to vector<16xf32>
          %swap3A_691 = vector.shape_cast %mul3A_684 : vector<16xf32> to vector<1x16xf32>
          tpu.vector_store %arg14[%swap3A_687, %swap3A_688], %swap3A_691 {strides = array<i32>} : memref<128x64xf32, #tpu.memory_space<vmem>>, vector<1x16xf32>,
          %add3A_692 = arith.constant 8 : i32
          %add3A_693 = arith.addi %multiple_of3A_161, %add3A_692 : i32
          %get3A_694 = arith.index_cast %add3A_693 : i32 to index
          %get3A_695 = arith.constant 32 : index
          %get3A_696 = tpu.vector_load %arg14[%get3A_694, %get3A_695] {strides = array<i32>} : memref<128x64xf32, #tpu.memory_space<vmem>>, vector<1x16xf32>,
          %get3A_697 = vector.shape_cast %get3A_696 : vector<1x16xf32> to vector<16xf32>
          %mul3A_698 = vector.broadcast %squeeze3A_661 : f32 to vector<16xf32>
          %mul3A_699 = arith.mulf %get3A_697, %mul3A_698 : vector<16xf32>
          %add3A_700 = arith.constant 8 : i32
          %add3A_701 = arith.addi %multiple_of3A_161, %add3A_700 : i32
          %swap3A_702 = arith.index_cast %add3A_701 : i32 to index
          %swap3A_703 = arith.constant 32 : index
          %swap3A_704 = tpu.vector_load %arg14[%swap3A_702, %swap3A_703] {strides = array<i32>} : memref<128x64xf32, #tpu.memory_space<vmem>>, vector<1x16xf32>,
          %swap3A_705 = vector.shape_cast %swap3A_704 : vector<1x16xf32> to vector<16xf32>
          %swap3A_706 = vector.shape_cast %mul3A_699 : vector<16xf32> to vector<1x16xf32>
          tpu.vector_store %arg14[%swap3A_702, %swap3A_703], %swap3A_706 {strides = array<i32>} : memref<128x64xf32, #tpu.memory_space<vmem>>, vector<1x16xf32>,
          %add3A_707 = arith.constant 8 : i32
          %add3A_708 = arith.addi %multiple_of3A_161, %add3A_707 : i32
          %get3A_709 = arith.index_cast %add3A_708 : i32 to index
          %get3A_710 = arith.constant 48 : index
          %get3A_711 = tpu.vector_load %arg14[%get3A_709, %get3A_710] {strides = array<i32>} : memref<128x64xf32, #tpu.memory_space<vmem>>, vector<1x16xf32>,
          %get3A_712 = vector.shape_cast %get3A_711 : vector<1x16xf32> to vector<16xf32>
          %mul3A_713 = vector.broadcast %squeeze3A_661 : f32 to vector<16xf32>
          %mul3A_714 = arith.mulf %get3A_712, %mul3A_713 : vector<16xf32>
          %add3A_715 = arith.constant 8 : i32
          %add3A_716 = arith.addi %multiple_of3A_161, %add3A_715 : i32
          %swap3A_717 = arith.index_cast %add3A_716 : i32 to index
          %swap3A_718 = arith.constant 48 : index
          %swap3A_719 = tpu.vector_load %arg14[%swap3A_717, %swap3A_718] {strides = array<i32>} : memref<128x64xf32, #tpu.memory_space<vmem>>, vector<1x16xf32>,
          %swap3A_720 = vector.shape_cast %swap3A_719 : vector<1x16xf32> to vector<16xf32>
          %swap3A_721 = vector.shape_cast %mul3A_714 : vector<16xf32> to vector<1x16xf32>
          tpu.vector_store %arg14[%swap3A_717, %swap3A_718], %swap3A_721 {strides = array<i32>} : memref<128x64xf32, #tpu.memory_space<vmem>>, vector<1x16xf32>,
          %slice3A_722 = vector.extract_strided_slice %get3A_164 {offsets = [9], sizes = [1], strides = [1]} : vector<16xf32> to vector<1xf32>
          %squeeze3A_723 = vector.extract %slice3A_722[0] : f32 from vector<1xf32>
          %add3A_724 = arith.constant 9 : i32
          %add3A_725 = arith.addi %multiple_of3A_161, %add3A_724 : i32
          %get3A_726 = arith.index_cast %add3A_725 : i32 to index
          %get3A_727 = arith.constant 0 : index
          %get3A_728 = tpu.vector_load %arg14[%get3A_726, %get3A_727] {strides = array<i32>} : memref<128x64xf32, #tpu.memory_space<vmem>>, vector<1x16xf32>,
          %get3A_729 = vector.shape_cast %get3A_728 : vector<1x16xf32> to vector<16xf32>
          %mul3A_730 = vector.broadcast %squeeze3A_723 : f32 to vector<16xf32>
          %mul3A_731 = arith.mulf %get3A_729, %mul3A_730 : vector<16xf32>
          %add3A_732 = arith.constant 9 : i32
          %add3A_733 = arith.addi %multiple_of3A_161, %add3A_732 : i32
          %swap3A_734 = arith.index_cast %add3A_733 : i32 to index
          %swap3A_735 = arith.constant 0 : index
          %swap3A_736 = tpu.vector_load %arg14[%swap3A_734, %swap3A_735] {strides = array<i32>} : memref<128x64xf32, #tpu.memory_space<vmem>>, vector<1x16xf32>,
          %swap3A_737 = vector.shape_cast %swap3A_736 : vector<1x16xf32> to vector<16xf32>
          %swap3A_738 = vector.shape_cast %mul3A_731 : vector<16xf32> to vector<1x16xf32>
          tpu.vector_store %arg14[%swap3A_734, %swap3A_735], %swap3A_738 {strides = array<i32>} : memref<128x64xf32, #tpu.memory_space<vmem>>, vector<1x16xf32>,
          %add3A_739 = arith.constant 9 : i32
          %add3A_740 = arith.addi %multiple_of3A_161, %add3A_739 : i32
          %get3A_741 = arith.index_cast %add3A_740 : i32 to index
          %get3A_742 = arith.constant 16 : index
          %get3A_743 = tpu.vector_load %arg14[%get3A_741, %get3A_742] {strides = array<i32>} : memref<128x64xf32, #tpu.memory_space<vmem>>, vector<1x16xf32>,
          %get3A_744 = vector.shape_cast %get3A_743 : vector<1x16xf32> to vector<16xf32>
          %mul3A_745 = vector.broadcast %squeeze3A_723 : f32 to vector<16xf32>
          %mul3A_746 = arith.mulf %get3A_744, %mul3A_745 : vector<16xf32>
          %add3A_747 = arith.constant 9 : i32
          %add3A_748 = arith.addi %multiple_of3A_161, %add3A_747 : i32
          %swap3A_749 = arith.index_cast %add3A_748 : i32 to index
          %swap3A_750 = arith.constant 16 : index
          %swap3A_751 = tpu.vector_load %arg14[%swap3A_749, %swap3A_750] {strides = array<i32>} : memref<128x64xf32, #tpu.memory_space<vmem>>, vector<1x16xf32>,
          %swap3A_752 = vector.shape_cast %swap3A_751 : vector<1x16xf32> to vector<16xf32>
          %swap3A_753 = vector.shape_cast %mul3A_746 : vector<16xf32> to vector<1x16xf32>
          tpu.vector_store %arg14[%swap3A_749, %swap3A_750], %swap3A_753 {strides = array<i32>} : memref<128x64xf32, #tpu.memory_space<vmem>>, vector<1x16xf32>,
          %add3A_754 = arith.constant 9 : i32
          %add3A_755 = arith.addi %multiple_of3A_161, %add3A_754 : i32
          %get3A_756 = arith.index_cast %add3A_755 : i32 to index
          %get3A_757 = arith.constant 32 : index
          %get3A_758 = tpu.vector_load %arg14[%get3A_756, %get3A_757] {strides = array<i32>} : memref<128x64xf32, #tpu.memory_space<vmem>>, vector<1x16xf32>,
          %get3A_759 = vector.shape_cast %get3A_758 : vector<1x16xf32> to vector<16xf32>
          %mul3A_760 = vector.broadcast %squeeze3A_723 : f32 to vector<16xf32>
          %mul3A_761 = arith.mulf %get3A_759, %mul3A_760 : vector<16xf32>
          %add3A_762 = arith.constant 9 : i32
          %add3A_763 = arith.addi %multiple_of3A_161, %add3A_762 : i32
          %swap3A_764 = arith.index_cast %add3A_763 : i32 to index
          %swap3A_765 = arith.constant 32 : index
          %swap3A_766 = tpu.vector_load %arg14[%swap3A_764, %swap3A_765] {strides = array<i32>} : memref<128x64xf32, #tpu.memory_space<vmem>>, vector<1x16xf32>,
          %swap3A_767 = vector.shape_cast %swap3A_766 : vector<1x16xf32> to vector<16xf32>
          %swap3A_768 = vector.shape_cast %mul3A_761 : vector<16xf32> to vector<1x16xf32>
          tpu.vector_store %arg14[%swap3A_764, %swap3A_765], %swap3A_768 {strides = array<i32>} : memref<128x64xf32, #tpu.memory_space<vmem>>, vector<1x16xf32>,
          %add3A_769 = arith.constant 9 : i32
          %add3A_770 = arith.addi %multiple_of3A_161, %add3A_769 : i32
          %get3A_771 = arith.index_cast %add3A_770 : i32 to index
          %get3A_772 = arith.constant 48 : index
          %get3A_773 = tpu.vector_load %arg14[%get3A_771, %get3A_772] {strides = array<i32>} : memref<128x64xf32, #tpu.memory_space<vmem>>, vector<1x16xf32>,
          %get3A_774 = vector.shape_cast %get3A_773 : vector<1x16xf32> to vector<16xf32>
          %mul3A_775 = vector.broadcast %squeeze3A_723 : f32 to vector<16xf32>
          %mul3A_776 = arith.mulf %get3A_774, %mul3A_775 : vector<16xf32>
          %add3A_777 = arith.constant 9 : i32
          %add3A_778 = arith.addi %multiple_of3A_161, %add3A_777 : i32
          %swap3A_779 = arith.index_cast %add3A_778 : i32 to index
          %swap3A_780 = arith.constant 48 : index
          %swap3A_781 = tpu.vector_load %arg14[%swap3A_779, %swap3A_780] {strides = array<i32>} : memref<128x64xf32, #tpu.memory_space<vmem>>, vector<1x16xf32>,
          %swap3A_782 = vector.shape_cast %swap3A_781 : vector<1x16xf32> to vector<16xf32>
          %swap3A_783 = vector.shape_cast %mul3A_776 : vector<16xf32> to vector<1x16xf32>
          tpu.vector_store %arg14[%swap3A_779, %swap3A_780], %swap3A_783 {strides = array<i32>} : memref<128x64xf32, #tpu.memory_space<vmem>>, vector<1x16xf32>,
          %slice3A_784 = vector.extract_strided_slice %get3A_164 {offsets = [10], sizes = [1], strides = [1]} : vector<16xf32> to vector<1xf32>
          %squeeze3A_785 = vector.extract %slice3A_784[0] : f32 from vector<1xf32>
          %add3A_786 = arith.constant 10 : i32
          %add3A_787 = arith.addi %multiple_of3A_161, %add3A_786 : i32
          %get3A_788 = arith.index_cast %add3A_787 : i32 to index
          %get3A_789 = arith.constant 0 : index
          %get3A_790 = tpu.vector_load %arg14[%get3A_788, %get3A_789] {strides = array<i32>} : memref<128x64xf32, #tpu.memory_space<vmem>>, vector<1x16xf32>,
          %get3A_791 = vector.shape_cast %get3A_790 : vector<1x16xf32> to vector<16xf32>
          %mul3A_792 = vector.broadcast %squeeze3A_785 : f32 to vector<16xf32>
          %mul3A_793 = arith.mulf %get3A_791, %mul3A_792 : vector<16xf32>
          %add3A_794 = arith.constant 10 : i32
          %add3A_795 = arith.addi %multiple_of3A_161, %add3A_794 : i32
          %swap3A_796 = arith.index_cast %add3A_795 : i32 to index
          %swap3A_797 = arith.constant 0 : index
          %swap3A_798 = tpu.vector_load %arg14[%swap3A_796, %swap3A_797] {strides = array<i32>} : memref<128x64xf32, #tpu.memory_space<vmem>>, vector<1x16xf32>,
          %swap3A_799 = vector.shape_cast %swap3A_798 : vector<1x16xf32> to vector<16xf32>
          %swap3A_800 = vector.shape_cast %mul3A_793 : vector<16xf32> to vector<1x16xf32>
          tpu.vector_store %arg14[%swap3A_796, %swap3A_797], %swap3A_800 {strides = array<i32>} : memref<128x64xf32, #tpu.memory_space<vmem>>, vector<1x16xf32>,
          %add3A_801 = arith.constant 10 : i32
          %add3A_802 = arith.addi %multiple_of3A_161, %add3A_801 : i32
          %get3A_803 = arith.index_cast %add3A_802 : i32 to index
          %get3A_804 = arith.constant 16 : index
          %get3A_805 = tpu.vector_load %arg14[%get3A_803, %get3A_804] {strides = array<i32>} : memref<128x64xf32, #tpu.memory_space<vmem>>, vector<1x16xf32>,
          %get3A_806 = vector.shape_cast %get3A_805 : vector<1x16xf32> to vector<16xf32>
          %mul3A_807 = vector.broadcast %squeeze3A_785 : f32 to vector<16xf32>
          %mul3A_808 = arith.mulf %get3A_806, %mul3A_807 : vector<16xf32>
          %add3A_809 = arith.constant 10 : i32
          %add3A_810 = arith.addi %multiple_of3A_161, %add3A_809 : i32
          %swap3A_811 = arith.index_cast %add3A_810 : i32 to index
          %swap3A_812 = arith.constant 16 : index
          %swap3A_813 = tpu.vector_load %arg14[%swap3A_811, %swap3A_812] {strides = array<i32>} : memref<128x64xf32, #tpu.memory_space<vmem>>, vector<1x16xf32>,
          %swap3A_814 = vector.shape_cast %swap3A_813 : vector<1x16xf32> to vector<16xf32>
          %swap3A_815 = vector.shape_cast %mul3A_808 : vector<16xf32> to vector<1x16xf32>
          tpu.vector_store %arg14[%swap3A_811, %swap3A_812], %swap3A_815 {strides = array<i32>} : memref<128x64xf32, #tpu.memory_space<vmem>>, vector<1x16xf32>,
          %add3A_816 = arith.constant 10 : i32
          %add3A_817 = arith.addi %multiple_of3A_161, %add3A_816 : i32
          %get3A_818 = arith.index_cast %add3A_817 : i32 to index
          %get3A_819 = arith.constant 32 : index
          %get3A_820 = tpu.vector_load %arg14[%get3A_818, %get3A_819] {strides = array<i32>} : memref<128x64xf32, #tpu.memory_space<vmem>>, vector<1x16xf32>,
          %get3A_821 = vector.shape_cast %get3A_820 : vector<1x16xf32> to vector<16xf32>
          %mul3A_822 = vector.broadcast %squeeze3A_785 : f32 to vector<16xf32>
          %mul3A_823 = arith.mulf %get3A_821, %mul3A_822 : vector<16xf32>
          %add3A_824 = arith.constant 10 : i32
          %add3A_825 = arith.addi %multiple_of3A_161, %add3A_824 : i32
          %swap3A_826 = arith.index_cast %add3A_825 : i32 to index
          %swap3A_827 = arith.constant 32 : index
          %swap3A_828 = tpu.vector_load %arg14[%swap3A_826, %swap3A_827] {strides = array<i32>} : memref<128x64xf32, #tpu.memory_space<vmem>>, vector<1x16xf32>,
          %swap3A_829 = vector.shape_cast %swap3A_828 : vector<1x16xf32> to vector<16xf32>
          %swap3A_830 = vector.shape_cast %mul3A_823 : vector<16xf32> to vector<1x16xf32>
          tpu.vector_store %arg14[%swap3A_826, %swap3A_827], %swap3A_830 {strides = array<i32>} : memref<128x64xf32, #tpu.memory_space<vmem>>, vector<1x16xf32>,
          %add3A_831 = arith.constant 10 : i32
          %add3A_832 = arith.addi %multiple_of3A_161, %add3A_831 : i32
          %get3A_833 = arith.index_cast %add3A_832 : i32 to index
          %get3A_834 = arith.constant 48 : index
          %get3A_835 = tpu.vector_load %arg14[%get3A_833, %get3A_834] {strides = array<i32>} : memref<128x64xf32, #tpu.memory_space<vmem>>, vector<1x16xf32>,
          %get3A_836 = vector.shape_cast %get3A_835 : vector<1x16xf32> to vector<16xf32>
          %mul3A_837 = vector.broadcast %squeeze3A_785 : f32 to vector<16xf32>
          %mul3A_838 = arith.mulf %get3A_836, %mul3A_837 : vector<16xf32>
          %add3A_839 = arith.constant 10 : i32
          %add3A_840 = arith.addi %multiple_of3A_161, %add3A_839 : i32
          %swap3A_841 = arith.index_cast %add3A_840 : i32 to index
          %swap3A_842 = arith.constant 48 : index
          %swap3A_843 = tpu.vector_load %arg14[%swap3A_841, %swap3A_842] {strides = array<i32>} : memref<128x64xf32, #tpu.memory_space<vmem>>, vector<1x16xf32>,
          %swap3A_844 = vector.shape_cast %swap3A_843 : vector<1x16xf32> to vector<16xf32>
          %swap3A_845 = vector.shape_cast %mul3A_838 : vector<16xf32> to vector<1x16xf32>
          tpu.vector_store %arg14[%swap3A_841, %swap3A_842], %swap3A_845 {strides = array<i32>} : memref<128x64xf32, #tpu.memory_space<vmem>>, vector<1x16xf32>,
          %slice3A_846 = vector.extract_strided_slice %get3A_164 {offsets = [11], sizes = [1], strides = [1]} : vector<16xf32> to vector<1xf32>
          %squeeze3A_847 = vector.extract %slice3A_846[0] : f32 from vector<1xf32>
          %add3A_848 = arith.constant 11 : i32
          %add3A_849 = arith.addi %multiple_of3A_161, %add3A_848 : i32
          %get3A_850 = arith.index_cast %add3A_849 : i32 to index
          %get3A_851 = arith.constant 0 : index
          %get3A_852 = tpu.vector_load %arg14[%get3A_850, %get3A_851] {strides = array<i32>} : memref<128x64xf32, #tpu.memory_space<vmem>>, vector<1x16xf32>,
          %get3A_853 = vector.shape_cast %get3A_852 : vector<1x16xf32> to vector<16xf32>
          %mul3A_854 = vector.broadcast %squeeze3A_847 : f32 to vector<16xf32>
          %mul3A_855 = arith.mulf %get3A_853, %mul3A_854 : vector<16xf32>
          %add3A_856 = arith.constant 11 : i32
          %add3A_857 = arith.addi %multiple_of3A_161, %add3A_856 : i32
          %swap3A_858 = arith.index_cast %add3A_857 : i32 to index
          %swap3A_859 = arith.constant 0 : index
          %swap3A_860 = tpu.vector_load %arg14[%swap3A_858, %swap3A_859] {strides = array<i32>} : memref<128x64xf32, #tpu.memory_space<vmem>>, vector<1x16xf32>,
          %swap3A_861 = vector.shape_cast %swap3A_860 : vector<1x16xf32> to vector<16xf32>
          %swap3A_862 = vector.shape_cast %mul3A_855 : vector<16xf32> to vector<1x16xf32>
          tpu.vector_store %arg14[%swap3A_858, %swap3A_859], %swap3A_862 {strides = array<i32>} : memref<128x64xf32, #tpu.memory_space<vmem>>, vector<1x16xf32>,
          %add3A_863 = arith.constant 11 : i32
          %add3A_864 = arith.addi %multiple_of3A_161, %add3A_863 : i32
          %get3A_865 = arith.index_cast %add3A_864 : i32 to index
          %get3A_866 = arith.constant 16 : index
          %get3A_867 = tpu.vector_load %arg14[%get3A_865, %get3A_866] {strides = array<i32>} : memref<128x64xf32, #tpu.memory_space<vmem>>, vector<1x16xf32>,
          %get3A_868 = vector.shape_cast %get3A_867 : vector<1x16xf32> to vector<16xf32>
          %mul3A_869 = vector.broadcast %squeeze3A_847 : f32 to vector<16xf32>
          %mul3A_870 = arith.mulf %get3A_868, %mul3A_869 : vector<16xf32>
          %add3A_871 = arith.constant 11 : i32
          %add3A_872 = arith.addi %multiple_of3A_161, %add3A_871 : i32
          %swap3A_873 = arith.index_cast %add3A_872 : i32 to index
          %swap3A_874 = arith.constant 16 : index
          %swap3A_875 = tpu.vector_load %arg14[%swap3A_873, %swap3A_874] {strides = array<i32>} : memref<128x64xf32, #tpu.memory_space<vmem>>, vector<1x16xf32>,
          %swap3A_876 = vector.shape_cast %swap3A_875 : vector<1x16xf32> to vector<16xf32>
          %swap3A_877 = vector.shape_cast %mul3A_870 : vector<16xf32> to vector<1x16xf32>
          tpu.vector_store %arg14[%swap3A_873, %swap3A_874], %swap3A_877 {strides = array<i32>} : memref<128x64xf32, #tpu.memory_space<vmem>>, vector<1x16xf32>,
          %add3A_878 = arith.constant 11 : i32
          %add3A_879 = arith.addi %multiple_of3A_161, %add3A_878 : i32
          %get3A_880 = arith.index_cast %add3A_879 : i32 to index
          %get3A_881 = arith.constant 32 : index
          %get3A_882 = tpu.vector_load %arg14[%get3A_880, %get3A_881] {strides = array<i32>} : memref<128x64xf32, #tpu.memory_space<vmem>>, vector<1x16xf32>,
          %get3A_883 = vector.shape_cast %get3A_882 : vector<1x16xf32> to vector<16xf32>
          %mul3A_884 = vector.broadcast %squeeze3A_847 : f32 to vector<16xf32>
          %mul3A_885 = arith.mulf %get3A_883, %mul3A_884 : vector<16xf32>
          %add3A_886 = arith.constant 11 : i32
          %add3A_887 = arith.addi %multiple_of3A_161, %add3A_886 : i32
          %swap3A_888 = arith.index_cast %add3A_887 : i32 to index
          %swap3A_889 = arith.constant 32 : index
          %swap3A_890 = tpu.vector_load %arg14[%swap3A_888, %swap3A_889] {strides = array<i32>} : memref<128x64xf32, #tpu.memory_space<vmem>>, vector<1x16xf32>,
          %swap3A_891 = vector.shape_cast %swap3A_890 : vector<1x16xf32> to vector<16xf32>
          %swap3A_892 = vector.shape_cast %mul3A_885 : vector<16xf32> to vector<1x16xf32>
          tpu.vector_store %arg14[%swap3A_888, %swap3A_889], %swap3A_892 {strides = array<i32>} : memref<128x64xf32, #tpu.memory_space<vmem>>, vector<1x16xf32>,
          %add3A_893 = arith.constant 11 : i32
          %add3A_894 = arith.addi %multiple_of3A_161, %add3A_893 : i32
          %get3A_895 = arith.index_cast %add3A_894 : i32 to index
          %get3A_896 = arith.constant 48 : index
          %get3A_897 = tpu.vector_load %arg14[%get3A_895, %get3A_896] {strides = array<i32>} : memref<128x64xf32, #tpu.memory_space<vmem>>, vector<1x16xf32>,
          %get3A_898 = vector.shape_cast %get3A_897 : vector<1x16xf32> to vector<16xf32>
          %mul3A_899 = vector.broadcast %squeeze3A_847 : f32 to vector<16xf32>
          %mul3A_900 = arith.mulf %get3A_898, %mul3A_899 : vector<16xf32>
          %add3A_901 = arith.constant 11 : i32
          %add3A_902 = arith.addi %multiple_of3A_161, %add3A_901 : i32
          %swap3A_903 = arith.index_cast %add3A_902 : i32 to index
          %swap3A_904 = arith.constant 48 : index
          %swap3A_905 = tpu.vector_load %arg14[%swap3A_903, %swap3A_904] {strides = array<i32>} : memref<128x64xf32, #tpu.memory_space<vmem>>, vector<1x16xf32>,
          %swap3A_906 = vector.shape_cast %swap3A_905 : vector<1x16xf32> to vector<16xf32>
          %swap3A_907 = vector.shape_cast %mul3A_900 : vector<16xf32> to vector<1x16xf32>
          tpu.vector_store %arg14[%swap3A_903, %swap3A_904], %swap3A_907 {strides = array<i32>} : memref<128x64xf32, #tpu.memory_space<vmem>>, vector<1x16xf32>,
          %slice3A_908 = vector.extract_strided_slice %get3A_164 {offsets = [12], sizes = [1], strides = [1]} : vector<16xf32> to vector<1xf32>
          %squeeze3A_909 = vector.extract %slice3A_908[0] : f32 from vector<1xf32>
          %add3A_910 = arith.constant 12 : i32
          %add3A_911 = arith.addi %multiple_of3A_161, %add3A_910 : i32
          %get3A_912 = arith.index_cast %add3A_911 : i32 to index
          %get3A_913 = arith.constant 0 : index
          %get3A_914 = tpu.vector_load %arg14[%get3A_912, %get3A_913] {strides = array<i32>} : memref<128x64xf32, #tpu.memory_space<vmem>>, vector<1x16xf32>,
          %get3A_915 = vector.shape_cast %get3A_914 : vector<1x16xf32> to vector<16xf32>
          %mul3A_916 = vector.broadcast %squeeze3A_909 : f32 to vector<16xf32>
          %mul3A_917 = arith.mulf %get3A_915, %mul3A_916 : vector<16xf32>
          %add3A_918 = arith.constant 12 : i32
          %add3A_919 = arith.addi %multiple_of3A_161, %add3A_918 : i32
          %swap3A_920 = arith.index_cast %add3A_919 : i32 to index
          %swap3A_921 = arith.constant 0 : index
          %swap3A_922 = tpu.vector_load %arg14[%swap3A_920, %swap3A_921] {strides = array<i32>} : memref<128x64xf32, #tpu.memory_space<vmem>>, vector<1x16xf32>,
          %swap3A_923 = vector.shape_cast %swap3A_922 : vector<1x16xf32> to vector<16xf32>
          %swap3A_924 = vector.shape_cast %mul3A_917 : vector<16xf32> to vector<1x16xf32>
          tpu.vector_store %arg14[%swap3A_920, %swap3A_921], %swap3A_924 {strides = array<i32>} : memref<128x64xf32, #tpu.memory_space<vmem>>, vector<1x16xf32>,
          %add3A_925 = arith.constant 12 : i32
          %add3A_926 = arith.addi %multiple_of3A_161, %add3A_925 : i32
          %get3A_927 = arith.index_cast %add3A_926 : i32 to index
          %get3A_928 = arith.constant 16 : index
          %get3A_929 = tpu.vector_load %arg14[%get3A_927, %get3A_928] {strides = array<i32>} : memref<128x64xf32, #tpu.memory_space<vmem>>, vector<1x16xf32>,
          %get3A_930 = vector.shape_cast %get3A_929 : vector<1x16xf32> to vector<16xf32>
          %mul3A_931 = vector.broadcast %squeeze3A_909 : f32 to vector<16xf32>
          %mul3A_932 = arith.mulf %get3A_930, %mul3A_931 : vector<16xf32>
          %add3A_933 = arith.constant 12 : i32
          %add3A_934 = arith.addi %multiple_of3A_161, %add3A_933 : i32
          %swap3A_935 = arith.index_cast %add3A_934 : i32 to index
          %swap3A_936 = arith.constant 16 : index
          %swap3A_937 = tpu.vector_load %arg14[%swap3A_935, %swap3A_936] {strides = array<i32>} : memref<128x64xf32, #tpu.memory_space<vmem>>, vector<1x16xf32>,
          %swap3A_938 = vector.shape_cast %swap3A_937 : vector<1x16xf32> to vector<16xf32>
          %swap3A_939 = vector.shape_cast %mul3A_932 : vector<16xf32> to vector<1x16xf32>
          tpu.vector_store %arg14[%swap3A_935, %swap3A_936], %swap3A_939 {strides = array<i32>} : memref<128x64xf32, #tpu.memory_space<vmem>>, vector<1x16xf32>,
          %add3A_940 = arith.constant 12 : i32
          %add3A_941 = arith.addi %multiple_of3A_161, %add3A_940 : i32
          %get3A_942 = arith.index_cast %add3A_941 : i32 to index
          %get3A_943 = arith.constant 32 : index
          %get3A_944 = tpu.vector_load %arg14[%get3A_942, %get3A_943] {strides = array<i32>} : memref<128x64xf32, #tpu.memory_space<vmem>>, vector<1x16xf32>,
          %get3A_945 = vector.shape_cast %get3A_944 : vector<1x16xf32> to vector<16xf32>
          %mul3A_946 = vector.broadcast %squeeze3A_909 : f32 to vector<16xf32>
          %mul3A_947 = arith.mulf %get3A_945, %mul3A_946 : vector<16xf32>
          %add3A_948 = arith.constant 12 : i32
          %add3A_949 = arith.addi %multiple_of3A_161, %add3A_948 : i32
          %swap3A_950 = arith.index_cast %add3A_949 : i32 to index
          %swap3A_951 = arith.constant 32 : index
          %swap3A_952 = tpu.vector_load %arg14[%swap3A_950, %swap3A_951] {strides = array<i32>} : memref<128x64xf32, #tpu.memory_space<vmem>>, vector<1x16xf32>,
          %swap3A_953 = vector.shape_cast %swap3A_952 : vector<1x16xf32> to vector<16xf32>
          %swap3A_954 = vector.shape_cast %mul3A_947 : vector<16xf32> to vector<1x16xf32>
          tpu.vector_store %arg14[%swap3A_950, %swap3A_951], %swap3A_954 {strides = array<i32>} : memref<128x64xf32, #tpu.memory_space<vmem>>, vector<1x16xf32>,
          %add3A_955 = arith.constant 12 : i32
          %add3A_956 = arith.addi %multiple_of3A_161, %add3A_955 : i32
          %get3A_957 = arith.index_cast %add3A_956 : i32 to index
          %get3A_958 = arith.constant 48 : index
          %get3A_959 = tpu.vector_load %arg14[%get3A_957, %get3A_958] {strides = array<i32>} : memref<128x64xf32, #tpu.memory_space<vmem>>, vector<1x16xf32>,
          %get3A_960 = vector.shape_cast %get3A_959 : vector<1x16xf32> to vector<16xf32>
          %mul3A_961 = vector.broadcast %squeeze3A_909 : f32 to vector<16xf32>
          %mul3A_962 = arith.mulf %get3A_960, %mul3A_961 : vector<16xf32>
          %add3A_963 = arith.constant 12 : i32
          %add3A_964 = arith.addi %multiple_of3A_161, %add3A_963 : i32
          %swap3A_965 = arith.index_cast %add3A_964 : i32 to index
          %swap3A_966 = arith.constant 48 : index
          %swap3A_967 = tpu.vector_load %arg14[%swap3A_965, %swap3A_966] {strides = array<i32>} : memref<128x64xf32, #tpu.memory_space<vmem>>, vector<1x16xf32>,
          %swap3A_968 = vector.shape_cast %swap3A_967 : vector<1x16xf32> to vector<16xf32>
          %swap3A_969 = vector.shape_cast %mul3A_962 : vector<16xf32> to vector<1x16xf32>
          tpu.vector_store %arg14[%swap3A_965, %swap3A_966], %swap3A_969 {strides = array<i32>} : memref<128x64xf32, #tpu.memory_space<vmem>>, vector<1x16xf32>,
          %slice3A_970 = vector.extract_strided_slice %get3A_164 {offsets = [13], sizes = [1], strides = [1]} : vector<16xf32> to vector<1xf32>
          %squeeze3A_971 = vector.extract %slice3A_970[0] : f32 from vector<1xf32>
          %add3A_972 = arith.constant 13 : i32
          %add3A_973 = arith.addi %multiple_of3A_161, %add3A_972 : i32
          %get3A_974 = arith.index_cast %add3A_973 : i32 to index
          %get3A_975 = arith.constant 0 : index
          %get3A_976 = tpu.vector_load %arg14[%get3A_974, %get3A_975] {strides = array<i32>} : memref<128x64xf32, #tpu.memory_space<vmem>>, vector<1x16xf32>,
          %get3A_977 = vector.shape_cast %get3A_976 : vector<1x16xf32> to vector<16xf32>
          %mul3A_978 = vector.broadcast %squeeze3A_971 : f32 to vector<16xf32>
          %mul3A_979 = arith.mulf %get3A_977, %mul3A_978 : vector<16xf32>
          %add3A_980 = arith.constant 13 : i32
          %add3A_981 = arith.addi %multiple_of3A_161, %add3A_980 : i32
          %swap3A_982 = arith.index_cast %add3A_981 : i32 to index
          %swap3A_983 = arith.constant 0 : index
          %swap3A_984 = tpu.vector_load %arg14[%swap3A_982, %swap3A_983] {strides = array<i32>} : memref<128x64xf32, #tpu.memory_space<vmem>>, vector<1x16xf32>,
          %swap3A_985 = vector.shape_cast %swap3A_984 : vector<1x16xf32> to vector<16xf32>
          %swap3A_986 = vector.shape_cast %mul3A_979 : vector<16xf32> to vector<1x16xf32>
          tpu.vector_store %arg14[%swap3A_982, %swap3A_983], %swap3A_986 {strides = array<i32>} : memref<128x64xf32, #tpu.memory_space<vmem>>, vector<1x16xf32>,
          %add3A_987 = arith.constant 13 : i32
          %add3A_988 = arith.addi %multiple_of3A_161, %add3A_987 : i32
          %get3A_989 = arith.index_cast %add3A_988 : i32 to index
          %get3A_990 = arith.constant 16 : index
          %get3A_991 = tpu.vector_load %arg14[%get3A_989, %get3A_990] {strides = array<i32>} : memref<128x64xf32, #tpu.memory_space<vmem>>, vector<1x16xf32>,
          %get3A_992 = vector.shape_cast %get3A_991 : vector<1x16xf32> to vector<16xf32>
          %mul3A_993 = vector.broadcast %squeeze3A_971 : f32 to vector<16xf32>
          %mul3A_994 = arith.mulf %get3A_992, %mul3A_993 : vector<16xf32>
          %add3A_995 = arith.constant 13 : i32
          %add3A_996 = arith.addi %multiple_of3A_161, %add3A_995 : i32
          %swap3A_997 = arith.index_cast %add3A_996 : i32 to index
          %swap3A_998 = arith.constant 16 : index
          %swap3A_999 = tpu.vector_load %arg14[%swap3A_997, %swap3A_998] {strides = array<i32>} : memref<128x64xf32, #tpu.memory_space<vmem>>, vector<1x16xf32>,
          %swap3A_1000 = vector.shape_cast %swap3A_999 : vector<1x16xf32> to vector<16xf32>
          %swap3A_1001 = vector.shape_cast %mul3A_994 : vector<16xf32> to vector<1x16xf32>
          tpu.vector_store %arg14[%swap3A_997, %swap3A_998], %swap3A_1001 {strides = array<i32>} : memref<128x64xf32, #tpu.memory_space<vmem>>, vector<1x16xf32>,
          %add3A_1002 = arith.constant 13 : i32
          %add3A_1003 = arith.addi %multiple_of3A_161, %add3A_1002 : i32
          %get3A_1004 = arith.index_cast %add3A_1003 : i32 to index
          %get3A_1005 = arith.constant 32 : index
          %get3A_1006 = tpu.vector_load %arg14[%get3A_1004, %get3A_1005] {strides = array<i32>} : memref<128x64xf32, #tpu.memory_space<vmem>>, vector<1x16xf32>,
          %get3A_1007 = vector.shape_cast %get3A_1006 : vector<1x16xf32> to vector<16xf32>
          %mul3A_1008 = vector.broadcast %squeeze3A_971 : f32 to vector<16xf32>
          %mul3A_1009 = arith.mulf %get3A_1007, %mul3A_1008 : vector<16xf32>
          %add3A_1010 = arith.constant 13 : i32
          %add3A_1011 = arith.addi %multiple_of3A_161, %add3A_1010 : i32
          %swap3A_1012 = arith.index_cast %add3A_1011 : i32 to index
          %swap3A_1013 = arith.constant 32 : index
          %swap3A_1014 = tpu.vector_load %arg14[%swap3A_1012, %swap3A_1013] {strides = array<i32>} : memref<128x64xf32, #tpu.memory_space<vmem>>, vector<1x16xf32>,
          %swap3A_1015 = vector.shape_cast %swap3A_1014 : vector<1x16xf32> to vector<16xf32>
          %swap3A_1016 = vector.shape_cast %mul3A_1009 : vector<16xf32> to vector<1x16xf32>
          tpu.vector_store %arg14[%swap3A_1012, %swap3A_1013], %swap3A_1016 {strides = array<i32>} : memref<128x64xf32, #tpu.memory_space<vmem>>, vector<1x16xf32>,
          %add3A_1017 = arith.constant 13 : i32
          %add3A_1018 = arith.addi %multiple_of3A_161, %add3A_1017 : i32
          %get3A_1019 = arith.index_cast %add3A_1018 : i32 to index
          %get3A_1020 = arith.constant 48 : index
          %get3A_1021 = tpu.vector_load %arg14[%get3A_1019, %get3A_1020] {strides = array<i32>} : memref<128x64xf32, #tpu.memory_space<vmem>>, vector<1x16xf32>,
          %get3A_1022 = vector.shape_cast %get3A_1021 : vector<1x16xf32> to vector<16xf32>
          %mul3A_1023 = vector.broadcast %squeeze3A_971 : f32 to vector<16xf32>
          %mul3A_1024 = arith.mulf %get3A_1022, %mul3A_1023 : vector<16xf32>
          %add3A_1025 = arith.constant 13 : i32
          %add3A_1026 = arith.addi %multiple_of3A_161, %add3A_1025 : i32
          %swap3A_1027 = arith.index_cast %add3A_1026 : i32 to index
          %swap3A_1028 = arith.constant 48 : index
          %swap3A_1029 = tpu.vector_load %arg14[%swap3A_1027, %swap3A_1028] {strides = array<i32>} : memref<128x64xf32, #tpu.memory_space<vmem>>, vector<1x16xf32>,
          %swap3A_1030 = vector.shape_cast %swap3A_1029 : vector<1x16xf32> to vector<16xf32>
          %swap3A_1031 = vector.shape_cast %mul3A_1024 : vector<16xf32> to vector<1x16xf32>
          tpu.vector_store %arg14[%swap3A_1027, %swap3A_1028], %swap3A_1031 {strides = array<i32>} : memref<128x64xf32, #tpu.memory_space<vmem>>, vector<1x16xf32>,
          %slice3A_1032 = vector.extract_strided_slice %get3A_164 {offsets = [14], sizes = [1], strides = [1]} : vector<16xf32> to vector<1xf32>
          %squeeze3A_1033 = vector.extract %slice3A_1032[0] : f32 from vector<1xf32>
          %add3A_1034 = arith.constant 14 : i32
          %add3A_1035 = arith.addi %multiple_of3A_161, %add3A_1034 : i32
          %get3A_1036 = arith.index_cast %add3A_1035 : i32 to index
          %get3A_1037 = arith.constant 0 : index
          %get3A_1038 = tpu.vector_load %arg14[%get3A_1036, %get3A_1037] {strides = array<i32>} : memref<128x64xf32, #tpu.memory_space<vmem>>, vector<1x16xf32>,
          %get3A_1039 = vector.shape_cast %get3A_1038 : vector<1x16xf32> to vector<16xf32>
          %mul3A_1040 = vector.broadcast %squeeze3A_1033 : f32 to vector<16xf32>
          %mul3A_1041 = arith.mulf %get3A_1039, %mul3A_1040 : vector<16xf32>
          %add3A_1042 = arith.constant 14 : i32
          %add3A_1043 = arith.addi %multiple_of3A_161, %add3A_1042 : i32
          %swap3A_1044 = arith.index_cast %add3A_1043 : i32 to index
          %swap3A_1045 = arith.constant 0 : index
          %swap3A_1046 = tpu.vector_load %arg14[%swap3A_1044, %swap3A_1045] {strides = array<i32>} : memref<128x64xf32, #tpu.memory_space<vmem>>, vector<1x16xf32>,
          %swap3A_1047 = vector.shape_cast %swap3A_1046 : vector<1x16xf32> to vector<16xf32>
          %swap3A_1048 = vector.shape_cast %mul3A_1041 : vector<16xf32> to vector<1x16xf32>
          tpu.vector_store %arg14[%swap3A_1044, %swap3A_1045], %swap3A_1048 {strides = array<i32>} : memref<128x64xf32, #tpu.memory_space<vmem>>, vector<1x16xf32>,
          %add3A_1049 = arith.constant 14 : i32
          %add3A_1050 = arith.addi %multiple_of3A_161, %add3A_1049 : i32
          %get3A_1051 = arith.index_cast %add3A_1050 : i32 to index
          %get3A_1052 = arith.constant 16 : index
          %get3A_1053 = tpu.vector_load %arg14[%get3A_1051, %get3A_1052] {strides = array<i32>} : memref<128x64xf32, #tpu.memory_space<vmem>>, vector<1x16xf32>,
          %get3A_1054 = vector.shape_cast %get3A_1053 : vector<1x16xf32> to vector<16xf32>
          %mul3A_1055 = vector.broadcast %squeeze3A_1033 : f32 to vector<16xf32>
          %mul3A_1056 = arith.mulf %get3A_1054, %mul3A_1055 : vector<16xf32>
          %add3A_1057 = arith.constant 14 : i32
          %add3A_1058 = arith.addi %multiple_of3A_161, %add3A_1057 : i32
          %swap3A_1059 = arith.index_cast %add3A_1058 : i32 to index
          %swap3A_1060 = arith.constant 16 : index
          %swap3A_1061 = tpu.vector_load %arg14[%swap3A_1059, %swap3A_1060] {strides = array<i32>} : memref<128x64xf32, #tpu.memory_space<vmem>>, vector<1x16xf32>,
          %swap3A_1062 = vector.shape_cast %swap3A_1061 : vector<1x16xf32> to vector<16xf32>
          %swap3A_1063 = vector.shape_cast %mul3A_1056 : vector<16xf32> to vector<1x16xf32>
          tpu.vector_store %arg14[%swap3A_1059, %swap3A_1060], %swap3A_1063 {strides = array<i32>} : memref<128x64xf32, #tpu.memory_space<vmem>>, vector<1x16xf32>,
          %add3A_1064 = arith.constant 14 : i32
          %add3A_1065 = arith.addi %multiple_of3A_161, %add3A_1064 : i32
          %get3A_1066 = arith.index_cast %add3A_1065 : i32 to index
          %get3A_1067 = arith.constant 32 : index
          %get3A_1068 = tpu.vector_load %arg14[%get3A_1066, %get3A_1067] {strides = array<i32>} : memref<128x64xf32, #tpu.memory_space<vmem>>, vector<1x16xf32>,
          %get3A_1069 = vector.shape_cast %get3A_1068 : vector<1x16xf32> to vector<16xf32>
          %mul3A_1070 = vector.broadcast %squeeze3A_1033 : f32 to vector<16xf32>
          %mul3A_1071 = arith.mulf %get3A_1069, %mul3A_1070 : vector<16xf32>
          %add3A_1072 = arith.constant 14 : i32
          %add3A_1073 = arith.addi %multiple_of3A_161, %add3A_1072 : i32
          %swap3A_1074 = arith.index_cast %add3A_1073 : i32 to index
          %swap3A_1075 = arith.constant 32 : index
          %swap3A_1076 = tpu.vector_load %arg14[%swap3A_1074, %swap3A_1075] {strides = array<i32>} : memref<128x64xf32, #tpu.memory_space<vmem>>, vector<1x16xf32>,
          %swap3A_1077 = vector.shape_cast %swap3A_1076 : vector<1x16xf32> to vector<16xf32>
          %swap3A_1078 = vector.shape_cast %mul3A_1071 : vector<16xf32> to vector<1x16xf32>
          tpu.vector_store %arg14[%swap3A_1074, %swap3A_1075], %swap3A_1078 {strides = array<i32>} : memref<128x64xf32, #tpu.memory_space<vmem>>, vector<1x16xf32>,
          %add3A_1079 = arith.constant 14 : i32
          %add3A_1080 = arith.addi %multiple_of3A_161, %add3A_1079 : i32
          %get3A_1081 = arith.index_cast %add3A_1080 : i32 to index
          %get3A_1082 = arith.constant 48 : index
          %get3A_1083 = tpu.vector_load %arg14[%get3A_1081, %get3A_1082] {strides = array<i32>} : memref<128x64xf32, #tpu.memory_space<vmem>>, vector<1x16xf32>,
          %get3A_1084 = vector.shape_cast %get3A_1083 : vector<1x16xf32> to vector<16xf32>
          %mul3A_1085 = vector.broadcast %squeeze3A_1033 : f32 to vector<16xf32>
          %mul3A_1086 = arith.mulf %get3A_1084, %mul3A_1085 : vector<16xf32>
          %add3A_1087 = arith.constant 14 : i32
          %add3A_1088 = arith.addi %multiple_of3A_161, %add3A_1087 : i32
          %swap3A_1089 = arith.index_cast %add3A_1088 : i32 to index
          %swap3A_1090 = arith.constant 48 : index
          %swap3A_1091 = tpu.vector_load %arg14[%swap3A_1089, %swap3A_1090] {strides = array<i32>} : memref<128x64xf32, #tpu.memory_space<vmem>>, vector<1x16xf32>,
          %swap3A_1092 = vector.shape_cast %swap3A_1091 : vector<1x16xf32> to vector<16xf32>
          %swap3A_1093 = vector.shape_cast %mul3A_1086 : vector<16xf32> to vector<1x16xf32>
          tpu.vector_store %arg14[%swap3A_1089, %swap3A_1090], %swap3A_1093 {strides = array<i32>} : memref<128x64xf32, #tpu.memory_space<vmem>>, vector<1x16xf32>,
          %slice3A_1094 = vector.extract_strided_slice %get3A_164 {offsets = [15], sizes = [1], strides = [1]} : vector<16xf32> to vector<1xf32>
          %squeeze3A_1095 = vector.extract %slice3A_1094[0] : f32 from vector<1xf32>
          %add3A_1096 = arith.constant 15 : i32
          %add3A_1097 = arith.addi %multiple_of3A_161, %add3A_1096 : i32
          %get3A_1098 = arith.index_cast %add3A_1097 : i32 to index
          %get3A_1099 = arith.constant 0 : index
          %get3A_1100 = tpu.vector_load %arg14[%get3A_1098, %get3A_1099] {strides = array<i32>} : memref<128x64xf32, #tpu.memory_space<vmem>>, vector<1x16xf32>,
          %get3A_1101 = vector.shape_cast %get3A_1100 : vector<1x16xf32> to vector<16xf32>
          %mul3A_1102 = vector.broadcast %squeeze3A_1095 : f32 to vector<16xf32>
          %mul3A_1103 = arith.mulf %get3A_1101, %mul3A_1102 : vector<16xf32>
          %add3A_1104 = arith.constant 15 : i32
          %add3A_1105 = arith.addi %multiple_of3A_161, %add3A_1104 : i32
          %swap3A_1106 = arith.index_cast %add3A_1105 : i32 to index
          %swap3A_1107 = arith.constant 0 : index
          %swap3A_1108 = tpu.vector_load %arg14[%swap3A_1106, %swap3A_1107] {strides = array<i32>} : memref<128x64xf32, #tpu.memory_space<vmem>>, vector<1x16xf32>,
          %swap3A_1109 = vector.shape_cast %swap3A_1108 : vector<1x16xf32> to vector<16xf32>
          %swap3A_1110 = vector.shape_cast %mul3A_1103 : vector<16xf32> to vector<1x16xf32>
          tpu.vector_store %arg14[%swap3A_1106, %swap3A_1107], %swap3A_1110 {strides = array<i32>} : memref<128x64xf32, #tpu.memory_space<vmem>>, vector<1x16xf32>,
          %add3A_1111 = arith.constant 15 : i32
          %add3A_1112 = arith.addi %multiple_of3A_161, %add3A_1111 : i32
          %get3A_1113 = arith.index_cast %add3A_1112 : i32 to index
          %get3A_1114 = arith.constant 16 : index
          %get3A_1115 = tpu.vector_load %arg14[%get3A_1113, %get3A_1114] {strides = array<i32>} : memref<128x64xf32, #tpu.memory_space<vmem>>, vector<1x16xf32>,
          %get3A_1116 = vector.shape_cast %get3A_1115 : vector<1x16xf32> to vector<16xf32>
          %mul3A_1117 = vector.broadcast %squeeze3A_1095 : f32 to vector<16xf32>
          %mul3A_1118 = arith.mulf %get3A_1116, %mul3A_1117 : vector<16xf32>
          %add3A_1119 = arith.constant 15 : i32
          %add3A_1120 = arith.addi %multiple_of3A_161, %add3A_1119 : i32
          %swap3A_1121 = arith.index_cast %add3A_1120 : i32 to index
          %swap3A_1122 = arith.constant 16 : index
          %swap3A_1123 = tpu.vector_load %arg14[%swap3A_1121, %swap3A_1122] {strides = array<i32>} : memref<128x64xf32, #tpu.memory_space<vmem>>, vector<1x16xf32>,
          %swap3A_1124 = vector.shape_cast %swap3A_1123 : vector<1x16xf32> to vector<16xf32>
          %swap3A_1125 = vector.shape_cast %mul3A_1118 : vector<16xf32> to vector<1x16xf32>
          tpu.vector_store %arg14[%swap3A_1121, %swap3A_1122], %swap3A_1125 {strides = array<i32>} : memref<128x64xf32, #tpu.memory_space<vmem>>, vector<1x16xf32>,
          %add3A_1126 = arith.constant 15 : i32
          %add3A_1127 = arith.addi %multiple_of3A_161, %add3A_1126 : i32
          %get3A_1128 = arith.index_cast %add3A_1127 : i32 to index
          %get3A_1129 = arith.constant 32 : index
          %get3A_1130 = tpu.vector_load %arg14[%get3A_1128, %get3A_1129] {strides = array<i32>} : memref<128x64xf32, #tpu.memory_space<vmem>>, vector<1x16xf32>,
          %get3A_1131 = vector.shape_cast %get3A_1130 : vector<1x16xf32> to vector<16xf32>
          %mul3A_1132 = vector.broadcast %squeeze3A_1095 : f32 to vector<16xf32>
          %mul3A_1133 = arith.mulf %get3A_1131, %mul3A_1132 : vector<16xf32>
          %add3A_1134 = arith.constant 15 : i32
          %add3A_1135 = arith.addi %multiple_of3A_161, %add3A_1134 : i32
          %swap3A_1136 = arith.index_cast %add3A_1135 : i32 to index
          %swap3A_1137 = arith.constant 32 : index
          %swap3A_1138 = tpu.vector_load %arg14[%swap3A_1136, %swap3A_1137] {strides = array<i32>} : memref<128x64xf32, #tpu.memory_space<vmem>>, vector<1x16xf32>,
          %swap3A_1139 = vector.shape_cast %swap3A_1138 : vector<1x16xf32> to vector<16xf32>
          %swap3A_1140 = vector.shape_cast %mul3A_1133 : vector<16xf32> to vector<1x16xf32>
          tpu.vector_store %arg14[%swap3A_1136, %swap3A_1137], %swap3A_1140 {strides = array<i32>} : memref<128x64xf32, #tpu.memory_space<vmem>>, vector<1x16xf32>,
          %add3A_1141 = arith.constant 15 : i32
          %add3A_1142 = arith.addi %multiple_of3A_161, %add3A_1141 : i32
          %get3A_1143 = arith.index_cast %add3A_1142 : i32 to index
          %get3A_1144 = arith.constant 48 : index
          %get3A_1145 = tpu.vector_load %arg14[%get3A_1143, %get3A_1144] {strides = array<i32>} : memref<128x64xf32, #tpu.memory_space<vmem>>, vector<1x16xf32>,
          %get3A_1146 = vector.shape_cast %get3A_1145 : vector<1x16xf32> to vector<16xf32>
          %mul3A_1147 = vector.broadcast %squeeze3A_1095 : f32 to vector<16xf32>
          %mul3A_1148 = arith.mulf %get3A_1146, %mul3A_1147 : vector<16xf32>
          %add3A_1149 = arith.constant 15 : i32
          %add3A_1150 = arith.addi %multiple_of3A_161, %add3A_1149 : i32
          %swap3A_1151 = arith.index_cast %add3A_1150 : i32 to index
          %swap3A_1152 = arith.constant 48 : index
          %swap3A_1153 = tpu.vector_load %arg14[%swap3A_1151, %swap3A_1152] {strides = array<i32>} : memref<128x64xf32, #tpu.memory_space<vmem>>, vector<1x16xf32>,
          %swap3A_1154 = vector.shape_cast %swap3A_1153 : vector<1x16xf32> to vector<16xf32>
          %swap3A_1155 = vector.shape_cast %mul3A_1148 : vector<16xf32> to vector<1x16xf32>
          tpu.vector_store %arg14[%swap3A_1151, %swap3A_1152], %swap3A_1155 {strides = array<i32>} : memref<128x64xf32, #tpu.memory_space<vmem>>, vector<1x16xf32>,
        }
        %scan3A_151 = arith.constant 8 : i32
        %dma_start3A_152 = arith.constant 0 : i32
        %dma_start3A_153 = arith.constant 0 : i32
        %dma_start3A_154 = tpu.memref_slice %arg15[%dma_start3A_152, %dma_start3A_153] : memref<13312x64xf32, #tpu.memory_space<vmem_shared>> -> memref<13312x64xf32, #tpu.memory_space<vmem_shared>>
        tpu.enqueue_indirect_dma source(%arg14 : memref<128x64xf32, #tpu.memory_space<vmem>>) target(%dma_start3A_154 : memref<13312x64xf32, #tpu.memory_space<vmem_shared>>) offsets(%arg13 : memref<128xi32, #tpu.memory_space<vmem>>) semaphore(%arg17 : memref<!tpu.dma_semaphore, #tpu.memory_space<semaphore_mem>>) {add = true}
        %dma_wait3A_155 = arith.constant 0 : i32
        %dma_wait3A_156 = arith.constant 0 : i32
        %dma_wait3A_157 = tpu.memref_slice %arg15[%dma_wait3A_155, %dma_wait3A_156] : memref<13312x64xf32, #tpu.memory_space<vmem_shared>> -> memref<13312x64xf32, #tpu.memory_space<vmem_shared>>
        tpu.wait_indirect_dma semaphore(%arg17 : memref<!tpu.dma_semaphore, #tpu.memory_space<semaphore_mem>>) src(%arg14 : memref<128x64xf32, #tpu.memory_space<vmem>>) dst(%dma_wait3A_157 : memref<13312x64xf32, #tpu.memory_space<vmem_shared>>)
      }
      %while3A_130 = arith.constant 1 : i32
      scf.for %while3A_131 = %while3A_128 to %while3A_124 step %while3A_130  : i32 {
        %mul3A_132 = arith.constant 128 : i32
        %mul3A_133 = arith.muli %while3A_131, %mul3A_132 : i32
        %add3A_134 = arith.addi %multiple_of3A_51, %mul3A_133 : i32
        %multiple_of3A_135 = tpu.assume_multiple %add3A_134, 8 : i32
        "tpu.region"() ({
          %run_scoped3A = tpu.sem_alloc : memref<!tpu.dma_semaphore, #tpu.memory_space<semaphore_mem>>
          %dma_start3A_158 = tpu.memref_slice %arg2[%multiple_of3A_135] : memref<532616xi32, #tpu.memory_space<hbm>> -> memref<128xi32, #tpu.memory_space<hbm>>
          %dma_start3A_159 = tpu.memref_slice %arg2[%multiple_of3A_135] : memref<532616xi32, #tpu.memory_space<hbm>> -> memref<128xi32, #tpu.memory_space<hbm>>
          tpu.enqueue_dma source(%dma_start3A_159 : memref<128xi32, #tpu.memory_space<hbm>>) target(%arg10 : memref<128xi32, #tpu.memory_space<vmem>>) target_semaphore(%run_scoped3A : memref<!tpu.dma_semaphore, #tpu.memory_space<semaphore_mem>>)
          %dma_wait3A_160 = tpu.memref_slice %arg2[%multiple_of3A_135] : memref<532616xi32, #tpu.memory_space<hbm>> -> memref<128xi32, #tpu.memory_space<hbm>>
          %dma_wait3A_161 = tpu.memref_slice %arg2[%multiple_of3A_135] : memref<532616xi32, #tpu.memory_space<hbm>> -> memref<128xi32, #tpu.memory_space<hbm>>
          tpu.wait_dma2 semaphore(%run_scoped3A : memref<!tpu.dma_semaphore, #tpu.memory_space<semaphore_mem>>) src(%dma_wait3A_161 : memref<128xi32, #tpu.memory_space<hbm>>) dst(%arg10 : memref<128xi32, #tpu.memory_space<vmem>>)
          tpu.yield
        }) : () -> ()
        "tpu.region"() ({
          %run_scoped3A = tpu.sem_alloc : memref<!tpu.dma_semaphore, #tpu.memory_space<semaphore_mem>>
          %dma_start3A_158 = tpu.memref_slice %arg5[%multiple_of3A_135] : memref<532616xf32, #tpu.memory_space<hbm>> -> memref<128xf32, #tpu.memory_space<hbm>>
          %dma_start3A_159 = tpu.memref_slice %arg5[%multiple_of3A_135] : memref<532616xf32, #tpu.memory_space<hbm>> -> memref<128xf32, #tpu.memory_space<hbm>>
          tpu.enqueue_dma source(%dma_start3A_159 : memref<128xf32, #tpu.memory_space<hbm>>) target(%arg11 : memref<128xf32, #tpu.memory_space<vmem>>) target_semaphore(%run_scoped3A : memref<!tpu.dma_semaphore, #tpu.memory_space<semaphore_mem>>)
          %dma_wait3A_160 = tpu.memref_slice %arg5[%multiple_of3A_135] : memref<532616xf32, #tpu.memory_space<hbm>> -> memref<128xf32, #tpu.memory_space<hbm>>
          %dma_wait3A_161 = tpu.memref_slice %arg5[%multiple_of3A_135] : memref<532616xf32, #tpu.memory_space<hbm>> -> memref<128xf32, #tpu.memory_space<hbm>>
          tpu.wait_dma2 semaphore(%run_scoped3A : memref<!tpu.dma_semaphore, #tpu.memory_space<semaphore_mem>>) src(%dma_wait3A_161 : memref<128xf32, #tpu.memory_space<hbm>>) dst(%arg11 : memref<128xf32, #tpu.memory_space<vmem>>)
          tpu.yield
        }) : () -> ()
        %scan3A_136 = arith.constant 0 : i32
        %scan3A_137 = arith.constant 0 : i32
        %scan3A_138 = arith.constant 8 : i32
        %scan3A_139 = arith.addi %scan3A_137, %scan3A_138 : i32
        %scan3A_140 = arith.constant 1 : i32
        scf.for %scan3A_158 = %scan3A_137 to %scan3A_139 step %scan3A_140  : i32 {
          %mul3A_159 = arith.constant 16 : i32
          %mul3A_160 = arith.muli %scan3A_158, %mul3A_159 : i32
          %multiple_of3A_161 = tpu.assume_multiple %mul3A_160, 16 : i32
          %add3A_162 = arith.addi %multiple_of3A_135, %multiple_of3A_161 : i32
          %iota3A = tpu.iota {dimensions = array<i32: 0>} : vector<16xi32>
          %add3A_163 = vector.broadcast %add3A_162 : i32 to vector<16xi32>
          %add3A_164 = arith.addi %add3A_163, %iota3A : vector<16xi32>
          %get3A_165 = arith.index_cast %multiple_of3A_161 : i32 to index
          %get3A_166 = tpu.vector_load %arg10[%get3A_165] {strides = array<i32>} : memref<128xi32, #tpu.memory_space<vmem>>, vector<16xi32>,
          %get3A_167 = vector.shape_cast %get3A_166 : vector<16xi32> to vector<16xi32>
          %add3A_168 = vector.broadcast %mul3A_121 : i32 to vector<16xi32>
          %add3A_169 = arith.addi %get3A_167, %add3A_168 : vector<16xi32>
          %swap3A = arith.index_cast %multiple_of3A_161 : i32 to index
          %swap3A_170 = tpu.vector_load %arg12[%swap3A] {strides = array<i32>} : memref<128xi32, #tpu.memory_space<vmem>>, vector<16xi32>,
          %swap3A_171 = vector.shape_cast %swap3A_170 : vector<16xi32> to vector<16xi32>
          %swap3A_172 = vector.shape_cast %add3A_169 : vector<16xi32> to vector<16xi32>
          tpu.vector_store %arg12[%swap3A], %swap3A_172 {strides = array<i32>} : memref<128xi32, #tpu.memory_space<vmem>>, vector<16xi32>,
          %ge3A = vector.broadcast %squeeze3A : i32 to vector<16xi32>
          %ge3A_173 = arith.cmpi sge, %add3A_164, %ge3A : vector<16xi32>
          %lt3A = vector.broadcast %squeeze3A_49 : i32 to vector<16xi32>
          %lt3A_174 = arith.cmpi slt, %add3A_164, %lt3A : vector<16xi32>
          %and3A = arith.andi %ge3A_173, %lt3A_174 : vector<16xi1>
          %get3A_175 = arith.index_cast %multiple_of3A_161 : i32 to index
          %get3A_176 = tpu.vector_load %arg11[%get3A_175] {strides = array<i32>} : memref<128xf32, #tpu.memory_space<vmem>>, vector<16xf32>,
          %get3A_177 = vector.shape_cast %get3A_176 : vector<16xf32> to vector<16xf32>
          %jit3A = arith.constant 0.000000e+00 : f32
          %broadcast_in_dim3A = vector.broadcast %jit3A : f32 to vector<16xf32>
          %select_n3A = arith.select %and3A, %get3A_177, %broadcast_in_dim3A : vector<16xi1>, vector<16xf32>
          %swap3A_178 = arith.index_cast %multiple_of3A_161 : i32 to index
          %swap3A_179 = tpu.vector_load %arg11[%swap3A_178] {strides = array<i32>} : memref<128xf32, #tpu.memory_space<vmem>>, vector<16xf32>,
          %swap3A_180 = vector.shape_cast %swap3A_179 : vector<16xf32> to vector<16xf32>
          %swap3A_181 = vector.shape_cast %select_n3A : vector<16xf32> to vector<16xf32>
          tpu.vector_store %arg11[%swap3A_178], %swap3A_181 {strides = array<i32>} : memref<128xf32, #tpu.memory_space<vmem>>, vector<16xf32>,
          %broadcast_in_dim3A_182 = arith.constant 0 : i32
          %broadcast_in_dim3A_183 = vector.broadcast %broadcast_in_dim3A_182 : i32 to vector<16xi32>
          %broadcast_in_dim3A_184 = arith.constant 1 : i32
          %broadcast_in_dim3A_185 = vector.broadcast %broadcast_in_dim3A_184 : i32 to vector<16xi32>
          %broadcast_in_dim3A_186 = arith.constant 0 : i32
          %broadcast_in_dim3A_187 = vector.broadcast %broadcast_in_dim3A_186 : i32 to vector<16xi32>
          %ge3A_188 = vector.broadcast %squeeze3A_57 : i32 to vector<16xi32>
          %ge3A_189 = arith.cmpi sge, %add3A_164, %ge3A_188 : vector<16xi32>
          %select_n3A_190 = arith.select %ge3A_189, %broadcast_in_dim3A_185, %broadcast_in_dim3A_187 : vector<16xi1>, vector<16xi32>
          %add3A_191 = arith.addi %broadcast_in_dim3A_183, %select_n3A_190 : vector<16xi32>
          %ge3A_192 = vector.broadcast %squeeze3A_59 : i32 to vector<16xi32>
          %ge3A_193 = arith.cmpi sge, %add3A_164, %ge3A_192 : vector<16xi32>
          %select_n3A_194 = arith.select %ge3A_193, %broadcast_in_dim3A_185, %broadcast_in_dim3A_187 : vector<16xi1>, vector<16xi32>
          %add3A_195 = arith.addi %add3A_191, %select_n3A_194 : vector<16xi32>
          %ge3A_196 = vector.broadcast %squeeze3A_61 : i32 to vector<16xi32>
          %ge3A_197 = arith.cmpi sge, %add3A_164, %ge3A_196 : vector<16xi32>
          %select_n3A_198 = arith.select %ge3A_197, %broadcast_in_dim3A_185, %broadcast_in_dim3A_187 : vector<16xi1>, vector<16xi32>
          %add3A_199 = arith.addi %add3A_195, %select_n3A_198 : vector<16xi32>
          %ge3A_200 = vector.broadcast %squeeze3A_63 : i32 to vector<16xi32>
          %ge3A_201 = arith.cmpi sge, %add3A_164, %ge3A_200 : vector<16xi32>
          %select_n3A_202 = arith.select %ge3A_201, %broadcast_in_dim3A_185, %broadcast_in_dim3A_187 : vector<16xi1>, vector<16xi32>
          %add3A_203 = arith.addi %add3A_199, %select_n3A_202 : vector<16xi32>
          %ge3A_204 = vector.broadcast %squeeze3A_65 : i32 to vector<16xi32>
          %ge3A_205 = arith.cmpi sge, %add3A_164, %ge3A_204 : vector<16xi32>
          %select_n3A_206 = arith.select %ge3A_205, %broadcast_in_dim3A_185, %broadcast_in_dim3A_187 : vector<16xi1>, vector<16xi32>
          %add3A_207 = arith.addi %add3A_203, %select_n3A_206 : vector<16xi32>
          %ge3A_208 = vector.broadcast %squeeze3A_67 : i32 to vector<16xi32>
          %ge3A_209 = arith.cmpi sge, %add3A_164, %ge3A_208 : vector<16xi32>
          %select_n3A_210 = arith.select %ge3A_209, %broadcast_in_dim3A_185, %broadcast_in_dim3A_187 : vector<16xi1>, vector<16xi32>
          %add3A_211 = arith.addi %add3A_207, %select_n3A_210 : vector<16xi32>
          %ge3A_212 = vector.broadcast %squeeze3A_69 : i32 to vector<16xi32>
          %ge3A_213 = arith.cmpi sge, %add3A_164, %ge3A_212 : vector<16xi32>
          %select_n3A_214 = arith.select %ge3A_213, %broadcast_in_dim3A_185, %broadcast_in_dim3A_187 : vector<16xi1>, vector<16xi32>
          %add3A_215 = arith.addi %add3A_211, %select_n3A_214 : vector<16xi32>
          %ge3A_216 = vector.broadcast %squeeze3A_71 : i32 to vector<16xi32>
          %ge3A_217 = arith.cmpi sge, %add3A_164, %ge3A_216 : vector<16xi32>
          %select_n3A_218 = arith.select %ge3A_217, %broadcast_in_dim3A_185, %broadcast_in_dim3A_187 : vector<16xi1>, vector<16xi32>
          %add3A_219 = arith.addi %add3A_215, %select_n3A_218 : vector<16xi32>
          %ge3A_220 = vector.broadcast %squeeze3A_73 : i32 to vector<16xi32>
          %ge3A_221 = arith.cmpi sge, %add3A_164, %ge3A_220 : vector<16xi32>
          %select_n3A_222 = arith.select %ge3A_221, %broadcast_in_dim3A_185, %broadcast_in_dim3A_187 : vector<16xi1>, vector<16xi32>
          %add3A_223 = arith.addi %add3A_219, %select_n3A_222 : vector<16xi32>
          %ge3A_224 = vector.broadcast %squeeze3A_75 : i32 to vector<16xi32>
          %ge3A_225 = arith.cmpi sge, %add3A_164, %ge3A_224 : vector<16xi32>
          %select_n3A_226 = arith.select %ge3A_225, %broadcast_in_dim3A_185, %broadcast_in_dim3A_187 : vector<16xi1>, vector<16xi32>
          %add3A_227 = arith.addi %add3A_223, %select_n3A_226 : vector<16xi32>
          %ge3A_228 = vector.broadcast %squeeze3A_77 : i32 to vector<16xi32>
          %ge3A_229 = arith.cmpi sge, %add3A_164, %ge3A_228 : vector<16xi32>
          %select_n3A_230 = arith.select %ge3A_229, %broadcast_in_dim3A_185, %broadcast_in_dim3A_187 : vector<16xi1>, vector<16xi32>
          %add3A_231 = arith.addi %add3A_227, %select_n3A_230 : vector<16xi32>
          %ge3A_232 = vector.broadcast %squeeze3A_79 : i32 to vector<16xi32>
          %ge3A_233 = arith.cmpi sge, %add3A_164, %ge3A_232 : vector<16xi32>
          %select_n3A_234 = arith.select %ge3A_233, %broadcast_in_dim3A_185, %broadcast_in_dim3A_187 : vector<16xi1>, vector<16xi32>
          %add3A_235 = arith.addi %add3A_231, %select_n3A_234 : vector<16xi32>
          %ge3A_236 = vector.broadcast %squeeze3A_81 : i32 to vector<16xi32>
          %ge3A_237 = arith.cmpi sge, %add3A_164, %ge3A_236 : vector<16xi32>
          %select_n3A_238 = arith.select %ge3A_237, %broadcast_in_dim3A_185, %broadcast_in_dim3A_187 : vector<16xi1>, vector<16xi32>
          %add3A_239 = arith.addi %add3A_235, %select_n3A_238 : vector<16xi32>
          %ge3A_240 = vector.broadcast %squeeze3A_83 : i32 to vector<16xi32>
          %ge3A_241 = arith.cmpi sge, %add3A_164, %ge3A_240 : vector<16xi32>
          %select_n3A_242 = arith.select %ge3A_241, %broadcast_in_dim3A_185, %broadcast_in_dim3A_187 : vector<16xi1>, vector<16xi32>
          %add3A_243 = arith.addi %add3A_239, %select_n3A_242 : vector<16xi32>
          %ge3A_244 = vector.broadcast %squeeze3A_85 : i32 to vector<16xi32>
          %ge3A_245 = arith.cmpi sge, %add3A_164, %ge3A_244 : vector<16xi32>
          %select_n3A_246 = arith.select %ge3A_245, %broadcast_in_dim3A_185, %broadcast_in_dim3A_187 : vector<16xi1>, vector<16xi32>
          %add3A_247 = arith.addi %add3A_243, %select_n3A_246 : vector<16xi32>
          %ge3A_248 = vector.broadcast %squeeze3A_87 : i32 to vector<16xi32>
          %ge3A_249 = arith.cmpi sge, %add3A_164, %ge3A_248 : vector<16xi32>
          %select_n3A_250 = arith.select %ge3A_249, %broadcast_in_dim3A_185, %broadcast_in_dim3A_187 : vector<16xi1>, vector<16xi32>
          %add3A_251 = arith.addi %add3A_247, %select_n3A_250 : vector<16xi32>
          %ge3A_252 = vector.broadcast %squeeze3A_89 : i32 to vector<16xi32>
          %ge3A_253 = arith.cmpi sge, %add3A_164, %ge3A_252 : vector<16xi32>
          %select_n3A_254 = arith.select %ge3A_253, %broadcast_in_dim3A_185, %broadcast_in_dim3A_187 : vector<16xi1>, vector<16xi32>
          %add3A_255 = arith.addi %add3A_251, %select_n3A_254 : vector<16xi32>
          %ge3A_256 = vector.broadcast %squeeze3A_91 : i32 to vector<16xi32>
          %ge3A_257 = arith.cmpi sge, %add3A_164, %ge3A_256 : vector<16xi32>
          %select_n3A_258 = arith.select %ge3A_257, %broadcast_in_dim3A_185, %broadcast_in_dim3A_187 : vector<16xi1>, vector<16xi32>
          %add3A_259 = arith.addi %add3A_255, %select_n3A_258 : vector<16xi32>
          %ge3A_260 = vector.broadcast %squeeze3A_93 : i32 to vector<16xi32>
          %ge3A_261 = arith.cmpi sge, %add3A_164, %ge3A_260 : vector<16xi32>
          %select_n3A_262 = arith.select %ge3A_261, %broadcast_in_dim3A_185, %broadcast_in_dim3A_187 : vector<16xi1>, vector<16xi32>
          %add3A_263 = arith.addi %add3A_259, %select_n3A_262 : vector<16xi32>
          %ge3A_264 = vector.broadcast %squeeze3A_95 : i32 to vector<16xi32>
          %ge3A_265 = arith.cmpi sge, %add3A_164, %ge3A_264 : vector<16xi32>
          %select_n3A_266 = arith.select %ge3A_265, %broadcast_in_dim3A_185, %broadcast_in_dim3A_187 : vector<16xi1>, vector<16xi32>
          %add3A_267 = arith.addi %add3A_263, %select_n3A_266 : vector<16xi32>
          %ge3A_268 = vector.broadcast %squeeze3A_97 : i32 to vector<16xi32>
          %ge3A_269 = arith.cmpi sge, %add3A_164, %ge3A_268 : vector<16xi32>
          %select_n3A_270 = arith.select %ge3A_269, %broadcast_in_dim3A_185, %broadcast_in_dim3A_187 : vector<16xi1>, vector<16xi32>
          %add3A_271 = arith.addi %add3A_267, %select_n3A_270 : vector<16xi32>
          %ge3A_272 = vector.broadcast %squeeze3A_99 : i32 to vector<16xi32>
          %ge3A_273 = arith.cmpi sge, %add3A_164, %ge3A_272 : vector<16xi32>
          %select_n3A_274 = arith.select %ge3A_273, %broadcast_in_dim3A_185, %broadcast_in_dim3A_187 : vector<16xi1>, vector<16xi32>
          %add3A_275 = arith.addi %add3A_271, %select_n3A_274 : vector<16xi32>
          %ge3A_276 = vector.broadcast %squeeze3A_101 : i32 to vector<16xi32>
          %ge3A_277 = arith.cmpi sge, %add3A_164, %ge3A_276 : vector<16xi32>
          %select_n3A_278 = arith.select %ge3A_277, %broadcast_in_dim3A_185, %broadcast_in_dim3A_187 : vector<16xi1>, vector<16xi32>
          %add3A_279 = arith.addi %add3A_275, %select_n3A_278 : vector<16xi32>
          %ge3A_280 = vector.broadcast %squeeze3A_103 : i32 to vector<16xi32>
          %ge3A_281 = arith.cmpi sge, %add3A_164, %ge3A_280 : vector<16xi32>
          %select_n3A_282 = arith.select %ge3A_281, %broadcast_in_dim3A_185, %broadcast_in_dim3A_187 : vector<16xi1>, vector<16xi32>
          %add3A_283 = arith.addi %add3A_279, %select_n3A_282 : vector<16xi32>
          %ge3A_284 = vector.broadcast %squeeze3A_105 : i32 to vector<16xi32>
          %ge3A_285 = arith.cmpi sge, %add3A_164, %ge3A_284 : vector<16xi32>
          %select_n3A_286 = arith.select %ge3A_285, %broadcast_in_dim3A_185, %broadcast_in_dim3A_187 : vector<16xi1>, vector<16xi32>
          %add3A_287 = arith.addi %add3A_283, %select_n3A_286 : vector<16xi32>
          %ge3A_288 = vector.broadcast %squeeze3A_107 : i32 to vector<16xi32>
          %ge3A_289 = arith.cmpi sge, %add3A_164, %ge3A_288 : vector<16xi32>
          %select_n3A_290 = arith.select %ge3A_289, %broadcast_in_dim3A_185, %broadcast_in_dim3A_187 : vector<16xi1>, vector<16xi32>
          %add3A_291 = arith.addi %add3A_287, %select_n3A_290 : vector<16xi32>
          %ge3A_292 = vector.broadcast %squeeze3A_109 : i32 to vector<16xi32>
          %ge3A_293 = arith.cmpi sge, %add3A_164, %ge3A_292 : vector<16xi32>
          %select_n3A_294 = arith.select %ge3A_293, %broadcast_in_dim3A_185, %broadcast_in_dim3A_187 : vector<16xi1>, vector<16xi32>
          %add3A_295 = arith.addi %add3A_291, %select_n3A_294 : vector<16xi32>
          %ge3A_296 = vector.broadcast %squeeze3A_111 : i32 to vector<16xi32>
          %ge3A_297 = arith.cmpi sge, %add3A_164, %ge3A_296 : vector<16xi32>
          %select_n3A_298 = arith.select %ge3A_297, %broadcast_in_dim3A_185, %broadcast_in_dim3A_187 : vector<16xi1>, vector<16xi32>
          %add3A_299 = arith.addi %add3A_295, %select_n3A_298 : vector<16xi32>
          %ge3A_300 = vector.broadcast %squeeze3A_113 : i32 to vector<16xi32>
          %ge3A_301 = arith.cmpi sge, %add3A_164, %ge3A_300 : vector<16xi32>
          %select_n3A_302 = arith.select %ge3A_301, %broadcast_in_dim3A_185, %broadcast_in_dim3A_187 : vector<16xi1>, vector<16xi32>
          %add3A_303 = arith.addi %add3A_299, %select_n3A_302 : vector<16xi32>
          %ge3A_304 = vector.broadcast %squeeze3A_115 : i32 to vector<16xi32>
          %ge3A_305 = arith.cmpi sge, %add3A_164, %ge3A_304 : vector<16xi32>
          %select_n3A_306 = arith.select %ge3A_305, %broadcast_in_dim3A_185, %broadcast_in_dim3A_187 : vector<16xi1>, vector<16xi32>
          %add3A_307 = arith.addi %add3A_303, %select_n3A_306 : vector<16xi32>
          %ge3A_308 = vector.broadcast %squeeze3A_117 : i32 to vector<16xi32>
          %ge3A_309 = arith.cmpi sge, %add3A_164, %ge3A_308 : vector<16xi32>
          %select_n3A_310 = arith.select %ge3A_309, %broadcast_in_dim3A_185, %broadcast_in_dim3A_187 : vector<16xi1>, vector<16xi32>
          %add3A_311 = arith.addi %add3A_307, %select_n3A_310 : vector<16xi32>
          %ge3A_312 = vector.broadcast %squeeze3A_119 : i32 to vector<16xi32>
          %ge3A_313 = arith.cmpi sge, %add3A_164, %ge3A_312 : vector<16xi32>
          %select_n3A_314 = arith.select %ge3A_313, %broadcast_in_dim3A_185, %broadcast_in_dim3A_187 : vector<16xi1>, vector<16xi32>
          %add3A_315 = arith.addi %add3A_311, %select_n3A_314 : vector<16xi32>
          %min3A = arith.constant 31 : i32
          %min3A_316 = vector.broadcast %min3A : i32 to vector<16xi32>
          %min3A_317 = arith.minsi %add3A_315, %min3A_316 : vector<16xi32>
          %mul3A_318 = arith.constant 26 : i32
          %mul3A_319 = vector.broadcast %mul3A_318 : i32 to vector<16xi32>
          %mul3A_320 = arith.muli %min3A_317, %mul3A_319 : vector<16xi32>
          %add3A_321 = vector.broadcast %multiple_of3A : i32 to vector<16xi32>
          %add3A_322 = arith.addi %add3A_321, %mul3A_320 : vector<16xi32>
          %add3A_323 = vector.broadcast %scan3A_31 : i32 to vector<16xi32>
          %add3A_324 = arith.addi %add3A_322, %add3A_323 : vector<16xi32>
          %swap3A_325 = arith.index_cast %multiple_of3A_161 : i32 to index
          %swap3A_326 = tpu.vector_load %arg13[%swap3A_325] {strides = array<i32>} : memref<128xi32, #tpu.memory_space<vmem>>, vector<16xi32>,
          %swap3A_327 = vector.shape_cast %swap3A_326 : vector<16xi32> to vector<16xi32>
          %swap3A_328 = vector.shape_cast %add3A_324 : vector<16xi32> to vector<16xi32>
          tpu.vector_store %arg13[%swap3A_325], %swap3A_328 {strides = array<i32>} : memref<128xi32, #tpu.memory_space<vmem>>, vector<16xi32>,
        }
        %scan3A_141 = arith.constant 8 : i32
        %dma_start3A = arith.constant 0 : i32
        %dma_start3A_142 = arith.constant 0 : i32
        %dma_start3A_143 = tpu.memref_slice %arg6[%dma_start3A, %dma_start3A_142] : memref<2600000x64xf32, #tpu.memory_space<hbm>> -> memref<2600000x64xf32, #tpu.memory_space<hbm>>
        tpu.enqueue_indirect_dma source(%dma_start3A_143 : memref<2600000x64xf32, #tpu.memory_space<hbm>>) target(%arg14 : memref<128x64xf32, #tpu.memory_space<vmem>>) offsets(%arg12 : memref<128xi32, #tpu.memory_space<vmem>>) semaphore(%arg16 : memref<!tpu.dma_semaphore, #tpu.memory_space<semaphore_mem>>)
        %dma_wait3A = arith.constant 0 : i32
        %dma_wait3A_144 = arith.constant 0 : i32
        %dma_wait3A_145 = tpu.memref_slice %arg6[%dma_wait3A, %dma_wait3A_144] : memref<2600000x64xf32, #tpu.memory_space<hbm>> -> memref<2600000x64xf32, #tpu.memory_space<hbm>>
        tpu.wait_indirect_dma semaphore(%arg16 : memref<!tpu.dma_semaphore, #tpu.memory_space<semaphore_mem>>) src(%dma_wait3A_145 : memref<2600000x64xf32, #tpu.memory_space<hbm>>) dst(%arg14 : memref<128x64xf32, #tpu.memory_space<vmem>>)
        %scan3A_146 = arith.constant 0 : i32
        %scan3A_147 = arith.constant 0 : i32
        %scan3A_148 = arith.constant 8 : i32
        %scan3A_149 = arith.addi %scan3A_147, %scan3A_148 : i32
        %scan3A_150 = arith.constant 1 : i32
        scf.for %scan3A_158 = %scan3A_147 to %scan3A_149 step %scan3A_150  : i32 {
          %mul3A_159 = arith.constant 16 : i32
          %mul3A_160 = arith.muli %scan3A_158, %mul3A_159 : i32
          %multiple_of3A_161 = tpu.assume_multiple %mul3A_160, 16 : i32
          %get3A_162 = arith.index_cast %multiple_of3A_161 : i32 to index
          %get3A_163 = tpu.vector_load %arg11[%get3A_162] {strides = array<i32>} : memref<128xf32, #tpu.memory_space<vmem>>, vector<16xf32>,
          %get3A_164 = vector.shape_cast %get3A_163 : vector<16xf32> to vector<16xf32>
          %slice3A_165 = vector.extract_strided_slice %get3A_164 {offsets = [0], sizes = [1], strides = [1]} : vector<16xf32> to vector<1xf32>
          %squeeze3A_166 = vector.extract %slice3A_165[0] : f32 from vector<1xf32>
          %add3A_167 = arith.constant 0 : i32
          %add3A_168 = arith.addi %multiple_of3A_161, %add3A_167 : i32
          %get3A_169 = arith.index_cast %add3A_168 : i32 to index
          %get3A_170 = arith.constant 0 : index
          %get3A_171 = tpu.vector_load %arg14[%get3A_169, %get3A_170] {strides = array<i32>} : memref<128x64xf32, #tpu.memory_space<vmem>>, vector<1x16xf32>,
          %get3A_172 = vector.shape_cast %get3A_171 : vector<1x16xf32> to vector<16xf32>
          %mul3A_173 = vector.broadcast %squeeze3A_166 : f32 to vector<16xf32>
          %mul3A_174 = arith.mulf %get3A_172, %mul3A_173 : vector<16xf32>
          %add3A_175 = arith.constant 0 : i32
          %add3A_176 = arith.addi %multiple_of3A_161, %add3A_175 : i32
          %swap3A = arith.index_cast %add3A_176 : i32 to index
          %swap3A_177 = arith.constant 0 : index
          %swap3A_178 = tpu.vector_load %arg14[%swap3A, %swap3A_177] {strides = array<i32>} : memref<128x64xf32, #tpu.memory_space<vmem>>, vector<1x16xf32>,
          %swap3A_179 = vector.shape_cast %swap3A_178 : vector<1x16xf32> to vector<16xf32>
          %swap3A_180 = vector.shape_cast %mul3A_174 : vector<16xf32> to vector<1x16xf32>
          tpu.vector_store %arg14[%swap3A, %swap3A_177], %swap3A_180 {strides = array<i32>} : memref<128x64xf32, #tpu.memory_space<vmem>>, vector<1x16xf32>,
          %add3A_181 = arith.constant 0 : i32
          %add3A_182 = arith.addi %multiple_of3A_161, %add3A_181 : i32
          %get3A_183 = arith.index_cast %add3A_182 : i32 to index
          %get3A_184 = arith.constant 16 : index
          %get3A_185 = tpu.vector_load %arg14[%get3A_183, %get3A_184] {strides = array<i32>} : memref<128x64xf32, #tpu.memory_space<vmem>>, vector<1x16xf32>,
          %get3A_186 = vector.shape_cast %get3A_185 : vector<1x16xf32> to vector<16xf32>
          %mul3A_187 = vector.broadcast %squeeze3A_166 : f32 to vector<16xf32>
          %mul3A_188 = arith.mulf %get3A_186, %mul3A_187 : vector<16xf32>
          %add3A_189 = arith.constant 0 : i32
          %add3A_190 = arith.addi %multiple_of3A_161, %add3A_189 : i32
          %swap3A_191 = arith.index_cast %add3A_190 : i32 to index
          %swap3A_192 = arith.constant 16 : index
          %swap3A_193 = tpu.vector_load %arg14[%swap3A_191, %swap3A_192] {strides = array<i32>} : memref<128x64xf32, #tpu.memory_space<vmem>>, vector<1x16xf32>,
          %swap3A_194 = vector.shape_cast %swap3A_193 : vector<1x16xf32> to vector<16xf32>
          %swap3A_195 = vector.shape_cast %mul3A_188 : vector<16xf32> to vector<1x16xf32>
          tpu.vector_store %arg14[%swap3A_191, %swap3A_192], %swap3A_195 {strides = array<i32>} : memref<128x64xf32, #tpu.memory_space<vmem>>, vector<1x16xf32>,
          %add3A_196 = arith.constant 0 : i32
          %add3A_197 = arith.addi %multiple_of3A_161, %add3A_196 : i32
          %get3A_198 = arith.index_cast %add3A_197 : i32 to index
          %get3A_199 = arith.constant 32 : index
          %get3A_200 = tpu.vector_load %arg14[%get3A_198, %get3A_199] {strides = array<i32>} : memref<128x64xf32, #tpu.memory_space<vmem>>, vector<1x16xf32>,
          %get3A_201 = vector.shape_cast %get3A_200 : vector<1x16xf32> to vector<16xf32>
          %mul3A_202 = vector.broadcast %squeeze3A_166 : f32 to vector<16xf32>
          %mul3A_203 = arith.mulf %get3A_201, %mul3A_202 : vector<16xf32>
          %add3A_204 = arith.constant 0 : i32
          %add3A_205 = arith.addi %multiple_of3A_161, %add3A_204 : i32
          %swap3A_206 = arith.index_cast %add3A_205 : i32 to index
          %swap3A_207 = arith.constant 32 : index
          %swap3A_208 = tpu.vector_load %arg14[%swap3A_206, %swap3A_207] {strides = array<i32>} : memref<128x64xf32, #tpu.memory_space<vmem>>, vector<1x16xf32>,
          %swap3A_209 = vector.shape_cast %swap3A_208 : vector<1x16xf32> to vector<16xf32>
          %swap3A_210 = vector.shape_cast %mul3A_203 : vector<16xf32> to vector<1x16xf32>
          tpu.vector_store %arg14[%swap3A_206, %swap3A_207], %swap3A_210 {strides = array<i32>} : memref<128x64xf32, #tpu.memory_space<vmem>>, vector<1x16xf32>,
          %add3A_211 = arith.constant 0 : i32
          %add3A_212 = arith.addi %multiple_of3A_161, %add3A_211 : i32
          %get3A_213 = arith.index_cast %add3A_212 : i32 to index
          %get3A_214 = arith.constant 48 : index
          %get3A_215 = tpu.vector_load %arg14[%get3A_213, %get3A_214] {strides = array<i32>} : memref<128x64xf32, #tpu.memory_space<vmem>>, vector<1x16xf32>,
          %get3A_216 = vector.shape_cast %get3A_215 : vector<1x16xf32> to vector<16xf32>
          %mul3A_217 = vector.broadcast %squeeze3A_166 : f32 to vector<16xf32>
          %mul3A_218 = arith.mulf %get3A_216, %mul3A_217 : vector<16xf32>
          %add3A_219 = arith.constant 0 : i32
          %add3A_220 = arith.addi %multiple_of3A_161, %add3A_219 : i32
          %swap3A_221 = arith.index_cast %add3A_220 : i32 to index
          %swap3A_222 = arith.constant 48 : index
          %swap3A_223 = tpu.vector_load %arg14[%swap3A_221, %swap3A_222] {strides = array<i32>} : memref<128x64xf32, #tpu.memory_space<vmem>>, vector<1x16xf32>,
          %swap3A_224 = vector.shape_cast %swap3A_223 : vector<1x16xf32> to vector<16xf32>
          %swap3A_225 = vector.shape_cast %mul3A_218 : vector<16xf32> to vector<1x16xf32>
          tpu.vector_store %arg14[%swap3A_221, %swap3A_222], %swap3A_225 {strides = array<i32>} : memref<128x64xf32, #tpu.memory_space<vmem>>, vector<1x16xf32>,
          %slice3A_226 = vector.extract_strided_slice %get3A_164 {offsets = [1], sizes = [1], strides = [1]} : vector<16xf32> to vector<1xf32>
          %squeeze3A_227 = vector.extract %slice3A_226[0] : f32 from vector<1xf32>
          %add3A_228 = arith.constant 1 : i32
          %add3A_229 = arith.addi %multiple_of3A_161, %add3A_228 : i32
          %get3A_230 = arith.index_cast %add3A_229 : i32 to index
          %get3A_231 = arith.constant 0 : index
          %get3A_232 = tpu.vector_load %arg14[%get3A_230, %get3A_231] {strides = array<i32>} : memref<128x64xf32, #tpu.memory_space<vmem>>, vector<1x16xf32>,
          %get3A_233 = vector.shape_cast %get3A_232 : vector<1x16xf32> to vector<16xf32>
          %mul3A_234 = vector.broadcast %squeeze3A_227 : f32 to vector<16xf32>
          %mul3A_235 = arith.mulf %get3A_233, %mul3A_234 : vector<16xf32>
          %add3A_236 = arith.constant 1 : i32
          %add3A_237 = arith.addi %multiple_of3A_161, %add3A_236 : i32
          %swap3A_238 = arith.index_cast %add3A_237 : i32 to index
          %swap3A_239 = arith.constant 0 : index
          %swap3A_240 = tpu.vector_load %arg14[%swap3A_238, %swap3A_239] {strides = array<i32>} : memref<128x64xf32, #tpu.memory_space<vmem>>, vector<1x16xf32>,
          %swap3A_241 = vector.shape_cast %swap3A_240 : vector<1x16xf32> to vector<16xf32>
          %swap3A_242 = vector.shape_cast %mul3A_235 : vector<16xf32> to vector<1x16xf32>
          tpu.vector_store %arg14[%swap3A_238, %swap3A_239], %swap3A_242 {strides = array<i32>} : memref<128x64xf32, #tpu.memory_space<vmem>>, vector<1x16xf32>,
          %add3A_243 = arith.constant 1 : i32
          %add3A_244 = arith.addi %multiple_of3A_161, %add3A_243 : i32
          %get3A_245 = arith.index_cast %add3A_244 : i32 to index
          %get3A_246 = arith.constant 16 : index
          %get3A_247 = tpu.vector_load %arg14[%get3A_245, %get3A_246] {strides = array<i32>} : memref<128x64xf32, #tpu.memory_space<vmem>>, vector<1x16xf32>,
          %get3A_248 = vector.shape_cast %get3A_247 : vector<1x16xf32> to vector<16xf32>
          %mul3A_249 = vector.broadcast %squeeze3A_227 : f32 to vector<16xf32>
          %mul3A_250 = arith.mulf %get3A_248, %mul3A_249 : vector<16xf32>
          %add3A_251 = arith.constant 1 : i32
          %add3A_252 = arith.addi %multiple_of3A_161, %add3A_251 : i32
          %swap3A_253 = arith.index_cast %add3A_252 : i32 to index
          %swap3A_254 = arith.constant 16 : index
          %swap3A_255 = tpu.vector_load %arg14[%swap3A_253, %swap3A_254] {strides = array<i32>} : memref<128x64xf32, #tpu.memory_space<vmem>>, vector<1x16xf32>,
          %swap3A_256 = vector.shape_cast %swap3A_255 : vector<1x16xf32> to vector<16xf32>
          %swap3A_257 = vector.shape_cast %mul3A_250 : vector<16xf32> to vector<1x16xf32>
          tpu.vector_store %arg14[%swap3A_253, %swap3A_254], %swap3A_257 {strides = array<i32>} : memref<128x64xf32, #tpu.memory_space<vmem>>, vector<1x16xf32>,
          %add3A_258 = arith.constant 1 : i32
          %add3A_259 = arith.addi %multiple_of3A_161, %add3A_258 : i32
          %get3A_260 = arith.index_cast %add3A_259 : i32 to index
          %get3A_261 = arith.constant 32 : index
          %get3A_262 = tpu.vector_load %arg14[%get3A_260, %get3A_261] {strides = array<i32>} : memref<128x64xf32, #tpu.memory_space<vmem>>, vector<1x16xf32>,
          %get3A_263 = vector.shape_cast %get3A_262 : vector<1x16xf32> to vector<16xf32>
          %mul3A_264 = vector.broadcast %squeeze3A_227 : f32 to vector<16xf32>
          %mul3A_265 = arith.mulf %get3A_263, %mul3A_264 : vector<16xf32>
          %add3A_266 = arith.constant 1 : i32
          %add3A_267 = arith.addi %multiple_of3A_161, %add3A_266 : i32
          %swap3A_268 = arith.index_cast %add3A_267 : i32 to index
          %swap3A_269 = arith.constant 32 : index
          %swap3A_270 = tpu.vector_load %arg14[%swap3A_268, %swap3A_269] {strides = array<i32>} : memref<128x64xf32, #tpu.memory_space<vmem>>, vector<1x16xf32>,
          %swap3A_271 = vector.shape_cast %swap3A_270 : vector<1x16xf32> to vector<16xf32>
          %swap3A_272 = vector.shape_cast %mul3A_265 : vector<16xf32> to vector<1x16xf32>
          tpu.vector_store %arg14[%swap3A_268, %swap3A_269], %swap3A_272 {strides = array<i32>} : memref<128x64xf32, #tpu.memory_space<vmem>>, vector<1x16xf32>,
          %add3A_273 = arith.constant 1 : i32
          %add3A_274 = arith.addi %multiple_of3A_161, %add3A_273 : i32
          %get3A_275 = arith.index_cast %add3A_274 : i32 to index
          %get3A_276 = arith.constant 48 : index
          %get3A_277 = tpu.vector_load %arg14[%get3A_275, %get3A_276] {strides = array<i32>} : memref<128x64xf32, #tpu.memory_space<vmem>>, vector<1x16xf32>,
          %get3A_278 = vector.shape_cast %get3A_277 : vector<1x16xf32> to vector<16xf32>
          %mul3A_279 = vector.broadcast %squeeze3A_227 : f32 to vector<16xf32>
          %mul3A_280 = arith.mulf %get3A_278, %mul3A_279 : vector<16xf32>
          %add3A_281 = arith.constant 1 : i32
          %add3A_282 = arith.addi %multiple_of3A_161, %add3A_281 : i32
          %swap3A_283 = arith.index_cast %add3A_282 : i32 to index
          %swap3A_284 = arith.constant 48 : index
          %swap3A_285 = tpu.vector_load %arg14[%swap3A_283, %swap3A_284] {strides = array<i32>} : memref<128x64xf32, #tpu.memory_space<vmem>>, vector<1x16xf32>,
          %swap3A_286 = vector.shape_cast %swap3A_285 : vector<1x16xf32> to vector<16xf32>
          %swap3A_287 = vector.shape_cast %mul3A_280 : vector<16xf32> to vector<1x16xf32>
          tpu.vector_store %arg14[%swap3A_283, %swap3A_284], %swap3A_287 {strides = array<i32>} : memref<128x64xf32, #tpu.memory_space<vmem>>, vector<1x16xf32>,
          %slice3A_288 = vector.extract_strided_slice %get3A_164 {offsets = [2], sizes = [1], strides = [1]} : vector<16xf32> to vector<1xf32>
          %squeeze3A_289 = vector.extract %slice3A_288[0] : f32 from vector<1xf32>
          %add3A_290 = arith.constant 2 : i32
          %add3A_291 = arith.addi %multiple_of3A_161, %add3A_290 : i32
          %get3A_292 = arith.index_cast %add3A_291 : i32 to index
          %get3A_293 = arith.constant 0 : index
          %get3A_294 = tpu.vector_load %arg14[%get3A_292, %get3A_293] {strides = array<i32>} : memref<128x64xf32, #tpu.memory_space<vmem>>, vector<1x16xf32>,
          %get3A_295 = vector.shape_cast %get3A_294 : vector<1x16xf32> to vector<16xf32>
          %mul3A_296 = vector.broadcast %squeeze3A_289 : f32 to vector<16xf32>
          %mul3A_297 = arith.mulf %get3A_295, %mul3A_296 : vector<16xf32>
          %add3A_298 = arith.constant 2 : i32
          %add3A_299 = arith.addi %multiple_of3A_161, %add3A_298 : i32
          %swap3A_300 = arith.index_cast %add3A_299 : i32 to index
          %swap3A_301 = arith.constant 0 : index
          %swap3A_302 = tpu.vector_load %arg14[%swap3A_300, %swap3A_301] {strides = array<i32>} : memref<128x64xf32, #tpu.memory_space<vmem>>, vector<1x16xf32>,
          %swap3A_303 = vector.shape_cast %swap3A_302 : vector<1x16xf32> to vector<16xf32>
          %swap3A_304 = vector.shape_cast %mul3A_297 : vector<16xf32> to vector<1x16xf32>
          tpu.vector_store %arg14[%swap3A_300, %swap3A_301], %swap3A_304 {strides = array<i32>} : memref<128x64xf32, #tpu.memory_space<vmem>>, vector<1x16xf32>,
          %add3A_305 = arith.constant 2 : i32
          %add3A_306 = arith.addi %multiple_of3A_161, %add3A_305 : i32
          %get3A_307 = arith.index_cast %add3A_306 : i32 to index
          %get3A_308 = arith.constant 16 : index
          %get3A_309 = tpu.vector_load %arg14[%get3A_307, %get3A_308] {strides = array<i32>} : memref<128x64xf32, #tpu.memory_space<vmem>>, vector<1x16xf32>,
          %get3A_310 = vector.shape_cast %get3A_309 : vector<1x16xf32> to vector<16xf32>
          %mul3A_311 = vector.broadcast %squeeze3A_289 : f32 to vector<16xf32>
          %mul3A_312 = arith.mulf %get3A_310, %mul3A_311 : vector<16xf32>
          %add3A_313 = arith.constant 2 : i32
          %add3A_314 = arith.addi %multiple_of3A_161, %add3A_313 : i32
          %swap3A_315 = arith.index_cast %add3A_314 : i32 to index
          %swap3A_316 = arith.constant 16 : index
          %swap3A_317 = tpu.vector_load %arg14[%swap3A_315, %swap3A_316] {strides = array<i32>} : memref<128x64xf32, #tpu.memory_space<vmem>>, vector<1x16xf32>,
          %swap3A_318 = vector.shape_cast %swap3A_317 : vector<1x16xf32> to vector<16xf32>
          %swap3A_319 = vector.shape_cast %mul3A_312 : vector<16xf32> to vector<1x16xf32>
          tpu.vector_store %arg14[%swap3A_315, %swap3A_316], %swap3A_319 {strides = array<i32>} : memref<128x64xf32, #tpu.memory_space<vmem>>, vector<1x16xf32>,
          %add3A_320 = arith.constant 2 : i32
          %add3A_321 = arith.addi %multiple_of3A_161, %add3A_320 : i32
          %get3A_322 = arith.index_cast %add3A_321 : i32 to index
          %get3A_323 = arith.constant 32 : index
          %get3A_324 = tpu.vector_load %arg14[%get3A_322, %get3A_323] {strides = array<i32>} : memref<128x64xf32, #tpu.memory_space<vmem>>, vector<1x16xf32>,
          %get3A_325 = vector.shape_cast %get3A_324 : vector<1x16xf32> to vector<16xf32>
          %mul3A_326 = vector.broadcast %squeeze3A_289 : f32 to vector<16xf32>
          %mul3A_327 = arith.mulf %get3A_325, %mul3A_326 : vector<16xf32>
          %add3A_328 = arith.constant 2 : i32
          %add3A_329 = arith.addi %multiple_of3A_161, %add3A_328 : i32
          %swap3A_330 = arith.index_cast %add3A_329 : i32 to index
          %swap3A_331 = arith.constant 32 : index
          %swap3A_332 = tpu.vector_load %arg14[%swap3A_330, %swap3A_331] {strides = array<i32>} : memref<128x64xf32, #tpu.memory_space<vmem>>, vector<1x16xf32>,
          %swap3A_333 = vector.shape_cast %swap3A_332 : vector<1x16xf32> to vector<16xf32>
          %swap3A_334 = vector.shape_cast %mul3A_327 : vector<16xf32> to vector<1x16xf32>
          tpu.vector_store %arg14[%swap3A_330, %swap3A_331], %swap3A_334 {strides = array<i32>} : memref<128x64xf32, #tpu.memory_space<vmem>>, vector<1x16xf32>,
          %add3A_335 = arith.constant 2 : i32
          %add3A_336 = arith.addi %multiple_of3A_161, %add3A_335 : i32
          %get3A_337 = arith.index_cast %add3A_336 : i32 to index
          %get3A_338 = arith.constant 48 : index
          %get3A_339 = tpu.vector_load %arg14[%get3A_337, %get3A_338] {strides = array<i32>} : memref<128x64xf32, #tpu.memory_space<vmem>>, vector<1x16xf32>,
          %get3A_340 = vector.shape_cast %get3A_339 : vector<1x16xf32> to vector<16xf32>
          %mul3A_341 = vector.broadcast %squeeze3A_289 : f32 to vector<16xf32>
          %mul3A_342 = arith.mulf %get3A_340, %mul3A_341 : vector<16xf32>
          %add3A_343 = arith.constant 2 : i32
          %add3A_344 = arith.addi %multiple_of3A_161, %add3A_343 : i32
          %swap3A_345 = arith.index_cast %add3A_344 : i32 to index
          %swap3A_346 = arith.constant 48 : index
          %swap3A_347 = tpu.vector_load %arg14[%swap3A_345, %swap3A_346] {strides = array<i32>} : memref<128x64xf32, #tpu.memory_space<vmem>>, vector<1x16xf32>,
          %swap3A_348 = vector.shape_cast %swap3A_347 : vector<1x16xf32> to vector<16xf32>
          %swap3A_349 = vector.shape_cast %mul3A_342 : vector<16xf32> to vector<1x16xf32>
          tpu.vector_store %arg14[%swap3A_345, %swap3A_346], %swap3A_349 {strides = array<i32>} : memref<128x64xf32, #tpu.memory_space<vmem>>, vector<1x16xf32>,
          %slice3A_350 = vector.extract_strided_slice %get3A_164 {offsets = [3], sizes = [1], strides = [1]} : vector<16xf32> to vector<1xf32>
          %squeeze3A_351 = vector.extract %slice3A_350[0] : f32 from vector<1xf32>
          %add3A_352 = arith.constant 3 : i32
          %add3A_353 = arith.addi %multiple_of3A_161, %add3A_352 : i32
          %get3A_354 = arith.index_cast %add3A_353 : i32 to index
          %get3A_355 = arith.constant 0 : index
          %get3A_356 = tpu.vector_load %arg14[%get3A_354, %get3A_355] {strides = array<i32>} : memref<128x64xf32, #tpu.memory_space<vmem>>, vector<1x16xf32>,
          %get3A_357 = vector.shape_cast %get3A_356 : vector<1x16xf32> to vector<16xf32>
          %mul3A_358 = vector.broadcast %squeeze3A_351 : f32 to vector<16xf32>
          %mul3A_359 = arith.mulf %get3A_357, %mul3A_358 : vector<16xf32>
          %add3A_360 = arith.constant 3 : i32
          %add3A_361 = arith.addi %multiple_of3A_161, %add3A_360 : i32
          %swap3A_362 = arith.index_cast %add3A_361 : i32 to index
          %swap3A_363 = arith.constant 0 : index
          %swap3A_364 = tpu.vector_load %arg14[%swap3A_362, %swap3A_363] {strides = array<i32>} : memref<128x64xf32, #tpu.memory_space<vmem>>, vector<1x16xf32>,
          %swap3A_365 = vector.shape_cast %swap3A_364 : vector<1x16xf32> to vector<16xf32>
          %swap3A_366 = vector.shape_cast %mul3A_359 : vector<16xf32> to vector<1x16xf32>
          tpu.vector_store %arg14[%swap3A_362, %swap3A_363], %swap3A_366 {strides = array<i32>} : memref<128x64xf32, #tpu.memory_space<vmem>>, vector<1x16xf32>,
          %add3A_367 = arith.constant 3 : i32
          %add3A_368 = arith.addi %multiple_of3A_161, %add3A_367 : i32
          %get3A_369 = arith.index_cast %add3A_368 : i32 to index
          %get3A_370 = arith.constant 16 : index
          %get3A_371 = tpu.vector_load %arg14[%get3A_369, %get3A_370] {strides = array<i32>} : memref<128x64xf32, #tpu.memory_space<vmem>>, vector<1x16xf32>,
          %get3A_372 = vector.shape_cast %get3A_371 : vector<1x16xf32> to vector<16xf32>
          %mul3A_373 = vector.broadcast %squeeze3A_351 : f32 to vector<16xf32>
          %mul3A_374 = arith.mulf %get3A_372, %mul3A_373 : vector<16xf32>
          %add3A_375 = arith.constant 3 : i32
          %add3A_376 = arith.addi %multiple_of3A_161, %add3A_375 : i32
          %swap3A_377 = arith.index_cast %add3A_376 : i32 to index
          %swap3A_378 = arith.constant 16 : index
          %swap3A_379 = tpu.vector_load %arg14[%swap3A_377, %swap3A_378] {strides = array<i32>} : memref<128x64xf32, #tpu.memory_space<vmem>>, vector<1x16xf32>,
          %swap3A_380 = vector.shape_cast %swap3A_379 : vector<1x16xf32> to vector<16xf32>
          %swap3A_381 = vector.shape_cast %mul3A_374 : vector<16xf32> to vector<1x16xf32>
          tpu.vector_store %arg14[%swap3A_377, %swap3A_378], %swap3A_381 {strides = array<i32>} : memref<128x64xf32, #tpu.memory_space<vmem>>, vector<1x16xf32>,
          %add3A_382 = arith.constant 3 : i32
          %add3A_383 = arith.addi %multiple_of3A_161, %add3A_382 : i32
          %get3A_384 = arith.index_cast %add3A_383 : i32 to index
          %get3A_385 = arith.constant 32 : index
          %get3A_386 = tpu.vector_load %arg14[%get3A_384, %get3A_385] {strides = array<i32>} : memref<128x64xf32, #tpu.memory_space<vmem>>, vector<1x16xf32>,
          %get3A_387 = vector.shape_cast %get3A_386 : vector<1x16xf32> to vector<16xf32>
          %mul3A_388 = vector.broadcast %squeeze3A_351 : f32 to vector<16xf32>
          %mul3A_389 = arith.mulf %get3A_387, %mul3A_388 : vector<16xf32>
          %add3A_390 = arith.constant 3 : i32
          %add3A_391 = arith.addi %multiple_of3A_161, %add3A_390 : i32
          %swap3A_392 = arith.index_cast %add3A_391 : i32 to index
          %swap3A_393 = arith.constant 32 : index
          %swap3A_394 = tpu.vector_load %arg14[%swap3A_392, %swap3A_393] {strides = array<i32>} : memref<128x64xf32, #tpu.memory_space<vmem>>, vector<1x16xf32>,
          %swap3A_395 = vector.shape_cast %swap3A_394 : vector<1x16xf32> to vector<16xf32>
          %swap3A_396 = vector.shape_cast %mul3A_389 : vector<16xf32> to vector<1x16xf32>
          tpu.vector_store %arg14[%swap3A_392, %swap3A_393], %swap3A_396 {strides = array<i32>} : memref<128x64xf32, #tpu.memory_space<vmem>>, vector<1x16xf32>,
          %add3A_397 = arith.constant 3 : i32
          %add3A_398 = arith.addi %multiple_of3A_161, %add3A_397 : i32
          %get3A_399 = arith.index_cast %add3A_398 : i32 to index
          %get3A_400 = arith.constant 48 : index
          %get3A_401 = tpu.vector_load %arg14[%get3A_399, %get3A_400] {strides = array<i32>} : memref<128x64xf32, #tpu.memory_space<vmem>>, vector<1x16xf32>,
          %get3A_402 = vector.shape_cast %get3A_401 : vector<1x16xf32> to vector<16xf32>
          %mul3A_403 = vector.broadcast %squeeze3A_351 : f32 to vector<16xf32>
          %mul3A_404 = arith.mulf %get3A_402, %mul3A_403 : vector<16xf32>
          %add3A_405 = arith.constant 3 : i32
          %add3A_406 = arith.addi %multiple_of3A_161, %add3A_405 : i32
          %swap3A_407 = arith.index_cast %add3A_406 : i32 to index
          %swap3A_408 = arith.constant 48 : index
          %swap3A_409 = tpu.vector_load %arg14[%swap3A_407, %swap3A_408] {strides = array<i32>} : memref<128x64xf32, #tpu.memory_space<vmem>>, vector<1x16xf32>,
          %swap3A_410 = vector.shape_cast %swap3A_409 : vector<1x16xf32> to vector<16xf32>
          %swap3A_411 = vector.shape_cast %mul3A_404 : vector<16xf32> to vector<1x16xf32>
          tpu.vector_store %arg14[%swap3A_407, %swap3A_408], %swap3A_411 {strides = array<i32>} : memref<128x64xf32, #tpu.memory_space<vmem>>, vector<1x16xf32>,
          %slice3A_412 = vector.extract_strided_slice %get3A_164 {offsets = [4], sizes = [1], strides = [1]} : vector<16xf32> to vector<1xf32>
          %squeeze3A_413 = vector.extract %slice3A_412[0] : f32 from vector<1xf32>
          %add3A_414 = arith.constant 4 : i32
          %add3A_415 = arith.addi %multiple_of3A_161, %add3A_414 : i32
          %get3A_416 = arith.index_cast %add3A_415 : i32 to index
          %get3A_417 = arith.constant 0 : index
          %get3A_418 = tpu.vector_load %arg14[%get3A_416, %get3A_417] {strides = array<i32>} : memref<128x64xf32, #tpu.memory_space<vmem>>, vector<1x16xf32>,
          %get3A_419 = vector.shape_cast %get3A_418 : vector<1x16xf32> to vector<16xf32>
          %mul3A_420 = vector.broadcast %squeeze3A_413 : f32 to vector<16xf32>
          %mul3A_421 = arith.mulf %get3A_419, %mul3A_420 : vector<16xf32>
          %add3A_422 = arith.constant 4 : i32
          %add3A_423 = arith.addi %multiple_of3A_161, %add3A_422 : i32
          %swap3A_424 = arith.index_cast %add3A_423 : i32 to index
          %swap3A_425 = arith.constant 0 : index
          %swap3A_426 = tpu.vector_load %arg14[%swap3A_424, %swap3A_425] {strides = array<i32>} : memref<128x64xf32, #tpu.memory_space<vmem>>, vector<1x16xf32>,
          %swap3A_427 = vector.shape_cast %swap3A_426 : vector<1x16xf32> to vector<16xf32>
          %swap3A_428 = vector.shape_cast %mul3A_421 : vector<16xf32> to vector<1x16xf32>
          tpu.vector_store %arg14[%swap3A_424, %swap3A_425], %swap3A_428 {strides = array<i32>} : memref<128x64xf32, #tpu.memory_space<vmem>>, vector<1x16xf32>,
          %add3A_429 = arith.constant 4 : i32
          %add3A_430 = arith.addi %multiple_of3A_161, %add3A_429 : i32
          %get3A_431 = arith.index_cast %add3A_430 : i32 to index
          %get3A_432 = arith.constant 16 : index
          %get3A_433 = tpu.vector_load %arg14[%get3A_431, %get3A_432] {strides = array<i32>} : memref<128x64xf32, #tpu.memory_space<vmem>>, vector<1x16xf32>,
          %get3A_434 = vector.shape_cast %get3A_433 : vector<1x16xf32> to vector<16xf32>
          %mul3A_435 = vector.broadcast %squeeze3A_413 : f32 to vector<16xf32>
          %mul3A_436 = arith.mulf %get3A_434, %mul3A_435 : vector<16xf32>
          %add3A_437 = arith.constant 4 : i32
          %add3A_438 = arith.addi %multiple_of3A_161, %add3A_437 : i32
          %swap3A_439 = arith.index_cast %add3A_438 : i32 to index
          %swap3A_440 = arith.constant 16 : index
          %swap3A_441 = tpu.vector_load %arg14[%swap3A_439, %swap3A_440] {strides = array<i32>} : memref<128x64xf32, #tpu.memory_space<vmem>>, vector<1x16xf32>,
          %swap3A_442 = vector.shape_cast %swap3A_441 : vector<1x16xf32> to vector<16xf32>
          %swap3A_443 = vector.shape_cast %mul3A_436 : vector<16xf32> to vector<1x16xf32>
          tpu.vector_store %arg14[%swap3A_439, %swap3A_440], %swap3A_443 {strides = array<i32>} : memref<128x64xf32, #tpu.memory_space<vmem>>, vector<1x16xf32>,
          %add3A_444 = arith.constant 4 : i32
          %add3A_445 = arith.addi %multiple_of3A_161, %add3A_444 : i32
          %get3A_446 = arith.index_cast %add3A_445 : i32 to index
          %get3A_447 = arith.constant 32 : index
          %get3A_448 = tpu.vector_load %arg14[%get3A_446, %get3A_447] {strides = array<i32>} : memref<128x64xf32, #tpu.memory_space<vmem>>, vector<1x16xf32>,
          %get3A_449 = vector.shape_cast %get3A_448 : vector<1x16xf32> to vector<16xf32>
          %mul3A_450 = vector.broadcast %squeeze3A_413 : f32 to vector<16xf32>
          %mul3A_451 = arith.mulf %get3A_449, %mul3A_450 : vector<16xf32>
          %add3A_452 = arith.constant 4 : i32
          %add3A_453 = arith.addi %multiple_of3A_161, %add3A_452 : i32
          %swap3A_454 = arith.index_cast %add3A_453 : i32 to index
          %swap3A_455 = arith.constant 32 : index
          %swap3A_456 = tpu.vector_load %arg14[%swap3A_454, %swap3A_455] {strides = array<i32>} : memref<128x64xf32, #tpu.memory_space<vmem>>, vector<1x16xf32>,
          %swap3A_457 = vector.shape_cast %swap3A_456 : vector<1x16xf32> to vector<16xf32>
          %swap3A_458 = vector.shape_cast %mul3A_451 : vector<16xf32> to vector<1x16xf32>
          tpu.vector_store %arg14[%swap3A_454, %swap3A_455], %swap3A_458 {strides = array<i32>} : memref<128x64xf32, #tpu.memory_space<vmem>>, vector<1x16xf32>,
          %add3A_459 = arith.constant 4 : i32
          %add3A_460 = arith.addi %multiple_of3A_161, %add3A_459 : i32
          %get3A_461 = arith.index_cast %add3A_460 : i32 to index
          %get3A_462 = arith.constant 48 : index
          %get3A_463 = tpu.vector_load %arg14[%get3A_461, %get3A_462] {strides = array<i32>} : memref<128x64xf32, #tpu.memory_space<vmem>>, vector<1x16xf32>,
          %get3A_464 = vector.shape_cast %get3A_463 : vector<1x16xf32> to vector<16xf32>
          %mul3A_465 = vector.broadcast %squeeze3A_413 : f32 to vector<16xf32>
          %mul3A_466 = arith.mulf %get3A_464, %mul3A_465 : vector<16xf32>
          %add3A_467 = arith.constant 4 : i32
          %add3A_468 = arith.addi %multiple_of3A_161, %add3A_467 : i32
          %swap3A_469 = arith.index_cast %add3A_468 : i32 to index
          %swap3A_470 = arith.constant 48 : index
          %swap3A_471 = tpu.vector_load %arg14[%swap3A_469, %swap3A_470] {strides = array<i32>} : memref<128x64xf32, #tpu.memory_space<vmem>>, vector<1x16xf32>,
          %swap3A_472 = vector.shape_cast %swap3A_471 : vector<1x16xf32> to vector<16xf32>
          %swap3A_473 = vector.shape_cast %mul3A_466 : vector<16xf32> to vector<1x16xf32>
          tpu.vector_store %arg14[%swap3A_469, %swap3A_470], %swap3A_473 {strides = array<i32>} : memref<128x64xf32, #tpu.memory_space<vmem>>, vector<1x16xf32>,
          %slice3A_474 = vector.extract_strided_slice %get3A_164 {offsets = [5], sizes = [1], strides = [1]} : vector<16xf32> to vector<1xf32>
          %squeeze3A_475 = vector.extract %slice3A_474[0] : f32 from vector<1xf32>
          %add3A_476 = arith.constant 5 : i32
          %add3A_477 = arith.addi %multiple_of3A_161, %add3A_476 : i32
          %get3A_478 = arith.index_cast %add3A_477 : i32 to index
          %get3A_479 = arith.constant 0 : index
          %get3A_480 = tpu.vector_load %arg14[%get3A_478, %get3A_479] {strides = array<i32>} : memref<128x64xf32, #tpu.memory_space<vmem>>, vector<1x16xf32>,
          %get3A_481 = vector.shape_cast %get3A_480 : vector<1x16xf32> to vector<16xf32>
          %mul3A_482 = vector.broadcast %squeeze3A_475 : f32 to vector<16xf32>
          %mul3A_483 = arith.mulf %get3A_481, %mul3A_482 : vector<16xf32>
          %add3A_484 = arith.constant 5 : i32
          %add3A_485 = arith.addi %multiple_of3A_161, %add3A_484 : i32
          %swap3A_486 = arith.index_cast %add3A_485 : i32 to index
          %swap3A_487 = arith.constant 0 : index
          %swap3A_488 = tpu.vector_load %arg14[%swap3A_486, %swap3A_487] {strides = array<i32>} : memref<128x64xf32, #tpu.memory_space<vmem>>, vector<1x16xf32>,
          %swap3A_489 = vector.shape_cast %swap3A_488 : vector<1x16xf32> to vector<16xf32>
          %swap3A_490 = vector.shape_cast %mul3A_483 : vector<16xf32> to vector<1x16xf32>
          tpu.vector_store %arg14[%swap3A_486, %swap3A_487], %swap3A_490 {strides = array<i32>} : memref<128x64xf32, #tpu.memory_space<vmem>>, vector<1x16xf32>,
          %add3A_491 = arith.constant 5 : i32
          %add3A_492 = arith.addi %multiple_of3A_161, %add3A_491 : i32
          %get3A_493 = arith.index_cast %add3A_492 : i32 to index
          %get3A_494 = arith.constant 16 : index
          %get3A_495 = tpu.vector_load %arg14[%get3A_493, %get3A_494] {strides = array<i32>} : memref<128x64xf32, #tpu.memory_space<vmem>>, vector<1x16xf32>,
          %get3A_496 = vector.shape_cast %get3A_495 : vector<1x16xf32> to vector<16xf32>
          %mul3A_497 = vector.broadcast %squeeze3A_475 : f32 to vector<16xf32>
          %mul3A_498 = arith.mulf %get3A_496, %mul3A_497 : vector<16xf32>
          %add3A_499 = arith.constant 5 : i32
          %add3A_500 = arith.addi %multiple_of3A_161, %add3A_499 : i32
          %swap3A_501 = arith.index_cast %add3A_500 : i32 to index
          %swap3A_502 = arith.constant 16 : index
          %swap3A_503 = tpu.vector_load %arg14[%swap3A_501, %swap3A_502] {strides = array<i32>} : memref<128x64xf32, #tpu.memory_space<vmem>>, vector<1x16xf32>,
          %swap3A_504 = vector.shape_cast %swap3A_503 : vector<1x16xf32> to vector<16xf32>
          %swap3A_505 = vector.shape_cast %mul3A_498 : vector<16xf32> to vector<1x16xf32>
          tpu.vector_store %arg14[%swap3A_501, %swap3A_502], %swap3A_505 {strides = array<i32>} : memref<128x64xf32, #tpu.memory_space<vmem>>, vector<1x16xf32>,
          %add3A_506 = arith.constant 5 : i32
          %add3A_507 = arith.addi %multiple_of3A_161, %add3A_506 : i32
          %get3A_508 = arith.index_cast %add3A_507 : i32 to index
          %get3A_509 = arith.constant 32 : index
          %get3A_510 = tpu.vector_load %arg14[%get3A_508, %get3A_509] {strides = array<i32>} : memref<128x64xf32, #tpu.memory_space<vmem>>, vector<1x16xf32>,
          %get3A_511 = vector.shape_cast %get3A_510 : vector<1x16xf32> to vector<16xf32>
          %mul3A_512 = vector.broadcast %squeeze3A_475 : f32 to vector<16xf32>
          %mul3A_513 = arith.mulf %get3A_511, %mul3A_512 : vector<16xf32>
          %add3A_514 = arith.constant 5 : i32
          %add3A_515 = arith.addi %multiple_of3A_161, %add3A_514 : i32
          %swap3A_516 = arith.index_cast %add3A_515 : i32 to index
          %swap3A_517 = arith.constant 32 : index
          %swap3A_518 = tpu.vector_load %arg14[%swap3A_516, %swap3A_517] {strides = array<i32>} : memref<128x64xf32, #tpu.memory_space<vmem>>, vector<1x16xf32>,
          %swap3A_519 = vector.shape_cast %swap3A_518 : vector<1x16xf32> to vector<16xf32>
          %swap3A_520 = vector.shape_cast %mul3A_513 : vector<16xf32> to vector<1x16xf32>
          tpu.vector_store %arg14[%swap3A_516, %swap3A_517], %swap3A_520 {strides = array<i32>} : memref<128x64xf32, #tpu.memory_space<vmem>>, vector<1x16xf32>,
          %add3A_521 = arith.constant 5 : i32
          %add3A_522 = arith.addi %multiple_of3A_161, %add3A_521 : i32
          %get3A_523 = arith.index_cast %add3A_522 : i32 to index
          %get3A_524 = arith.constant 48 : index
          %get3A_525 = tpu.vector_load %arg14[%get3A_523, %get3A_524] {strides = array<i32>} : memref<128x64xf32, #tpu.memory_space<vmem>>, vector<1x16xf32>,
          %get3A_526 = vector.shape_cast %get3A_525 : vector<1x16xf32> to vector<16xf32>
          %mul3A_527 = vector.broadcast %squeeze3A_475 : f32 to vector<16xf32>
          %mul3A_528 = arith.mulf %get3A_526, %mul3A_527 : vector<16xf32>
          %add3A_529 = arith.constant 5 : i32
          %add3A_530 = arith.addi %multiple_of3A_161, %add3A_529 : i32
          %swap3A_531 = arith.index_cast %add3A_530 : i32 to index
          %swap3A_532 = arith.constant 48 : index
          %swap3A_533 = tpu.vector_load %arg14[%swap3A_531, %swap3A_532] {strides = array<i32>} : memref<128x64xf32, #tpu.memory_space<vmem>>, vector<1x16xf32>,
          %swap3A_534 = vector.shape_cast %swap3A_533 : vector<1x16xf32> to vector<16xf32>
          %swap3A_535 = vector.shape_cast %mul3A_528 : vector<16xf32> to vector<1x16xf32>
          tpu.vector_store %arg14[%swap3A_531, %swap3A_532], %swap3A_535 {strides = array<i32>} : memref<128x64xf32, #tpu.memory_space<vmem>>, vector<1x16xf32>,
          %slice3A_536 = vector.extract_strided_slice %get3A_164 {offsets = [6], sizes = [1], strides = [1]} : vector<16xf32> to vector<1xf32>
          %squeeze3A_537 = vector.extract %slice3A_536[0] : f32 from vector<1xf32>
          %add3A_538 = arith.constant 6 : i32
          %add3A_539 = arith.addi %multiple_of3A_161, %add3A_538 : i32
          %get3A_540 = arith.index_cast %add3A_539 : i32 to index
          %get3A_541 = arith.constant 0 : index
          %get3A_542 = tpu.vector_load %arg14[%get3A_540, %get3A_541] {strides = array<i32>} : memref<128x64xf32, #tpu.memory_space<vmem>>, vector<1x16xf32>,
          %get3A_543 = vector.shape_cast %get3A_542 : vector<1x16xf32> to vector<16xf32>
          %mul3A_544 = vector.broadcast %squeeze3A_537 : f32 to vector<16xf32>
          %mul3A_545 = arith.mulf %get3A_543, %mul3A_544 : vector<16xf32>
          %add3A_546 = arith.constant 6 : i32
          %add3A_547 = arith.addi %multiple_of3A_161, %add3A_546 : i32
          %swap3A_548 = arith.index_cast %add3A_547 : i32 to index
          %swap3A_549 = arith.constant 0 : index
          %swap3A_550 = tpu.vector_load %arg14[%swap3A_548, %swap3A_549] {strides = array<i32>} : memref<128x64xf32, #tpu.memory_space<vmem>>, vector<1x16xf32>,
          %swap3A_551 = vector.shape_cast %swap3A_550 : vector<1x16xf32> to vector<16xf32>
          %swap3A_552 = vector.shape_cast %mul3A_545 : vector<16xf32> to vector<1x16xf32>
          tpu.vector_store %arg14[%swap3A_548, %swap3A_549], %swap3A_552 {strides = array<i32>} : memref<128x64xf32, #tpu.memory_space<vmem>>, vector<1x16xf32>,
          %add3A_553 = arith.constant 6 : i32
          %add3A_554 = arith.addi %multiple_of3A_161, %add3A_553 : i32
          %get3A_555 = arith.index_cast %add3A_554 : i32 to index
          %get3A_556 = arith.constant 16 : index
          %get3A_557 = tpu.vector_load %arg14[%get3A_555, %get3A_556] {strides = array<i32>} : memref<128x64xf32, #tpu.memory_space<vmem>>, vector<1x16xf32>,
          %get3A_558 = vector.shape_cast %get3A_557 : vector<1x16xf32> to vector<16xf32>
          %mul3A_559 = vector.broadcast %squeeze3A_537 : f32 to vector<16xf32>
          %mul3A_560 = arith.mulf %get3A_558, %mul3A_559 : vector<16xf32>
          %add3A_561 = arith.constant 6 : i32
          %add3A_562 = arith.addi %multiple_of3A_161, %add3A_561 : i32
          %swap3A_563 = arith.index_cast %add3A_562 : i32 to index
          %swap3A_564 = arith.constant 16 : index
          %swap3A_565 = tpu.vector_load %arg14[%swap3A_563, %swap3A_564] {strides = array<i32>} : memref<128x64xf32, #tpu.memory_space<vmem>>, vector<1x16xf32>,
          %swap3A_566 = vector.shape_cast %swap3A_565 : vector<1x16xf32> to vector<16xf32>
          %swap3A_567 = vector.shape_cast %mul3A_560 : vector<16xf32> to vector<1x16xf32>
          tpu.vector_store %arg14[%swap3A_563, %swap3A_564], %swap3A_567 {strides = array<i32>} : memref<128x64xf32, #tpu.memory_space<vmem>>, vector<1x16xf32>,
          %add3A_568 = arith.constant 6 : i32
          %add3A_569 = arith.addi %multiple_of3A_161, %add3A_568 : i32
          %get3A_570 = arith.index_cast %add3A_569 : i32 to index
          %get3A_571 = arith.constant 32 : index
          %get3A_572 = tpu.vector_load %arg14[%get3A_570, %get3A_571] {strides = array<i32>} : memref<128x64xf32, #tpu.memory_space<vmem>>, vector<1x16xf32>,
          %get3A_573 = vector.shape_cast %get3A_572 : vector<1x16xf32> to vector<16xf32>
          %mul3A_574 = vector.broadcast %squeeze3A_537 : f32 to vector<16xf32>
          %mul3A_575 = arith.mulf %get3A_573, %mul3A_574 : vector<16xf32>
          %add3A_576 = arith.constant 6 : i32
          %add3A_577 = arith.addi %multiple_of3A_161, %add3A_576 : i32
          %swap3A_578 = arith.index_cast %add3A_577 : i32 to index
          %swap3A_579 = arith.constant 32 : index
          %swap3A_580 = tpu.vector_load %arg14[%swap3A_578, %swap3A_579] {strides = array<i32>} : memref<128x64xf32, #tpu.memory_space<vmem>>, vector<1x16xf32>,
          %swap3A_581 = vector.shape_cast %swap3A_580 : vector<1x16xf32> to vector<16xf32>
          %swap3A_582 = vector.shape_cast %mul3A_575 : vector<16xf32> to vector<1x16xf32>
          tpu.vector_store %arg14[%swap3A_578, %swap3A_579], %swap3A_582 {strides = array<i32>} : memref<128x64xf32, #tpu.memory_space<vmem>>, vector<1x16xf32>,
          %add3A_583 = arith.constant 6 : i32
          %add3A_584 = arith.addi %multiple_of3A_161, %add3A_583 : i32
          %get3A_585 = arith.index_cast %add3A_584 : i32 to index
          %get3A_586 = arith.constant 48 : index
          %get3A_587 = tpu.vector_load %arg14[%get3A_585, %get3A_586] {strides = array<i32>} : memref<128x64xf32, #tpu.memory_space<vmem>>, vector<1x16xf32>,
          %get3A_588 = vector.shape_cast %get3A_587 : vector<1x16xf32> to vector<16xf32>
          %mul3A_589 = vector.broadcast %squeeze3A_537 : f32 to vector<16xf32>
          %mul3A_590 = arith.mulf %get3A_588, %mul3A_589 : vector<16xf32>
          %add3A_591 = arith.constant 6 : i32
          %add3A_592 = arith.addi %multiple_of3A_161, %add3A_591 : i32
          %swap3A_593 = arith.index_cast %add3A_592 : i32 to index
          %swap3A_594 = arith.constant 48 : index
          %swap3A_595 = tpu.vector_load %arg14[%swap3A_593, %swap3A_594] {strides = array<i32>} : memref<128x64xf32, #tpu.memory_space<vmem>>, vector<1x16xf32>,
          %swap3A_596 = vector.shape_cast %swap3A_595 : vector<1x16xf32> to vector<16xf32>
          %swap3A_597 = vector.shape_cast %mul3A_590 : vector<16xf32> to vector<1x16xf32>
          tpu.vector_store %arg14[%swap3A_593, %swap3A_594], %swap3A_597 {strides = array<i32>} : memref<128x64xf32, #tpu.memory_space<vmem>>, vector<1x16xf32>,
          %slice3A_598 = vector.extract_strided_slice %get3A_164 {offsets = [7], sizes = [1], strides = [1]} : vector<16xf32> to vector<1xf32>
          %squeeze3A_599 = vector.extract %slice3A_598[0] : f32 from vector<1xf32>
          %add3A_600 = arith.constant 7 : i32
          %add3A_601 = arith.addi %multiple_of3A_161, %add3A_600 : i32
          %get3A_602 = arith.index_cast %add3A_601 : i32 to index
          %get3A_603 = arith.constant 0 : index
          %get3A_604 = tpu.vector_load %arg14[%get3A_602, %get3A_603] {strides = array<i32>} : memref<128x64xf32, #tpu.memory_space<vmem>>, vector<1x16xf32>,
          %get3A_605 = vector.shape_cast %get3A_604 : vector<1x16xf32> to vector<16xf32>
          %mul3A_606 = vector.broadcast %squeeze3A_599 : f32 to vector<16xf32>
          %mul3A_607 = arith.mulf %get3A_605, %mul3A_606 : vector<16xf32>
          %add3A_608 = arith.constant 7 : i32
          %add3A_609 = arith.addi %multiple_of3A_161, %add3A_608 : i32
          %swap3A_610 = arith.index_cast %add3A_609 : i32 to index
          %swap3A_611 = arith.constant 0 : index
          %swap3A_612 = tpu.vector_load %arg14[%swap3A_610, %swap3A_611] {strides = array<i32>} : memref<128x64xf32, #tpu.memory_space<vmem>>, vector<1x16xf32>,
          %swap3A_613 = vector.shape_cast %swap3A_612 : vector<1x16xf32> to vector<16xf32>
          %swap3A_614 = vector.shape_cast %mul3A_607 : vector<16xf32> to vector<1x16xf32>
          tpu.vector_store %arg14[%swap3A_610, %swap3A_611], %swap3A_614 {strides = array<i32>} : memref<128x64xf32, #tpu.memory_space<vmem>>, vector<1x16xf32>,
          %add3A_615 = arith.constant 7 : i32
          %add3A_616 = arith.addi %multiple_of3A_161, %add3A_615 : i32
          %get3A_617 = arith.index_cast %add3A_616 : i32 to index
          %get3A_618 = arith.constant 16 : index
          %get3A_619 = tpu.vector_load %arg14[%get3A_617, %get3A_618] {strides = array<i32>} : memref<128x64xf32, #tpu.memory_space<vmem>>, vector<1x16xf32>,
          %get3A_620 = vector.shape_cast %get3A_619 : vector<1x16xf32> to vector<16xf32>
          %mul3A_621 = vector.broadcast %squeeze3A_599 : f32 to vector<16xf32>
          %mul3A_622 = arith.mulf %get3A_620, %mul3A_621 : vector<16xf32>
          %add3A_623 = arith.constant 7 : i32
          %add3A_624 = arith.addi %multiple_of3A_161, %add3A_623 : i32
          %swap3A_625 = arith.index_cast %add3A_624 : i32 to index
          %swap3A_626 = arith.constant 16 : index
          %swap3A_627 = tpu.vector_load %arg14[%swap3A_625, %swap3A_626] {strides = array<i32>} : memref<128x64xf32, #tpu.memory_space<vmem>>, vector<1x16xf32>,
          %swap3A_628 = vector.shape_cast %swap3A_627 : vector<1x16xf32> to vector<16xf32>
          %swap3A_629 = vector.shape_cast %mul3A_622 : vector<16xf32> to vector<1x16xf32>
          tpu.vector_store %arg14[%swap3A_625, %swap3A_626], %swap3A_629 {strides = array<i32>} : memref<128x64xf32, #tpu.memory_space<vmem>>, vector<1x16xf32>,
          %add3A_630 = arith.constant 7 : i32
          %add3A_631 = arith.addi %multiple_of3A_161, %add3A_630 : i32
          %get3A_632 = arith.index_cast %add3A_631 : i32 to index
          %get3A_633 = arith.constant 32 : index
          %get3A_634 = tpu.vector_load %arg14[%get3A_632, %get3A_633] {strides = array<i32>} : memref<128x64xf32, #tpu.memory_space<vmem>>, vector<1x16xf32>,
          %get3A_635 = vector.shape_cast %get3A_634 : vector<1x16xf32> to vector<16xf32>
          %mul3A_636 = vector.broadcast %squeeze3A_599 : f32 to vector<16xf32>
          %mul3A_637 = arith.mulf %get3A_635, %mul3A_636 : vector<16xf32>
          %add3A_638 = arith.constant 7 : i32
          %add3A_639 = arith.addi %multiple_of3A_161, %add3A_638 : i32
          %swap3A_640 = arith.index_cast %add3A_639 : i32 to index
          %swap3A_641 = arith.constant 32 : index
          %swap3A_642 = tpu.vector_load %arg14[%swap3A_640, %swap3A_641] {strides = array<i32>} : memref<128x64xf32, #tpu.memory_space<vmem>>, vector<1x16xf32>,
          %swap3A_643 = vector.shape_cast %swap3A_642 : vector<1x16xf32> to vector<16xf32>
          %swap3A_644 = vector.shape_cast %mul3A_637 : vector<16xf32> to vector<1x16xf32>
          tpu.vector_store %arg14[%swap3A_640, %swap3A_641], %swap3A_644 {strides = array<i32>} : memref<128x64xf32, #tpu.memory_space<vmem>>, vector<1x16xf32>,
          %add3A_645 = arith.constant 7 : i32
          %add3A_646 = arith.addi %multiple_of3A_161, %add3A_645 : i32
          %get3A_647 = arith.index_cast %add3A_646 : i32 to index
          %get3A_648 = arith.constant 48 : index
          %get3A_649 = tpu.vector_load %arg14[%get3A_647, %get3A_648] {strides = array<i32>} : memref<128x64xf32, #tpu.memory_space<vmem>>, vector<1x16xf32>,
          %get3A_650 = vector.shape_cast %get3A_649 : vector<1x16xf32> to vector<16xf32>
          %mul3A_651 = vector.broadcast %squeeze3A_599 : f32 to vector<16xf32>
          %mul3A_652 = arith.mulf %get3A_650, %mul3A_651 : vector<16xf32>
          %add3A_653 = arith.constant 7 : i32
          %add3A_654 = arith.addi %multiple_of3A_161, %add3A_653 : i32
          %swap3A_655 = arith.index_cast %add3A_654 : i32 to index
          %swap3A_656 = arith.constant 48 : index
          %swap3A_657 = tpu.vector_load %arg14[%swap3A_655, %swap3A_656] {strides = array<i32>} : memref<128x64xf32, #tpu.memory_space<vmem>>, vector<1x16xf32>,
          %swap3A_658 = vector.shape_cast %swap3A_657 : vector<1x16xf32> to vector<16xf32>
          %swap3A_659 = vector.shape_cast %mul3A_652 : vector<16xf32> to vector<1x16xf32>
          tpu.vector_store %arg14[%swap3A_655, %swap3A_656], %swap3A_659 {strides = array<i32>} : memref<128x64xf32, #tpu.memory_space<vmem>>, vector<1x16xf32>,
          %slice3A_660 = vector.extract_strided_slice %get3A_164 {offsets = [8], sizes = [1], strides = [1]} : vector<16xf32> to vector<1xf32>
          %squeeze3A_661 = vector.extract %slice3A_660[0] : f32 from vector<1xf32>
          %add3A_662 = arith.constant 8 : i32
          %add3A_663 = arith.addi %multiple_of3A_161, %add3A_662 : i32
          %get3A_664 = arith.index_cast %add3A_663 : i32 to index
          %get3A_665 = arith.constant 0 : index
          %get3A_666 = tpu.vector_load %arg14[%get3A_664, %get3A_665] {strides = array<i32>} : memref<128x64xf32, #tpu.memory_space<vmem>>, vector<1x16xf32>,
          %get3A_667 = vector.shape_cast %get3A_666 : vector<1x16xf32> to vector<16xf32>
          %mul3A_668 = vector.broadcast %squeeze3A_661 : f32 to vector<16xf32>
          %mul3A_669 = arith.mulf %get3A_667, %mul3A_668 : vector<16xf32>
          %add3A_670 = arith.constant 8 : i32
          %add3A_671 = arith.addi %multiple_of3A_161, %add3A_670 : i32
          %swap3A_672 = arith.index_cast %add3A_671 : i32 to index
          %swap3A_673 = arith.constant 0 : index
          %swap3A_674 = tpu.vector_load %arg14[%swap3A_672, %swap3A_673] {strides = array<i32>} : memref<128x64xf32, #tpu.memory_space<vmem>>, vector<1x16xf32>,
          %swap3A_675 = vector.shape_cast %swap3A_674 : vector<1x16xf32> to vector<16xf32>
          %swap3A_676 = vector.shape_cast %mul3A_669 : vector<16xf32> to vector<1x16xf32>
          tpu.vector_store %arg14[%swap3A_672, %swap3A_673], %swap3A_676 {strides = array<i32>} : memref<128x64xf32, #tpu.memory_space<vmem>>, vector<1x16xf32>,
          %add3A_677 = arith.constant 8 : i32
          %add3A_678 = arith.addi %multiple_of3A_161, %add3A_677 : i32
          %get3A_679 = arith.index_cast %add3A_678 : i32 to index
          %get3A_680 = arith.constant 16 : index
          %get3A_681 = tpu.vector_load %arg14[%get3A_679, %get3A_680] {strides = array<i32>} : memref<128x64xf32, #tpu.memory_space<vmem>>, vector<1x16xf32>,
          %get3A_682 = vector.shape_cast %get3A_681 : vector<1x16xf32> to vector<16xf32>
          %mul3A_683 = vector.broadcast %squeeze3A_661 : f32 to vector<16xf32>
          %mul3A_684 = arith.mulf %get3A_682, %mul3A_683 : vector<16xf32>
          %add3A_685 = arith.constant 8 : i32
          %add3A_686 = arith.addi %multiple_of3A_161, %add3A_685 : i32
          %swap3A_687 = arith.index_cast %add3A_686 : i32 to index
          %swap3A_688 = arith.constant 16 : index
          %swap3A_689 = tpu.vector_load %arg14[%swap3A_687, %swap3A_688] {strides = array<i32>} : memref<128x64xf32, #tpu.memory_space<vmem>>, vector<1x16xf32>,
          %swap3A_690 = vector.shape_cast %swap3A_689 : vector<1x16xf32> to vector<16xf32>
          %swap3A_691 = vector.shape_cast %mul3A_684 : vector<16xf32> to vector<1x16xf32>
          tpu.vector_store %arg14[%swap3A_687, %swap3A_688], %swap3A_691 {strides = array<i32>} : memref<128x64xf32, #tpu.memory_space<vmem>>, vector<1x16xf32>,
          %add3A_692 = arith.constant 8 : i32
          %add3A_693 = arith.addi %multiple_of3A_161, %add3A_692 : i32
          %get3A_694 = arith.index_cast %add3A_693 : i32 to index
          %get3A_695 = arith.constant 32 : index
          %get3A_696 = tpu.vector_load %arg14[%get3A_694, %get3A_695] {strides = array<i32>} : memref<128x64xf32, #tpu.memory_space<vmem>>, vector<1x16xf32>,
          %get3A_697 = vector.shape_cast %get3A_696 : vector<1x16xf32> to vector<16xf32>
          %mul3A_698 = vector.broadcast %squeeze3A_661 : f32 to vector<16xf32>
          %mul3A_699 = arith.mulf %get3A_697, %mul3A_698 : vector<16xf32>
          %add3A_700 = arith.constant 8 : i32
          %add3A_701 = arith.addi %multiple_of3A_161, %add3A_700 : i32
          %swap3A_702 = arith.index_cast %add3A_701 : i32 to index
          %swap3A_703 = arith.constant 32 : index
          %swap3A_704 = tpu.vector_load %arg14[%swap3A_702, %swap3A_703] {strides = array<i32>} : memref<128x64xf32, #tpu.memory_space<vmem>>, vector<1x16xf32>,
          %swap3A_705 = vector.shape_cast %swap3A_704 : vector<1x16xf32> to vector<16xf32>
          %swap3A_706 = vector.shape_cast %mul3A_699 : vector<16xf32> to vector<1x16xf32>
          tpu.vector_store %arg14[%swap3A_702, %swap3A_703], %swap3A_706 {strides = array<i32>} : memref<128x64xf32, #tpu.memory_space<vmem>>, vector<1x16xf32>,
          %add3A_707 = arith.constant 8 : i32
          %add3A_708 = arith.addi %multiple_of3A_161, %add3A_707 : i32
          %get3A_709 = arith.index_cast %add3A_708 : i32 to index
          %get3A_710 = arith.constant 48 : index
          %get3A_711 = tpu.vector_load %arg14[%get3A_709, %get3A_710] {strides = array<i32>} : memref<128x64xf32, #tpu.memory_space<vmem>>, vector<1x16xf32>,
          %get3A_712 = vector.shape_cast %get3A_711 : vector<1x16xf32> to vector<16xf32>
          %mul3A_713 = vector.broadcast %squeeze3A_661 : f32 to vector<16xf32>
          %mul3A_714 = arith.mulf %get3A_712, %mul3A_713 : vector<16xf32>
          %add3A_715 = arith.constant 8 : i32
          %add3A_716 = arith.addi %multiple_of3A_161, %add3A_715 : i32
          %swap3A_717 = arith.index_cast %add3A_716 : i32 to index
          %swap3A_718 = arith.constant 48 : index
          %swap3A_719 = tpu.vector_load %arg14[%swap3A_717, %swap3A_718] {strides = array<i32>} : memref<128x64xf32, #tpu.memory_space<vmem>>, vector<1x16xf32>,
          %swap3A_720 = vector.shape_cast %swap3A_719 : vector<1x16xf32> to vector<16xf32>
          %swap3A_721 = vector.shape_cast %mul3A_714 : vector<16xf32> to vector<1x16xf32>
          tpu.vector_store %arg14[%swap3A_717, %swap3A_718], %swap3A_721 {strides = array<i32>} : memref<128x64xf32, #tpu.memory_space<vmem>>, vector<1x16xf32>,
          %slice3A_722 = vector.extract_strided_slice %get3A_164 {offsets = [9], sizes = [1], strides = [1]} : vector<16xf32> to vector<1xf32>
          %squeeze3A_723 = vector.extract %slice3A_722[0] : f32 from vector<1xf32>
          %add3A_724 = arith.constant 9 : i32
          %add3A_725 = arith.addi %multiple_of3A_161, %add3A_724 : i32
          %get3A_726 = arith.index_cast %add3A_725 : i32 to index
          %get3A_727 = arith.constant 0 : index
          %get3A_728 = tpu.vector_load %arg14[%get3A_726, %get3A_727] {strides = array<i32>} : memref<128x64xf32, #tpu.memory_space<vmem>>, vector<1x16xf32>,
          %get3A_729 = vector.shape_cast %get3A_728 : vector<1x16xf32> to vector<16xf32>
          %mul3A_730 = vector.broadcast %squeeze3A_723 : f32 to vector<16xf32>
          %mul3A_731 = arith.mulf %get3A_729, %mul3A_730 : vector<16xf32>
          %add3A_732 = arith.constant 9 : i32
          %add3A_733 = arith.addi %multiple_of3A_161, %add3A_732 : i32
          %swap3A_734 = arith.index_cast %add3A_733 : i32 to index
          %swap3A_735 = arith.constant 0 : index
          %swap3A_736 = tpu.vector_load %arg14[%swap3A_734, %swap3A_735] {strides = array<i32>} : memref<128x64xf32, #tpu.memory_space<vmem>>, vector<1x16xf32>,
          %swap3A_737 = vector.shape_cast %swap3A_736 : vector<1x16xf32> to vector<16xf32>
          %swap3A_738 = vector.shape_cast %mul3A_731 : vector<16xf32> to vector<1x16xf32>
          tpu.vector_store %arg14[%swap3A_734, %swap3A_735], %swap3A_738 {strides = array<i32>} : memref<128x64xf32, #tpu.memory_space<vmem>>, vector<1x16xf32>,
          %add3A_739 = arith.constant 9 : i32
          %add3A_740 = arith.addi %multiple_of3A_161, %add3A_739 : i32
          %get3A_741 = arith.index_cast %add3A_740 : i32 to index
          %get3A_742 = arith.constant 16 : index
          %get3A_743 = tpu.vector_load %arg14[%get3A_741, %get3A_742] {strides = array<i32>} : memref<128x64xf32, #tpu.memory_space<vmem>>, vector<1x16xf32>,
          %get3A_744 = vector.shape_cast %get3A_743 : vector<1x16xf32> to vector<16xf32>
          %mul3A_745 = vector.broadcast %squeeze3A_723 : f32 to vector<16xf32>
          %mul3A_746 = arith.mulf %get3A_744, %mul3A_745 : vector<16xf32>
          %add3A_747 = arith.constant 9 : i32
          %add3A_748 = arith.addi %multiple_of3A_161, %add3A_747 : i32
          %swap3A_749 = arith.index_cast %add3A_748 : i32 to index
          %swap3A_750 = arith.constant 16 : index
          %swap3A_751 = tpu.vector_load %arg14[%swap3A_749, %swap3A_750] {strides = array<i32>} : memref<128x64xf32, #tpu.memory_space<vmem>>, vector<1x16xf32>,
          %swap3A_752 = vector.shape_cast %swap3A_751 : vector<1x16xf32> to vector<16xf32>
          %swap3A_753 = vector.shape_cast %mul3A_746 : vector<16xf32> to vector<1x16xf32>
          tpu.vector_store %arg14[%swap3A_749, %swap3A_750], %swap3A_753 {strides = array<i32>} : memref<128x64xf32, #tpu.memory_space<vmem>>, vector<1x16xf32>,
          %add3A_754 = arith.constant 9 : i32
          %add3A_755 = arith.addi %multiple_of3A_161, %add3A_754 : i32
          %get3A_756 = arith.index_cast %add3A_755 : i32 to index
          %get3A_757 = arith.constant 32 : index
          %get3A_758 = tpu.vector_load %arg14[%get3A_756, %get3A_757] {strides = array<i32>} : memref<128x64xf32, #tpu.memory_space<vmem>>, vector<1x16xf32>,
          %get3A_759 = vector.shape_cast %get3A_758 : vector<1x16xf32> to vector<16xf32>
          %mul3A_760 = vector.broadcast %squeeze3A_723 : f32 to vector<16xf32>
          %mul3A_761 = arith.mulf %get3A_759, %mul3A_760 : vector<16xf32>
          %add3A_762 = arith.constant 9 : i32
          %add3A_763 = arith.addi %multiple_of3A_161, %add3A_762 : i32
          %swap3A_764 = arith.index_cast %add3A_763 : i32 to index
          %swap3A_765 = arith.constant 32 : index
          %swap3A_766 = tpu.vector_load %arg14[%swap3A_764, %swap3A_765] {strides = array<i32>} : memref<128x64xf32, #tpu.memory_space<vmem>>, vector<1x16xf32>,
          %swap3A_767 = vector.shape_cast %swap3A_766 : vector<1x16xf32> to vector<16xf32>
          %swap3A_768 = vector.shape_cast %mul3A_761 : vector<16xf32> to vector<1x16xf32>
          tpu.vector_store %arg14[%swap3A_764, %swap3A_765], %swap3A_768 {strides = array<i32>} : memref<128x64xf32, #tpu.memory_space<vmem>>, vector<1x16xf32>,
          %add3A_769 = arith.constant 9 : i32
          %add3A_770 = arith.addi %multiple_of3A_161, %add3A_769 : i32
          %get3A_771 = arith.index_cast %add3A_770 : i32 to index
          %get3A_772 = arith.constant 48 : index
          %get3A_773 = tpu.vector_load %arg14[%get3A_771, %get3A_772] {strides = array<i32>} : memref<128x64xf32, #tpu.memory_space<vmem>>, vector<1x16xf32>,
          %get3A_774 = vector.shape_cast %get3A_773 : vector<1x16xf32> to vector<16xf32>
          %mul3A_775 = vector.broadcast %squeeze3A_723 : f32 to vector<16xf32>
          %mul3A_776 = arith.mulf %get3A_774, %mul3A_775 : vector<16xf32>
          %add3A_777 = arith.constant 9 : i32
          %add3A_778 = arith.addi %multiple_of3A_161, %add3A_777 : i32
          %swap3A_779 = arith.index_cast %add3A_778 : i32 to index
          %swap3A_780 = arith.constant 48 : index
          %swap3A_781 = tpu.vector_load %arg14[%swap3A_779, %swap3A_780] {strides = array<i32>} : memref<128x64xf32, #tpu.memory_space<vmem>>, vector<1x16xf32>,
          %swap3A_782 = vector.shape_cast %swap3A_781 : vector<1x16xf32> to vector<16xf32>
          %swap3A_783 = vector.shape_cast %mul3A_776 : vector<16xf32> to vector<1x16xf32>
          tpu.vector_store %arg14[%swap3A_779, %swap3A_780], %swap3A_783 {strides = array<i32>} : memref<128x64xf32, #tpu.memory_space<vmem>>, vector<1x16xf32>,
          %slice3A_784 = vector.extract_strided_slice %get3A_164 {offsets = [10], sizes = [1], strides = [1]} : vector<16xf32> to vector<1xf32>
          %squeeze3A_785 = vector.extract %slice3A_784[0] : f32 from vector<1xf32>
          %add3A_786 = arith.constant 10 : i32
          %add3A_787 = arith.addi %multiple_of3A_161, %add3A_786 : i32
          %get3A_788 = arith.index_cast %add3A_787 : i32 to index
          %get3A_789 = arith.constant 0 : index
          %get3A_790 = tpu.vector_load %arg14[%get3A_788, %get3A_789] {strides = array<i32>} : memref<128x64xf32, #tpu.memory_space<vmem>>, vector<1x16xf32>,
          %get3A_791 = vector.shape_cast %get3A_790 : vector<1x16xf32> to vector<16xf32>
          %mul3A_792 = vector.broadcast %squeeze3A_785 : f32 to vector<16xf32>
          %mul3A_793 = arith.mulf %get3A_791, %mul3A_792 : vector<16xf32>
          %add3A_794 = arith.constant 10 : i32
          %add3A_795 = arith.addi %multiple_of3A_161, %add3A_794 : i32
          %swap3A_796 = arith.index_cast %add3A_795 : i32 to index
          %swap3A_797 = arith.constant 0 : index
          %swap3A_798 = tpu.vector_load %arg14[%swap3A_796, %swap3A_797] {strides = array<i32>} : memref<128x64xf32, #tpu.memory_space<vmem>>, vector<1x16xf32>,
          %swap3A_799 = vector.shape_cast %swap3A_798 : vector<1x16xf32> to vector<16xf32>
          %swap3A_800 = vector.shape_cast %mul3A_793 : vector<16xf32> to vector<1x16xf32>
          tpu.vector_store %arg14[%swap3A_796, %swap3A_797], %swap3A_800 {strides = array<i32>} : memref<128x64xf32, #tpu.memory_space<vmem>>, vector<1x16xf32>,
          %add3A_801 = arith.constant 10 : i32
          %add3A_802 = arith.addi %multiple_of3A_161, %add3A_801 : i32
          %get3A_803 = arith.index_cast %add3A_802 : i32 to index
          %get3A_804 = arith.constant 16 : index
          %get3A_805 = tpu.vector_load %arg14[%get3A_803, %get3A_804] {strides = array<i32>} : memref<128x64xf32, #tpu.memory_space<vmem>>, vector<1x16xf32>,
          %get3A_806 = vector.shape_cast %get3A_805 : vector<1x16xf32> to vector<16xf32>
          %mul3A_807 = vector.broadcast %squeeze3A_785 : f32 to vector<16xf32>
          %mul3A_808 = arith.mulf %get3A_806, %mul3A_807 : vector<16xf32>
          %add3A_809 = arith.constant 10 : i32
          %add3A_810 = arith.addi %multiple_of3A_161, %add3A_809 : i32
          %swap3A_811 = arith.index_cast %add3A_810 : i32 to index
          %swap3A_812 = arith.constant 16 : index
          %swap3A_813 = tpu.vector_load %arg14[%swap3A_811, %swap3A_812] {strides = array<i32>} : memref<128x64xf32, #tpu.memory_space<vmem>>, vector<1x16xf32>,
          %swap3A_814 = vector.shape_cast %swap3A_813 : vector<1x16xf32> to vector<16xf32>
          %swap3A_815 = vector.shape_cast %mul3A_808 : vector<16xf32> to vector<1x16xf32>
          tpu.vector_store %arg14[%swap3A_811, %swap3A_812], %swap3A_815 {strides = array<i32>} : memref<128x64xf32, #tpu.memory_space<vmem>>, vector<1x16xf32>,
          %add3A_816 = arith.constant 10 : i32
          %add3A_817 = arith.addi %multiple_of3A_161, %add3A_816 : i32
          %get3A_818 = arith.index_cast %add3A_817 : i32 to index
          %get3A_819 = arith.constant 32 : index
          %get3A_820 = tpu.vector_load %arg14[%get3A_818, %get3A_819] {strides = array<i32>} : memref<128x64xf32, #tpu.memory_space<vmem>>, vector<1x16xf32>,
          %get3A_821 = vector.shape_cast %get3A_820 : vector<1x16xf32> to vector<16xf32>
          %mul3A_822 = vector.broadcast %squeeze3A_785 : f32 to vector<16xf32>
          %mul3A_823 = arith.mulf %get3A_821, %mul3A_822 : vector<16xf32>
          %add3A_824 = arith.constant 10 : i32
          %add3A_825 = arith.addi %multiple_of3A_161, %add3A_824 : i32
          %swap3A_826 = arith.index_cast %add3A_825 : i32 to index
          %swap3A_827 = arith.constant 32 : index
          %swap3A_828 = tpu.vector_load %arg14[%swap3A_826, %swap3A_827] {strides = array<i32>} : memref<128x64xf32, #tpu.memory_space<vmem>>, vector<1x16xf32>,
          %swap3A_829 = vector.shape_cast %swap3A_828 : vector<1x16xf32> to vector<16xf32>
          %swap3A_830 = vector.shape_cast %mul3A_823 : vector<16xf32> to vector<1x16xf32>
          tpu.vector_store %arg14[%swap3A_826, %swap3A_827], %swap3A_830 {strides = array<i32>} : memref<128x64xf32, #tpu.memory_space<vmem>>, vector<1x16xf32>,
          %add3A_831 = arith.constant 10 : i32
          %add3A_832 = arith.addi %multiple_of3A_161, %add3A_831 : i32
          %get3A_833 = arith.index_cast %add3A_832 : i32 to index
          %get3A_834 = arith.constant 48 : index
          %get3A_835 = tpu.vector_load %arg14[%get3A_833, %get3A_834] {strides = array<i32>} : memref<128x64xf32, #tpu.memory_space<vmem>>, vector<1x16xf32>,
          %get3A_836 = vector.shape_cast %get3A_835 : vector<1x16xf32> to vector<16xf32>
          %mul3A_837 = vector.broadcast %squeeze3A_785 : f32 to vector<16xf32>
          %mul3A_838 = arith.mulf %get3A_836, %mul3A_837 : vector<16xf32>
          %add3A_839 = arith.constant 10 : i32
          %add3A_840 = arith.addi %multiple_of3A_161, %add3A_839 : i32
          %swap3A_841 = arith.index_cast %add3A_840 : i32 to index
          %swap3A_842 = arith.constant 48 : index
          %swap3A_843 = tpu.vector_load %arg14[%swap3A_841, %swap3A_842] {strides = array<i32>} : memref<128x64xf32, #tpu.memory_space<vmem>>, vector<1x16xf32>,
          %swap3A_844 = vector.shape_cast %swap3A_843 : vector<1x16xf32> to vector<16xf32>
          %swap3A_845 = vector.shape_cast %mul3A_838 : vector<16xf32> to vector<1x16xf32>
          tpu.vector_store %arg14[%swap3A_841, %swap3A_842], %swap3A_845 {strides = array<i32>} : memref<128x64xf32, #tpu.memory_space<vmem>>, vector<1x16xf32>,
          %slice3A_846 = vector.extract_strided_slice %get3A_164 {offsets = [11], sizes = [1], strides = [1]} : vector<16xf32> to vector<1xf32>
          %squeeze3A_847 = vector.extract %slice3A_846[0] : f32 from vector<1xf32>
          %add3A_848 = arith.constant 11 : i32
          %add3A_849 = arith.addi %multiple_of3A_161, %add3A_848 : i32
          %get3A_850 = arith.index_cast %add3A_849 : i32 to index
          %get3A_851 = arith.constant 0 : index
          %get3A_852 = tpu.vector_load %arg14[%get3A_850, %get3A_851] {strides = array<i32>} : memref<128x64xf32, #tpu.memory_space<vmem>>, vector<1x16xf32>,
          %get3A_853 = vector.shape_cast %get3A_852 : vector<1x16xf32> to vector<16xf32>
          %mul3A_854 = vector.broadcast %squeeze3A_847 : f32 to vector<16xf32>
          %mul3A_855 = arith.mulf %get3A_853, %mul3A_854 : vector<16xf32>
          %add3A_856 = arith.constant 11 : i32
          %add3A_857 = arith.addi %multiple_of3A_161, %add3A_856 : i32
          %swap3A_858 = arith.index_cast %add3A_857 : i32 to index
          %swap3A_859 = arith.constant 0 : index
          %swap3A_860 = tpu.vector_load %arg14[%swap3A_858, %swap3A_859] {strides = array<i32>} : memref<128x64xf32, #tpu.memory_space<vmem>>, vector<1x16xf32>,
          %swap3A_861 = vector.shape_cast %swap3A_860 : vector<1x16xf32> to vector<16xf32>
          %swap3A_862 = vector.shape_cast %mul3A_855 : vector<16xf32> to vector<1x16xf32>
          tpu.vector_store %arg14[%swap3A_858, %swap3A_859], %swap3A_862 {strides = array<i32>} : memref<128x64xf32, #tpu.memory_space<vmem>>, vector<1x16xf32>,
          %add3A_863 = arith.constant 11 : i32
          %add3A_864 = arith.addi %multiple_of3A_161, %add3A_863 : i32
          %get3A_865 = arith.index_cast %add3A_864 : i32 to index
          %get3A_866 = arith.constant 16 : index
          %get3A_867 = tpu.vector_load %arg14[%get3A_865, %get3A_866] {strides = array<i32>} : memref<128x64xf32, #tpu.memory_space<vmem>>, vector<1x16xf32>,
          %get3A_868 = vector.shape_cast %get3A_867 : vector<1x16xf32> to vector<16xf32>
          %mul3A_869 = vector.broadcast %squeeze3A_847 : f32 to vector<16xf32>
          %mul3A_870 = arith.mulf %get3A_868, %mul3A_869 : vector<16xf32>
          %add3A_871 = arith.constant 11 : i32
          %add3A_872 = arith.addi %multiple_of3A_161, %add3A_871 : i32
          %swap3A_873 = arith.index_cast %add3A_872 : i32 to index
          %swap3A_874 = arith.constant 16 : index
          %swap3A_875 = tpu.vector_load %arg14[%swap3A_873, %swap3A_874] {strides = array<i32>} : memref<128x64xf32, #tpu.memory_space<vmem>>, vector<1x16xf32>,
          %swap3A_876 = vector.shape_cast %swap3A_875 : vector<1x16xf32> to vector<16xf32>
          %swap3A_877 = vector.shape_cast %mul3A_870 : vector<16xf32> to vector<1x16xf32>
          tpu.vector_store %arg14[%swap3A_873, %swap3A_874], %swap3A_877 {strides = array<i32>} : memref<128x64xf32, #tpu.memory_space<vmem>>, vector<1x16xf32>,
          %add3A_878 = arith.constant 11 : i32
          %add3A_879 = arith.addi %multiple_of3A_161, %add3A_878 : i32
          %get3A_880 = arith.index_cast %add3A_879 : i32 to index
          %get3A_881 = arith.constant 32 : index
          %get3A_882 = tpu.vector_load %arg14[%get3A_880, %get3A_881] {strides = array<i32>} : memref<128x64xf32, #tpu.memory_space<vmem>>, vector<1x16xf32>,
          %get3A_883 = vector.shape_cast %get3A_882 : vector<1x16xf32> to vector<16xf32>
          %mul3A_884 = vector.broadcast %squeeze3A_847 : f32 to vector<16xf32>
          %mul3A_885 = arith.mulf %get3A_883, %mul3A_884 : vector<16xf32>
          %add3A_886 = arith.constant 11 : i32
          %add3A_887 = arith.addi %multiple_of3A_161, %add3A_886 : i32
          %swap3A_888 = arith.index_cast %add3A_887 : i32 to index
          %swap3A_889 = arith.constant 32 : index
          %swap3A_890 = tpu.vector_load %arg14[%swap3A_888, %swap3A_889] {strides = array<i32>} : memref<128x64xf32, #tpu.memory_space<vmem>>, vector<1x16xf32>,
          %swap3A_891 = vector.shape_cast %swap3A_890 : vector<1x16xf32> to vector<16xf32>
          %swap3A_892 = vector.shape_cast %mul3A_885 : vector<16xf32> to vector<1x16xf32>
          tpu.vector_store %arg14[%swap3A_888, %swap3A_889], %swap3A_892 {strides = array<i32>} : memref<128x64xf32, #tpu.memory_space<vmem>>, vector<1x16xf32>,
          %add3A_893 = arith.constant 11 : i32
          %add3A_894 = arith.addi %multiple_of3A_161, %add3A_893 : i32
          %get3A_895 = arith.index_cast %add3A_894 : i32 to index
          %get3A_896 = arith.constant 48 : index
          %get3A_897 = tpu.vector_load %arg14[%get3A_895, %get3A_896] {strides = array<i32>} : memref<128x64xf32, #tpu.memory_space<vmem>>, vector<1x16xf32>,
          %get3A_898 = vector.shape_cast %get3A_897 : vector<1x16xf32> to vector<16xf32>
          %mul3A_899 = vector.broadcast %squeeze3A_847 : f32 to vector<16xf32>
          %mul3A_900 = arith.mulf %get3A_898, %mul3A_899 : vector<16xf32>
          %add3A_901 = arith.constant 11 : i32
          %add3A_902 = arith.addi %multiple_of3A_161, %add3A_901 : i32
          %swap3A_903 = arith.index_cast %add3A_902 : i32 to index
          %swap3A_904 = arith.constant 48 : index
          %swap3A_905 = tpu.vector_load %arg14[%swap3A_903, %swap3A_904] {strides = array<i32>} : memref<128x64xf32, #tpu.memory_space<vmem>>, vector<1x16xf32>,
          %swap3A_906 = vector.shape_cast %swap3A_905 : vector<1x16xf32> to vector<16xf32>
          %swap3A_907 = vector.shape_cast %mul3A_900 : vector<16xf32> to vector<1x16xf32>
          tpu.vector_store %arg14[%swap3A_903, %swap3A_904], %swap3A_907 {strides = array<i32>} : memref<128x64xf32, #tpu.memory_space<vmem>>, vector<1x16xf32>,
          %slice3A_908 = vector.extract_strided_slice %get3A_164 {offsets = [12], sizes = [1], strides = [1]} : vector<16xf32> to vector<1xf32>
          %squeeze3A_909 = vector.extract %slice3A_908[0] : f32 from vector<1xf32>
          %add3A_910 = arith.constant 12 : i32
          %add3A_911 = arith.addi %multiple_of3A_161, %add3A_910 : i32
          %get3A_912 = arith.index_cast %add3A_911 : i32 to index
          %get3A_913 = arith.constant 0 : index
          %get3A_914 = tpu.vector_load %arg14[%get3A_912, %get3A_913] {strides = array<i32>} : memref<128x64xf32, #tpu.memory_space<vmem>>, vector<1x16xf32>,
          %get3A_915 = vector.shape_cast %get3A_914 : vector<1x16xf32> to vector<16xf32>
          %mul3A_916 = vector.broadcast %squeeze3A_909 : f32 to vector<16xf32>
          %mul3A_917 = arith.mulf %get3A_915, %mul3A_916 : vector<16xf32>
          %add3A_918 = arith.constant 12 : i32
          %add3A_919 = arith.addi %multiple_of3A_161, %add3A_918 : i32
          %swap3A_920 = arith.index_cast %add3A_919 : i32 to index
          %swap3A_921 = arith.constant 0 : index
          %swap3A_922 = tpu.vector_load %arg14[%swap3A_920, %swap3A_921] {strides = array<i32>} : memref<128x64xf32, #tpu.memory_space<vmem>>, vector<1x16xf32>,
          %swap3A_923 = vector.shape_cast %swap3A_922 : vector<1x16xf32> to vector<16xf32>
          %swap3A_924 = vector.shape_cast %mul3A_917 : vector<16xf32> to vector<1x16xf32>
          tpu.vector_store %arg14[%swap3A_920, %swap3A_921], %swap3A_924 {strides = array<i32>} : memref<128x64xf32, #tpu.memory_space<vmem>>, vector<1x16xf32>,
          %add3A_925 = arith.constant 12 : i32
          %add3A_926 = arith.addi %multiple_of3A_161, %add3A_925 : i32
          %get3A_927 = arith.index_cast %add3A_926 : i32 to index
          %get3A_928 = arith.constant 16 : index
          %get3A_929 = tpu.vector_load %arg14[%get3A_927, %get3A_928] {strides = array<i32>} : memref<128x64xf32, #tpu.memory_space<vmem>>, vector<1x16xf32>,
          %get3A_930 = vector.shape_cast %get3A_929 : vector<1x16xf32> to vector<16xf32>
          %mul3A_931 = vector.broadcast %squeeze3A_909 : f32 to vector<16xf32>
          %mul3A_932 = arith.mulf %get3A_930, %mul3A_931 : vector<16xf32>
          %add3A_933 = arith.constant 12 : i32
          %add3A_934 = arith.addi %multiple_of3A_161, %add3A_933 : i32
          %swap3A_935 = arith.index_cast %add3A_934 : i32 to index
          %swap3A_936 = arith.constant 16 : index
          %swap3A_937 = tpu.vector_load %arg14[%swap3A_935, %swap3A_936] {strides = array<i32>} : memref<128x64xf32, #tpu.memory_space<vmem>>, vector<1x16xf32>,
          %swap3A_938 = vector.shape_cast %swap3A_937 : vector<1x16xf32> to vector<16xf32>
          %swap3A_939 = vector.shape_cast %mul3A_932 : vector<16xf32> to vector<1x16xf32>
          tpu.vector_store %arg14[%swap3A_935, %swap3A_936], %swap3A_939 {strides = array<i32>} : memref<128x64xf32, #tpu.memory_space<vmem>>, vector<1x16xf32>,
          %add3A_940 = arith.constant 12 : i32
          %add3A_941 = arith.addi %multiple_of3A_161, %add3A_940 : i32
          %get3A_942 = arith.index_cast %add3A_941 : i32 to index
          %get3A_943 = arith.constant 32 : index
          %get3A_944 = tpu.vector_load %arg14[%get3A_942, %get3A_943] {strides = array<i32>} : memref<128x64xf32, #tpu.memory_space<vmem>>, vector<1x16xf32>,
          %get3A_945 = vector.shape_cast %get3A_944 : vector<1x16xf32> to vector<16xf32>
          %mul3A_946 = vector.broadcast %squeeze3A_909 : f32 to vector<16xf32>
          %mul3A_947 = arith.mulf %get3A_945, %mul3A_946 : vector<16xf32>
          %add3A_948 = arith.constant 12 : i32
          %add3A_949 = arith.addi %multiple_of3A_161, %add3A_948 : i32
          %swap3A_950 = arith.index_cast %add3A_949 : i32 to index
          %swap3A_951 = arith.constant 32 : index
          %swap3A_952 = tpu.vector_load %arg14[%swap3A_950, %swap3A_951] {strides = array<i32>} : memref<128x64xf32, #tpu.memory_space<vmem>>, vector<1x16xf32>,
          %swap3A_953 = vector.shape_cast %swap3A_952 : vector<1x16xf32> to vector<16xf32>
          %swap3A_954 = vector.shape_cast %mul3A_947 : vector<16xf32> to vector<1x16xf32>
          tpu.vector_store %arg14[%swap3A_950, %swap3A_951], %swap3A_954 {strides = array<i32>} : memref<128x64xf32, #tpu.memory_space<vmem>>, vector<1x16xf32>,
          %add3A_955 = arith.constant 12 : i32
          %add3A_956 = arith.addi %multiple_of3A_161, %add3A_955 : i32
          %get3A_957 = arith.index_cast %add3A_956 : i32 to index
          %get3A_958 = arith.constant 48 : index
          %get3A_959 = tpu.vector_load %arg14[%get3A_957, %get3A_958] {strides = array<i32>} : memref<128x64xf32, #tpu.memory_space<vmem>>, vector<1x16xf32>,
          %get3A_960 = vector.shape_cast %get3A_959 : vector<1x16xf32> to vector<16xf32>
          %mul3A_961 = vector.broadcast %squeeze3A_909 : f32 to vector<16xf32>
          %mul3A_962 = arith.mulf %get3A_960, %mul3A_961 : vector<16xf32>
          %add3A_963 = arith.constant 12 : i32
          %add3A_964 = arith.addi %multiple_of3A_161, %add3A_963 : i32
          %swap3A_965 = arith.index_cast %add3A_964 : i32 to index
          %swap3A_966 = arith.constant 48 : index
          %swap3A_967 = tpu.vector_load %arg14[%swap3A_965, %swap3A_966] {strides = array<i32>} : memref<128x64xf32, #tpu.memory_space<vmem>>, vector<1x16xf32>,
          %swap3A_968 = vector.shape_cast %swap3A_967 : vector<1x16xf32> to vector<16xf32>
          %swap3A_969 = vector.shape_cast %mul3A_962 : vector<16xf32> to vector<1x16xf32>
          tpu.vector_store %arg14[%swap3A_965, %swap3A_966], %swap3A_969 {strides = array<i32>} : memref<128x64xf32, #tpu.memory_space<vmem>>, vector<1x16xf32>,
          %slice3A_970 = vector.extract_strided_slice %get3A_164 {offsets = [13], sizes = [1], strides = [1]} : vector<16xf32> to vector<1xf32>
          %squeeze3A_971 = vector.extract %slice3A_970[0] : f32 from vector<1xf32>
          %add3A_972 = arith.constant 13 : i32
          %add3A_973 = arith.addi %multiple_of3A_161, %add3A_972 : i32
          %get3A_974 = arith.index_cast %add3A_973 : i32 to index
          %get3A_975 = arith.constant 0 : index
          %get3A_976 = tpu.vector_load %arg14[%get3A_974, %get3A_975] {strides = array<i32>} : memref<128x64xf32, #tpu.memory_space<vmem>>, vector<1x16xf32>,
          %get3A_977 = vector.shape_cast %get3A_976 : vector<1x16xf32> to vector<16xf32>
          %mul3A_978 = vector.broadcast %squeeze3A_971 : f32 to vector<16xf32>
          %mul3A_979 = arith.mulf %get3A_977, %mul3A_978 : vector<16xf32>
          %add3A_980 = arith.constant 13 : i32
          %add3A_981 = arith.addi %multiple_of3A_161, %add3A_980 : i32
          %swap3A_982 = arith.index_cast %add3A_981 : i32 to index
          %swap3A_983 = arith.constant 0 : index
          %swap3A_984 = tpu.vector_load %arg14[%swap3A_982, %swap3A_983] {strides = array<i32>} : memref<128x64xf32, #tpu.memory_space<vmem>>, vector<1x16xf32>,
          %swap3A_985 = vector.shape_cast %swap3A_984 : vector<1x16xf32> to vector<16xf32>
          %swap3A_986 = vector.shape_cast %mul3A_979 : vector<16xf32> to vector<1x16xf32>
          tpu.vector_store %arg14[%swap3A_982, %swap3A_983], %swap3A_986 {strides = array<i32>} : memref<128x64xf32, #tpu.memory_space<vmem>>, vector<1x16xf32>,
          %add3A_987 = arith.constant 13 : i32
          %add3A_988 = arith.addi %multiple_of3A_161, %add3A_987 : i32
          %get3A_989 = arith.index_cast %add3A_988 : i32 to index
          %get3A_990 = arith.constant 16 : index
          %get3A_991 = tpu.vector_load %arg14[%get3A_989, %get3A_990] {strides = array<i32>} : memref<128x64xf32, #tpu.memory_space<vmem>>, vector<1x16xf32>,
          %get3A_992 = vector.shape_cast %get3A_991 : vector<1x16xf32> to vector<16xf32>
          %mul3A_993 = vector.broadcast %squeeze3A_971 : f32 to vector<16xf32>
          %mul3A_994 = arith.mulf %get3A_992, %mul3A_993 : vector<16xf32>
          %add3A_995 = arith.constant 13 : i32
          %add3A_996 = arith.addi %multiple_of3A_161, %add3A_995 : i32
          %swap3A_997 = arith.index_cast %add3A_996 : i32 to index
          %swap3A_998 = arith.constant 16 : index
          %swap3A_999 = tpu.vector_load %arg14[%swap3A_997, %swap3A_998] {strides = array<i32>} : memref<128x64xf32, #tpu.memory_space<vmem>>, vector<1x16xf32>,
          %swap3A_1000 = vector.shape_cast %swap3A_999 : vector<1x16xf32> to vector<16xf32>
          %swap3A_1001 = vector.shape_cast %mul3A_994 : vector<16xf32> to vector<1x16xf32>
          tpu.vector_store %arg14[%swap3A_997, %swap3A_998], %swap3A_1001 {strides = array<i32>} : memref<128x64xf32, #tpu.memory_space<vmem>>, vector<1x16xf32>,
          %add3A_1002 = arith.constant 13 : i32
          %add3A_1003 = arith.addi %multiple_of3A_161, %add3A_1002 : i32
          %get3A_1004 = arith.index_cast %add3A_1003 : i32 to index
          %get3A_1005 = arith.constant 32 : index
          %get3A_1006 = tpu.vector_load %arg14[%get3A_1004, %get3A_1005] {strides = array<i32>} : memref<128x64xf32, #tpu.memory_space<vmem>>, vector<1x16xf32>,
          %get3A_1007 = vector.shape_cast %get3A_1006 : vector<1x16xf32> to vector<16xf32>
          %mul3A_1008 = vector.broadcast %squeeze3A_971 : f32 to vector<16xf32>
          %mul3A_1009 = arith.mulf %get3A_1007, %mul3A_1008 : vector<16xf32>
          %add3A_1010 = arith.constant 13 : i32
          %add3A_1011 = arith.addi %multiple_of3A_161, %add3A_1010 : i32
          %swap3A_1012 = arith.index_cast %add3A_1011 : i32 to index
          %swap3A_1013 = arith.constant 32 : index
          %swap3A_1014 = tpu.vector_load %arg14[%swap3A_1012, %swap3A_1013] {strides = array<i32>} : memref<128x64xf32, #tpu.memory_space<vmem>>, vector<1x16xf32>,
          %swap3A_1015 = vector.shape_cast %swap3A_1014 : vector<1x16xf32> to vector<16xf32>
          %swap3A_1016 = vector.shape_cast %mul3A_1009 : vector<16xf32> to vector<1x16xf32>
          tpu.vector_store %arg14[%swap3A_1012, %swap3A_1013], %swap3A_1016 {strides = array<i32>} : memref<128x64xf32, #tpu.memory_space<vmem>>, vector<1x16xf32>,
          %add3A_1017 = arith.constant 13 : i32
          %add3A_1018 = arith.addi %multiple_of3A_161, %add3A_1017 : i32
          %get3A_1019 = arith.index_cast %add3A_1018 : i32 to index
          %get3A_1020 = arith.constant 48 : index
          %get3A_1021 = tpu.vector_load %arg14[%get3A_1019, %get3A_1020] {strides = array<i32>} : memref<128x64xf32, #tpu.memory_space<vmem>>, vector<1x16xf32>,
          %get3A_1022 = vector.shape_cast %get3A_1021 : vector<1x16xf32> to vector<16xf32>
          %mul3A_1023 = vector.broadcast %squeeze3A_971 : f32 to vector<16xf32>
          %mul3A_1024 = arith.mulf %get3A_1022, %mul3A_1023 : vector<16xf32>
          %add3A_1025 = arith.constant 13 : i32
          %add3A_1026 = arith.addi %multiple_of3A_161, %add3A_1025 : i32
          %swap3A_1027 = arith.index_cast %add3A_1026 : i32 to index
          %swap3A_1028 = arith.constant 48 : index
          %swap3A_1029 = tpu.vector_load %arg14[%swap3A_1027, %swap3A_1028] {strides = array<i32>} : memref<128x64xf32, #tpu.memory_space<vmem>>, vector<1x16xf32>,
          %swap3A_1030 = vector.shape_cast %swap3A_1029 : vector<1x16xf32> to vector<16xf32>
          %swap3A_1031 = vector.shape_cast %mul3A_1024 : vector<16xf32> to vector<1x16xf32>
          tpu.vector_store %arg14[%swap3A_1027, %swap3A_1028], %swap3A_1031 {strides = array<i32>} : memref<128x64xf32, #tpu.memory_space<vmem>>, vector<1x16xf32>,
          %slice3A_1032 = vector.extract_strided_slice %get3A_164 {offsets = [14], sizes = [1], strides = [1]} : vector<16xf32> to vector<1xf32>
          %squeeze3A_1033 = vector.extract %slice3A_1032[0] : f32 from vector<1xf32>
          %add3A_1034 = arith.constant 14 : i32
          %add3A_1035 = arith.addi %multiple_of3A_161, %add3A_1034 : i32
          %get3A_1036 = arith.index_cast %add3A_1035 : i32 to index
          %get3A_1037 = arith.constant 0 : index
          %get3A_1038 = tpu.vector_load %arg14[%get3A_1036, %get3A_1037] {strides = array<i32>} : memref<128x64xf32, #tpu.memory_space<vmem>>, vector<1x16xf32>,
          %get3A_1039 = vector.shape_cast %get3A_1038 : vector<1x16xf32> to vector<16xf32>
          %mul3A_1040 = vector.broadcast %squeeze3A_1033 : f32 to vector<16xf32>
          %mul3A_1041 = arith.mulf %get3A_1039, %mul3A_1040 : vector<16xf32>
          %add3A_1042 = arith.constant 14 : i32
          %add3A_1043 = arith.addi %multiple_of3A_161, %add3A_1042 : i32
          %swap3A_1044 = arith.index_cast %add3A_1043 : i32 to index
          %swap3A_1045 = arith.constant 0 : index
          %swap3A_1046 = tpu.vector_load %arg14[%swap3A_1044, %swap3A_1045] {strides = array<i32>} : memref<128x64xf32, #tpu.memory_space<vmem>>, vector<1x16xf32>,
          %swap3A_1047 = vector.shape_cast %swap3A_1046 : vector<1x16xf32> to vector<16xf32>
          %swap3A_1048 = vector.shape_cast %mul3A_1041 : vector<16xf32> to vector<1x16xf32>
          tpu.vector_store %arg14[%swap3A_1044, %swap3A_1045], %swap3A_1048 {strides = array<i32>} : memref<128x64xf32, #tpu.memory_space<vmem>>, vector<1x16xf32>,
          %add3A_1049 = arith.constant 14 : i32
          %add3A_1050 = arith.addi %multiple_of3A_161, %add3A_1049 : i32
          %get3A_1051 = arith.index_cast %add3A_1050 : i32 to index
          %get3A_1052 = arith.constant 16 : index
          %get3A_1053 = tpu.vector_load %arg14[%get3A_1051, %get3A_1052] {strides = array<i32>} : memref<128x64xf32, #tpu.memory_space<vmem>>, vector<1x16xf32>,
          %get3A_1054 = vector.shape_cast %get3A_1053 : vector<1x16xf32> to vector<16xf32>
          %mul3A_1055 = vector.broadcast %squeeze3A_1033 : f32 to vector<16xf32>
          %mul3A_1056 = arith.mulf %get3A_1054, %mul3A_1055 : vector<16xf32>
          %add3A_1057 = arith.constant 14 : i32
          %add3A_1058 = arith.addi %multiple_of3A_161, %add3A_1057 : i32
          %swap3A_1059 = arith.index_cast %add3A_1058 : i32 to index
          %swap3A_1060 = arith.constant 16 : index
          %swap3A_1061 = tpu.vector_load %arg14[%swap3A_1059, %swap3A_1060] {strides = array<i32>} : memref<128x64xf32, #tpu.memory_space<vmem>>, vector<1x16xf32>,
          %swap3A_1062 = vector.shape_cast %swap3A_1061 : vector<1x16xf32> to vector<16xf32>
          %swap3A_1063 = vector.shape_cast %mul3A_1056 : vector<16xf32> to vector<1x16xf32>
          tpu.vector_store %arg14[%swap3A_1059, %swap3A_1060], %swap3A_1063 {strides = array<i32>} : memref<128x64xf32, #tpu.memory_space<vmem>>, vector<1x16xf32>,
          %add3A_1064 = arith.constant 14 : i32
          %add3A_1065 = arith.addi %multiple_of3A_161, %add3A_1064 : i32
          %get3A_1066 = arith.index_cast %add3A_1065 : i32 to index
          %get3A_1067 = arith.constant 32 : index
          %get3A_1068 = tpu.vector_load %arg14[%get3A_1066, %get3A_1067] {strides = array<i32>} : memref<128x64xf32, #tpu.memory_space<vmem>>, vector<1x16xf32>,
          %get3A_1069 = vector.shape_cast %get3A_1068 : vector<1x16xf32> to vector<16xf32>
          %mul3A_1070 = vector.broadcast %squeeze3A_1033 : f32 to vector<16xf32>
          %mul3A_1071 = arith.mulf %get3A_1069, %mul3A_1070 : vector<16xf32>
          %add3A_1072 = arith.constant 14 : i32
          %add3A_1073 = arith.addi %multiple_of3A_161, %add3A_1072 : i32
          %swap3A_1074 = arith.index_cast %add3A_1073 : i32 to index
          %swap3A_1075 = arith.constant 32 : index
          %swap3A_1076 = tpu.vector_load %arg14[%swap3A_1074, %swap3A_1075] {strides = array<i32>} : memref<128x64xf32, #tpu.memory_space<vmem>>, vector<1x16xf32>,
          %swap3A_1077 = vector.shape_cast %swap3A_1076 : vector<1x16xf32> to vector<16xf32>
          %swap3A_1078 = vector.shape_cast %mul3A_1071 : vector<16xf32> to vector<1x16xf32>
          tpu.vector_store %arg14[%swap3A_1074, %swap3A_1075], %swap3A_1078 {strides = array<i32>} : memref<128x64xf32, #tpu.memory_space<vmem>>, vector<1x16xf32>,
          %add3A_1079 = arith.constant 14 : i32
          %add3A_1080 = arith.addi %multiple_of3A_161, %add3A_1079 : i32
          %get3A_1081 = arith.index_cast %add3A_1080 : i32 to index
          %get3A_1082 = arith.constant 48 : index
          %get3A_1083 = tpu.vector_load %arg14[%get3A_1081, %get3A_1082] {strides = array<i32>} : memref<128x64xf32, #tpu.memory_space<vmem>>, vector<1x16xf32>,
          %get3A_1084 = vector.shape_cast %get3A_1083 : vector<1x16xf32> to vector<16xf32>
          %mul3A_1085 = vector.broadcast %squeeze3A_1033 : f32 to vector<16xf32>
          %mul3A_1086 = arith.mulf %get3A_1084, %mul3A_1085 : vector<16xf32>
          %add3A_1087 = arith.constant 14 : i32
          %add3A_1088 = arith.addi %multiple_of3A_161, %add3A_1087 : i32
          %swap3A_1089 = arith.index_cast %add3A_1088 : i32 to index
          %swap3A_1090 = arith.constant 48 : index
          %swap3A_1091 = tpu.vector_load %arg14[%swap3A_1089, %swap3A_1090] {strides = array<i32>} : memref<128x64xf32, #tpu.memory_space<vmem>>, vector<1x16xf32>,
          %swap3A_1092 = vector.shape_cast %swap3A_1091 : vector<1x16xf32> to vector<16xf32>
          %swap3A_1093 = vector.shape_cast %mul3A_1086 : vector<16xf32> to vector<1x16xf32>
          tpu.vector_store %arg14[%swap3A_1089, %swap3A_1090], %swap3A_1093 {strides = array<i32>} : memref<128x64xf32, #tpu.memory_space<vmem>>, vector<1x16xf32>,
          %slice3A_1094 = vector.extract_strided_slice %get3A_164 {offsets = [15], sizes = [1], strides = [1]} : vector<16xf32> to vector<1xf32>
          %squeeze3A_1095 = vector.extract %slice3A_1094[0] : f32 from vector<1xf32>
          %add3A_1096 = arith.constant 15 : i32
          %add3A_1097 = arith.addi %multiple_of3A_161, %add3A_1096 : i32
          %get3A_1098 = arith.index_cast %add3A_1097 : i32 to index
          %get3A_1099 = arith.constant 0 : index
          %get3A_1100 = tpu.vector_load %arg14[%get3A_1098, %get3A_1099] {strides = array<i32>} : memref<128x64xf32, #tpu.memory_space<vmem>>, vector<1x16xf32>,
          %get3A_1101 = vector.shape_cast %get3A_1100 : vector<1x16xf32> to vector<16xf32>
          %mul3A_1102 = vector.broadcast %squeeze3A_1095 : f32 to vector<16xf32>
          %mul3A_1103 = arith.mulf %get3A_1101, %mul3A_1102 : vector<16xf32>
          %add3A_1104 = arith.constant 15 : i32
          %add3A_1105 = arith.addi %multiple_of3A_161, %add3A_1104 : i32
          %swap3A_1106 = arith.index_cast %add3A_1105 : i32 to index
          %swap3A_1107 = arith.constant 0 : index
          %swap3A_1108 = tpu.vector_load %arg14[%swap3A_1106, %swap3A_1107] {strides = array<i32>} : memref<128x64xf32, #tpu.memory_space<vmem>>, vector<1x16xf32>,
          %swap3A_1109 = vector.shape_cast %swap3A_1108 : vector<1x16xf32> to vector<16xf32>
          %swap3A_1110 = vector.shape_cast %mul3A_1103 : vector<16xf32> to vector<1x16xf32>
          tpu.vector_store %arg14[%swap3A_1106, %swap3A_1107], %swap3A_1110 {strides = array<i32>} : memref<128x64xf32, #tpu.memory_space<vmem>>, vector<1x16xf32>,
          %add3A_1111 = arith.constant 15 : i32
          %add3A_1112 = arith.addi %multiple_of3A_161, %add3A_1111 : i32
          %get3A_1113 = arith.index_cast %add3A_1112 : i32 to index
          %get3A_1114 = arith.constant 16 : index
          %get3A_1115 = tpu.vector_load %arg14[%get3A_1113, %get3A_1114] {strides = array<i32>} : memref<128x64xf32, #tpu.memory_space<vmem>>, vector<1x16xf32>,
          %get3A_1116 = vector.shape_cast %get3A_1115 : vector<1x16xf32> to vector<16xf32>
          %mul3A_1117 = vector.broadcast %squeeze3A_1095 : f32 to vector<16xf32>
          %mul3A_1118 = arith.mulf %get3A_1116, %mul3A_1117 : vector<16xf32>
          %add3A_1119 = arith.constant 15 : i32
          %add3A_1120 = arith.addi %multiple_of3A_161, %add3A_1119 : i32
          %swap3A_1121 = arith.index_cast %add3A_1120 : i32 to index
          %swap3A_1122 = arith.constant 16 : index
          %swap3A_1123 = tpu.vector_load %arg14[%swap3A_1121, %swap3A_1122] {strides = array<i32>} : memref<128x64xf32, #tpu.memory_space<vmem>>, vector<1x16xf32>,
          %swap3A_1124 = vector.shape_cast %swap3A_1123 : vector<1x16xf32> to vector<16xf32>
          %swap3A_1125 = vector.shape_cast %mul3A_1118 : vector<16xf32> to vector<1x16xf32>
          tpu.vector_store %arg14[%swap3A_1121, %swap3A_1122], %swap3A_1125 {strides = array<i32>} : memref<128x64xf32, #tpu.memory_space<vmem>>, vector<1x16xf32>,
          %add3A_1126 = arith.constant 15 : i32
          %add3A_1127 = arith.addi %multiple_of3A_161, %add3A_1126 : i32
          %get3A_1128 = arith.index_cast %add3A_1127 : i32 to index
          %get3A_1129 = arith.constant 32 : index
          %get3A_1130 = tpu.vector_load %arg14[%get3A_1128, %get3A_1129] {strides = array<i32>} : memref<128x64xf32, #tpu.memory_space<vmem>>, vector<1x16xf32>,
          %get3A_1131 = vector.shape_cast %get3A_1130 : vector<1x16xf32> to vector<16xf32>
          %mul3A_1132 = vector.broadcast %squeeze3A_1095 : f32 to vector<16xf32>
          %mul3A_1133 = arith.mulf %get3A_1131, %mul3A_1132 : vector<16xf32>
          %add3A_1134 = arith.constant 15 : i32
          %add3A_1135 = arith.addi %multiple_of3A_161, %add3A_1134 : i32
          %swap3A_1136 = arith.index_cast %add3A_1135 : i32 to index
          %swap3A_1137 = arith.constant 32 : index
          %swap3A_1138 = tpu.vector_load %arg14[%swap3A_1136, %swap3A_1137] {strides = array<i32>} : memref<128x64xf32, #tpu.memory_space<vmem>>, vector<1x16xf32>,
          %swap3A_1139 = vector.shape_cast %swap3A_1138 : vector<1x16xf32> to vector<16xf32>
          %swap3A_1140 = vector.shape_cast %mul3A_1133 : vector<16xf32> to vector<1x16xf32>
          tpu.vector_store %arg14[%swap3A_1136, %swap3A_1137], %swap3A_1140 {strides = array<i32>} : memref<128x64xf32, #tpu.memory_space<vmem>>, vector<1x16xf32>,
          %add3A_1141 = arith.constant 15 : i32
          %add3A_1142 = arith.addi %multiple_of3A_161, %add3A_1141 : i32
          %get3A_1143 = arith.index_cast %add3A_1142 : i32 to index
          %get3A_1144 = arith.constant 48 : index
          %get3A_1145 = tpu.vector_load %arg14[%get3A_1143, %get3A_1144] {strides = array<i32>} : memref<128x64xf32, #tpu.memory_space<vmem>>, vector<1x16xf32>,
          %get3A_1146 = vector.shape_cast %get3A_1145 : vector<1x16xf32> to vector<16xf32>
          %mul3A_1147 = vector.broadcast %squeeze3A_1095 : f32 to vector<16xf32>
          %mul3A_1148 = arith.mulf %get3A_1146, %mul3A_1147 : vector<16xf32>
          %add3A_1149 = arith.constant 15 : i32
          %add3A_1150 = arith.addi %multiple_of3A_161, %add3A_1149 : i32
          %swap3A_1151 = arith.index_cast %add3A_1150 : i32 to index
          %swap3A_1152 = arith.constant 48 : index
          %swap3A_1153 = tpu.vector_load %arg14[%swap3A_1151, %swap3A_1152] {strides = array<i32>} : memref<128x64xf32, #tpu.memory_space<vmem>>, vector<1x16xf32>,
          %swap3A_1154 = vector.shape_cast %swap3A_1153 : vector<1x16xf32> to vector<16xf32>
          %swap3A_1155 = vector.shape_cast %mul3A_1148 : vector<16xf32> to vector<1x16xf32>
          tpu.vector_store %arg14[%swap3A_1151, %swap3A_1152], %swap3A_1155 {strides = array<i32>} : memref<128x64xf32, #tpu.memory_space<vmem>>, vector<1x16xf32>,
        }
        %scan3A_151 = arith.constant 8 : i32
        %dma_start3A_152 = arith.constant 0 : i32
        %dma_start3A_153 = arith.constant 0 : i32
        %dma_start3A_154 = tpu.memref_slice %arg15[%dma_start3A_152, %dma_start3A_153] : memref<13312x64xf32, #tpu.memory_space<vmem_shared>> -> memref<13312x64xf32, #tpu.memory_space<vmem_shared>>
        tpu.enqueue_indirect_dma source(%arg14 : memref<128x64xf32, #tpu.memory_space<vmem>>) target(%dma_start3A_154 : memref<13312x64xf32, #tpu.memory_space<vmem_shared>>) offsets(%arg13 : memref<128xi32, #tpu.memory_space<vmem>>) semaphore(%arg17 : memref<!tpu.dma_semaphore, #tpu.memory_space<semaphore_mem>>) {add = true}
        %dma_wait3A_155 = arith.constant 0 : i32
        %dma_wait3A_156 = arith.constant 0 : i32
        %dma_wait3A_157 = tpu.memref_slice %arg15[%dma_wait3A_155, %dma_wait3A_156] : memref<13312x64xf32, #tpu.memory_space<vmem_shared>> -> memref<13312x64xf32, #tpu.memory_space<vmem_shared>>
        tpu.wait_indirect_dma semaphore(%arg17 : memref<!tpu.dma_semaphore, #tpu.memory_space<semaphore_mem>>) src(%arg14 : memref<128x64xf32, #tpu.memory_space<vmem>>) dst(%dma_wait3A_157 : memref<13312x64xf32, #tpu.memory_space<vmem_shared>>)
      }
    }
    %scan3A_27 = arith.constant 26 : i32
    %mul3A_28 = arith.constant 832 : i32
    %mul3A_29 = arith.muli %add3A, %mul3A_28 : i32
    %multiple_of3A_30 = tpu.assume_multiple %mul3A_29, 832 : i32
    "tpu.region"() ({
      %run_scoped3A = tpu.sem_alloc : memref<!tpu.dma_semaphore, #tpu.memory_space<semaphore_mem>>
      %dma_start3A = arith.constant 0 : i32
      %dma_start3A_31 = tpu.memref_slice %arg7[%multiple_of3A_30, %dma_start3A] : memref<26624x64xf32, #tpu.memory_space<hbm>> -> memref<832x64xf32, #tpu.memory_space<hbm>>
      %dma_start3A_32 = arith.constant 0 : i32
      %dma_start3A_33 = tpu.memref_slice %arg15[%multiple_of3A, %dma_start3A_32] : memref<13312x64xf32, #tpu.memory_space<vmem_shared>> -> memref<832x64xf32, #tpu.memory_space<vmem_shared>>
      tpu.enqueue_dma source(%dma_start3A_33 : memref<832x64xf32, #tpu.memory_space<vmem_shared>>) target(%dma_start3A_31 : memref<832x64xf32, #tpu.memory_space<hbm>>) target_semaphore(%run_scoped3A : memref<!tpu.dma_semaphore, #tpu.memory_space<semaphore_mem>>)
      %dma_wait3A = arith.constant 0 : i32
      %dma_wait3A_34 = tpu.memref_slice %arg7[%multiple_of3A_30, %dma_wait3A] : memref<26624x64xf32, #tpu.memory_space<hbm>> -> memref<832x64xf32, #tpu.memory_space<hbm>>
      %dma_wait3A_35 = arith.constant 0 : i32
      %dma_wait3A_36 = tpu.memref_slice %arg15[%multiple_of3A, %dma_wait3A_35] : memref<13312x64xf32, #tpu.memory_space<vmem_shared>> -> memref<832x64xf32, #tpu.memory_space<vmem_shared>>
      tpu.wait_dma2 semaphore(%run_scoped3A : memref<!tpu.dma_semaphore, #tpu.memory_space<semaphore_mem>>) src(%dma_wait3A_36 : memref<832x64xf32, #tpu.memory_space<vmem_shared>>) dst(%dma_wait3A_34 : memref<832x64xf32, #tpu.memory_space<hbm>>)
      tpu.yield
    }) : () -> ()
    return
  }
}

</mosaic_0001>

<sc_bundles>
// kernel: kernel.3.cloned.1.call-start
scs
__scs_entry_jumppad:
0x0: {  	(pc) =	sbr.rel $0x88, $3  }
0x1: {  	(tag) =	ssettag $0x0;
	lr =	simm.s32 $0x1  }
0x2: {  	[smem:$0x3F9D] =	sst lr;
	_ =	strace $0xD0000000  }
0x3: {  	_ = 	snop  }
0x4: {  	_ = 	snop  }
0x5: {  	_ = 	snop  }
0x6: {  	_ = 	snop  }
0x7: {  	_ = 	snop  }
__scs_overlays_trampoline_lowered:
0x8: {  	[smem:$0x3FAC] =	sst s0  }
0x9: {  	[smem:$0x3FAD] =	sst s1  }
0xa: {  	[smem:$0x3FAE] =	sst s2  }
0xb: {  	[smem:$0x3FAF] =	sst s3  }
0xc: {  	[smem:$0x3FB0] =	sst s4  }
0xd: {  	[smem:$0x3FB1] =	sst s5  }
0xe: {  	[smem:$0x3FB2] =	sst s6  }
0xf: {  	[smem:$0x3FB3] =	sst s7  }
0x10: {  	[smem:$0x3FB4] =	sst s8  }
0x11: {  	[smem:$0x3FB5] =	sst s9;
	s0 =	simm.s32 @!p0 $0x0  }
0x12: {  	s1 =	sld [smem:$0x3F9B];
	s0 =	simm.s32 @p0 $0x1  }
0x13: {  	[smem:$0x3FB6] =	sst s0;
	s0 =	simm.s32 @!p1 $0x0  }
0x14: {  	s2 =	sld [smem:$0x3F9A];
	s0 =	simm.s32 @p1 $0x1  }
0x15: {  	[smem:$0x3FB7] =	sst s0;
	s0 =	simm.s32 @!p2 $0x0  }
0x16: {  	s3 =	sld [smem:$0x3FDB];
	s0 =	simm.s32 @p2 $0x1  }
0x17: {  	s4 =	simm.s32 $0x1BF5;
	[smem:$0x3FB9] =	sst s0  }
0x18: {  	s0 =	sld [smem:$0x3F9C];
	_ =	swait.ge [sflag:s4], $0x0  }
0x19: {  	s7 =	sld [smem:$0x3F9D]  }
0x1a: {  	s8 =	sadd.s32 $0xFFFFE003, lr  }
0x1b: {  	s9 =	sadd.s32 $0xFFFFFEF7, lr;
	s5 =	simm.s32 $0xFFFFFFFF;
	p2 =	slt.u32 s8, $0xFFFFF086  }
0x1c: {  	p1 =	slt.u32 s9, $0xF7A;
	s5 =	simm.s32 @!p2 $0x0  }
0x1d: {  	s5 =	simm.s32 @p1 $0x1;
	p0 =	seq.s32 s7, s2  }
0x1e: {  	s7 =	smul.u32 @!p0 $0xF7A, s2;
	p2 =	seq.s32 @!p0 s5, $0x0  }
0x1f: {  	s9 =	smul.u32 $0xF7A, s1;
	s8 =	simm.s32 @!p0 $0x1BF5;
	p2 =	por !p2, p0  }
0x20: {  	[sflag:s8] =	ssyncset.s32 @!p0 $0xFFFFF086;
	s6 =	sadd.s32 @!p0 s3, s7;
	s7 =	simm.s32 @!p0 $0x108  }
0x21: {  	s3 =	sadd.s32 s3, s9;
	s6 =	sadd.s32 @!p0 $0x88, s6;
	s7 =	simm.s32 @p2 $0x1082  }
0x22: {  	[simem:s7], [sflag:s8] =	dma.local @!p0 [hbm:s6], $0xF7A  }
0x23: {  	s9 =	sor.u32 $0xD0000000, s2;
	s6 =	simm.s32 $0x108;
	_ =	swait.ge @!p0 [sflag:s8], $0x0  }
0x24: {  	s3 =	sadd.s32 $0x88, s3;
	s6 =	simm.s32 @!p1 $0x1082;
	[sflag:s4] =	ssyncset.s32 $0xFFFFF086  }
0x25: {  	[simem:s6], [sflag:s4] =	dma.local [hbm:s3], $0xF7A  }
0x26: {  	[smem:$0x3F9D] =	sst s1;
	(tag) =	ssettag s2;
	_ =	strace s9  }
0x27: {  	s1 =	sld [smem:$0x3FAD]  }
0x28: {  	s2 =	sld [smem:$0x3FAE]  }
0x29: {  	s4 =	sld [smem:$0x3FB0]  }
0x2a: {  	p0 =	seq.s32 s5, $0x0;
	s5 =	sld [smem:$0x3FB1]  }
0x2b: {  	s6 =	sld [smem:$0x3FB2]  }
0x2c: {  	s7 =	sld [smem:$0x3FB3]  }
0x2d: {  	s3 =	simm.s32 $0x108;
	s8 =	sld [smem:$0x3FB4]  }
0x2e: {  	s3 =	simm.s32 @!p0 $0x1082;
	s9 =	sld [smem:$0x3FB5]  }
0x2f: {  	lr =	sadd.s32 s0, s3;
	s0 =	sld [smem:$0x3FAC]  }
0x30: {  	s3 =	sld [smem:$0x3FAF]  }
0x31: {  	[smem:$0x3FB8] =	sst s10  }
0x32: {  	s10 =	sld [smem:$0x3FB6];
	_ =	sdelay $0x3  }
0x33: {  	p0 =	seq.s32 s10, $0x1;
	s10 =	sld [smem:$0x3FB8];
	_ =	sdelay $0x3  }
0x34: {  	[smem:$0x3FB8] =	sst s10  }
0x35: {  	s10 =	sld [smem:$0x3FB7];
	_ =	sdelay $0x3  }
0x36: {  	p1 =	seq.s32 s10, $0x1;
	s10 =	sld [smem:$0x3FB8];
	_ =	sdelay $0x3  }
0x37: {  	[smem:$0x3FB8] =	sst s10  }
0x38: {  	s10 =	sld [smem:$0x3FB9]  }
0x39: {  	_ = 	snop;
	(pc) =	sbr.ind lr, $3  }
0x3a: {  	_ = 	snop  }
0x3b: {  	_ = 	snop  }
0x3c: {  	p2 =	seq.s32 s10, $0x1;
	s10 =	sld [smem:$0x3FB8]  }
0x3d: {  	_ =	shalt  }
0x3e: {  	_ =	shalt  }
0x3f: {  	_ =	shalt  }
0x40: {  	_ =	shalt  }
0x41: {  	_ =	shalt  }
0x42: {  	_ =	shalt  }
0x43: {  	_ =	shalt  }
0x44: {  	_ =	shalt  }
0x45: {  	_ =	shalt  }
0x46: {  	_ =	shalt  }
0x47: {  	_ =	shalt  }
0x48: {  	_ =	shalt  }
0x49: {  	_ =	shalt  }
0x4a: {  	_ =	shalt  }
0x4b: {  	_ =	shalt  }
0x4c: {  	_ =	shalt  }
0x4d: {  	_ =	shalt  }
0x4e: {  	_ =	shalt  }
0x4f: {  	_ =	shalt  }
0x50: {  	_ =	shalt  }
0x51: {  	_ =	shalt  }
0x52: {  	_ =	shalt  }
0x53: {  	_ =	shalt  }
0x54: {  	_ =	shalt  }
0x55: {  	_ =	shalt  }
0x56: {  	_ =	shalt  }
0x57: {  	_ =	shalt  }
0x58: {  	_ =	shalt  }
0x59: {  	_ =	shalt  }
0x5a: {  	_ =	shalt  }
0x5b: {  	_ =	shalt  }
0x5c: {  	_ =	shalt  }
0x5d: {  	_ =	shalt  }
0x5e: {  	_ =	shalt  }
0x5f: {  	_ =	shalt  }
0x60: {  	_ =	shalt  }
0x61: {  	_ =	shalt  }
0x62: {  	_ =	shalt  }
0x63: {  	_ =	shalt  }
0x64: {  	_ =	shalt  }
0x65: {  	_ =	shalt  }
0x66: {  	_ =	shalt  }
0x67: {  	_ =	shalt  }
0x68: {  	_ =	shalt  }
0x69: {  	_ =	shalt  }
0x6a: {  	_ =	shalt  }
0x6b: {  	_ =	shalt  }
0x6c: {  	_ =	shalt  }
0x6d: {  	_ =	shalt  }
0x6e: {  	_ =	shalt  }
0x6f: {  	_ =	shalt  }
0x70: {  	_ =	shalt  }
0x71: {  	_ =	shalt  }
0x72: {  	_ =	shalt  }
0x73: {  	_ =	shalt  }
0x74: {  	_ =	shalt  }
0x75: {  	_ =	shalt  }
0x76: {  	_ =	shalt  }
0x77: {  	_ =	shalt  }
0x78: {  	_ =	shalt  }
0x79: {  	_ =	shalt  }
0x7a: {  	_ =	shalt  }
0x7b: {  	_ =	shalt  }
0x7c: {  	_ =	shalt  }
0x7d: {  	_ =	shalt  }
0x7e: {  	_ =	shalt  }
0x7f: {  	_ =	shalt  }
0x80: {  	_ =	shalt  }
0x81: {  	_ =	shalt  }
0x82: {  	_ =	shalt  }
0x83: {  	_ =	shalt  }
0x84: {  	_ =	shalt  }
0x85: {  	_ =	shalt  }
0x86: {  	_ =	shalt  }
0x87: {  	_ =	shalt  }
.Lfunc_end0:
.L_simem_size_0:
called_computation_lowered:
.L_overlay_start_0:
0x88: {  	s2 =	sld [smem:$0x3FD9]  }
0x89: {  	s3 =	sld [smem:$0x3FFE];
	_ =	sdelay $0x1  }
0x8a: {  	s1 =	srdreg.scid  }
0x8b: {  	s0 =	sand.u32 $0x1, s1  }
0x8c: {  	s17 =	sshll.u32 s0, $0xA;
	s2 =	sadd.s32 s3, s2  }
0x8d: {  	s2 =	sadd.s32 s2, s17  }
0x8e: {  	[smem:$0x3FC4] =	sst s2  }
0x8f: {  	_ = 	snop  }
0x90: {  	s2 =	sld [smem:$0x3FD0];
	(tm) =	ssettm $0x1  }
0x91: {  	s18 =	sld [smem:$0x3FFB];
	_ =	sdelay $0x3  }
0x92: {  	_ =	strace s18  }
0x93: {  	s3 =	sld [smem:$0x3FFC];
	_ =	sdelay $0x3  }
0x94: {  	_ =	strace s3  }
0x95: {  	s3 =	sld [smem:$0x3FFD];
	_ =	sdelay $0x3  }
0x96: {  	_ =	strace s3  }
0x97: {  	_ =	strace $0x8FFFFFFF  }
0x98: {  	s19 =	sld [smem:$0x3FDB];
	_ =	sdelay $0x1  }
0x99: {  	s4 =	simm.s32 $_scs_section_size  }
0x9a: {  	s5 =	simm.s32 $_size__tile_overlayer_lowered;
	s6 =	simm.s32 $_tile_overlayer_lowered  }
0x9b: {  	s22 =	simm.s32 $0x1BFF;
	s21 =	sshll.u32 s6, $0x1;
	s3 =	sadd.s32 s4, s19  }
0x9c: {  	s7 =	simm.s32 $0x0;
	s20 =	sshll.u32 s5, $0x1;
	s5 =	sadd.s32 s21, s3  }
0x9d: {  	[timem:s7], [sflag:s22] =	dma.local [hbm:s5], s20  }
0x9e: {  	_ =	swait.ge [sflag:s22], s20  }
0x9f: {  	s4 =	ssub.s32 $0x0, s20;
	[sflag:s22] =	ssyncset.done $0x0  }
0xa0: {  	[sflag:s22] =	ssyncadd.s32 s4;
	_ =	sdelay $0x1  }
0xa1: {  	s23 =	simm.s32 $0x1B8B  }
0xa2: {  	_ =	swait.ge [sflag:s23], $0x1  }
0xa3: {  	[sflag:s23] =	ssyncset.done $0x0  }
0xa4: {  	s25 =	simm.s32 $0x1B8E;
	s24 =	sld [smem:$0x3FFE];
	[sflag:s23] =	ssyncadd.s32 $0xFFFFFFFF  }
0xa5: {  	s26 =	simm.s32 $execute0_lowered;
	[smem:$0x3FD2] =	sst s25  }
0xa6: {  	s5 =	sshll.u32 s26, $0x1;
	_ =	strace $0x80000046;
	[dreg:$0x1] =	wrdreg $0xFFFFFFFF  }
0xa7: {  	s28 =	simm.s32 $_size_execute0_lowered;
	s3 =	sadd.s32 s3, s5;
	[dreg:$0x0] =	wrdreg $0x0  }
0xa8: {  	s5 =	sshll.u32 s28, $0x1;
	[dreg:$0x2] =	wrdreg s3  }
0xa9: {  	[dreg:$0x3] =	wrdreg s5  }
0xaa: {  	[dreg:$0x4] =	wrdreg $0xC0  }
0xab: {  	_ =	task [dreg:s7], $0x5FFFF  }
0xac: {  	[dreg:$0x1] =	wrdreg $0xFFFFFFFF  }
0xad: {  	[dreg:$0x0] =	wrdreg $0x60  }
0xae: {  	[dreg:$0x2] =	wrdreg s2  }
0xaf: {  	[dreg:$0x3] =	wrdreg s24  }
0xb0: {  	[dreg:$0x4] =	wrdreg $0xF2600  }
0xb1: {  	[dreg:$0x5] =	wrdreg $0x9  }
0xb2: {  	_ =	task.clear_ibuf [dreg:s7], $0x6FFFF;
	_ =	strace $0x90000046  }
0xb3: {  	s29 =	simm.s32 $0x9;
	_ =	strace $0x80000048  }
0xb4: {  	_ =	swait.ge [sflag:s29], $0x1  }
0xb5: {  	[sflag:s29] =	ssyncadd.s32 $0xFFFFFFFF  }
0xb6: {  	_ =	strace $0x90000048  }
0xb7: {  	_ =	sfence  }
0xb8: {  	s30 =	sld [smem:$0x0];
	_ =	sdelay $0x2  }
0xb9: {  	s31 =	sshll.u32 s1, $0xD;
	s1 =	sshrl.u32 s1, $0x2  }
0xba: {  	s3 =	sand.u32 $0x4000, s31;
	s1 =	sadd.s32 s1, s30  }
0xbb: {  	s0 =	sor.u32 s3, s0;
	s1 =	sshll.u32 s1, $0x11  }
0xbc: {  	s0 =	sor.u32 s1, s0  }
0xbd: {  	s0 =	sadd.s32 $0x8F2B, s0  }
0xbe: {  	[sflag:s0] =	ssyncadd.remote.s32 $0x1  }
0xbf: {  	_ =	sfence.sel $0xFFFF  }
0xc0: {  	[dreg:$0x0] =	wrdreg $0xFFFFFFFF;
	(pc) =	sbr.abs _section_cstart, $3  }
0xc1: {  	[dreg:$0x1] =	wrdreg $0xFFFFFFFF  }
0xc2: {  	_ =	task.clear_ibuf [dreg:s7], $0x2FFFF;
	_ =	strace $0x9FFFFFFF  }
0xc3: {  	(tm) =	ssettm $0x7FFFFFFF  }
tec
execute0_lowered:
.L_overlay_start_1:
0x0: {  	(tag) =	ssettag $0x1  }
0x1: {  	s1 =	rddreg [dreg:$0x0]  }
0x2: {  	s0 =	rddreg [dreg:$0x1]  }
0x3: {  	s2 =	rddreg [dreg:$0x2]  }
0x4: {  	s3 =	simm.s32 $0x0;
	s4 =	srdreg.scid;
	s11 =	stileid.u32  }
0x5: {  	s20 =	simm.s32 $0xD260;
	s21 =	simm.s32 $0x3;
	s28 =	simm.s32 $0x1  }
0x6: {  	s29 =	simm.s32 $0xD1E0;
	[smem:$0x7FF] =	sst s3;
	s4 =	sand.u32 $0x1, s4  }
0x7: {  	s6 =	sadd.s32 $0xA00, s0;
	s22 =	smul.u32 $0x34000, s11;
	s5 =	sshll.u32 s4, $0x4  }
0x8: {  	s7 =	sadd.s32 $0x1800, s0;
	s8 =	sadd.s32 $0x27ACE00, s0;
	s5 =	sor.u32 s11, s5  }
0x9: {  	_ =	strace $0x80000047;
	[dreg:$0x4] =	wrdreg s6;
	s9 =	smul.u32 $0x1A00, s5  }
0xa: {  	[dreg:$0x5] =	wrdreg s7;
	s7 =	sadd.s32 $0x2600, s0;
	s6 =	sshrl.u32 s22, $0x2  }
0xb: {  	s4 =	ssub.s32 $0x2, s4;
	s0 =	sadd.s32 s9, s0;
	s9 =	sadd.s32 s6, s2  }
0xc: {  	s30 =	simm.s32 $0x2;
	s10 =	sshrl.u32 s4, $0x1;
	s6 =	sadd.s32 $0x2000, s9  }
0xd: {  	s4 =	ssub.s32 s4, s10;
	s23 =	sadd.s32 $0x4000, s9;
	[dreg:$0x6] =	wrdreg s6  }
0xe: {  	s10 =	smul.u32 $0x340, s11;
	s24 =	sadd.s32 $0x6000, s9;
	[dreg:$0x7] =	wrdreg s23  }
.Ltmp0:
0xf: {  	s25 =	sadd.s32 $0x8000, s9;
	[dreg:$0x8] =	wrdreg s24;
	(pc) =	sbr.rel .LBB2_1-.Ltmp0, $4  }
0x10: {  	s17 =	sshll.u32 s5, $0x5;
	s26 =	sadd.s32 $0xA000, s9;
	[dreg:$0x9] =	wrdreg s25  }
0x11: {  	s19 =	smax.u32 s4, $0x1;
	s31 =	sadd.s32 $0xC000, s9;
	[dreg:$0xa] =	wrdreg s26  }
0x12: {  	s18 =	sadd.s32 $0x12C00, s0;
	[dreg:$0xb] =	wrdreg s31;
	s23 =	simm.s32 $0xD060  }
0x13: {  	v0 =	vimm.f32 $0.0e+00;
	v1 =	vlaneseq.u32;
	v2 =	vimm.s32 $0x0;
	s24 =	simm.s32 $0xD0E0;
	s25 =	simm.s32 $0x80;
	s26 =	simm.s32 $0xD160  }
.LBB2_12:
0x14: {  	s0 =	stileid.u32;
	s3 =	sadd.s32 $0x1, s3  }
0x15: {  	s0 =	sshll.u32 s0, $0x6;
	p0 =	sne.s32 s3, s19  }
.Ltmp1:
0x16: {  	s4 =	sshrl.u32 s9, $0x3;
	s0 =	sor.u32 $0x1C03, s0;
	(pc) =	sbr.rel @!p0 .LBB2_13-.Ltmp1, $4  }
0x17: {  	[hbm:s18], [sflag:s0] =	dma.local [spmem:s4], $0x1A00  }
0x18: {  	_ =	swait.ge [sflag:s21], $0x1A00  }
0x19: {  	[sflag:s21] =	ssyncset.done $0x0  }
0x1a: {  	[sflag:s21] =	ssyncadd.s32 $0xFFFFE600  }
.LBB2_1:
0x1b: {  	s4 =	simm.s32 $0x100;
	s0 =	simm.s32 $0x0  }
.LBB2_2:
0x1c: {  	p0 =	sne.s32 s4, $0x7F00;
	[tilespmem:s0+$0xD290] =	vst v0;
	s5 =	smov.u32 s4;
	s4 =	sadd.s32 $0x100, s4  }
.Ltmp2:
0x1d: {  	[tilespmem:s0+$0xD280] =	vst v0;
	(pc) =	sbr.rel @p0 .LBB2_2-.Ltmp2, $3  }
0x1e: {  	[tilespmem:s0+$0xD260] =	vst v0  }
0x1f: {  	[tilespmem:s0+$0xD270] =	vst v0;
	_ =	sdelay $0x1  }
0x20: {  	s0 =	sshra.s32 s5, $0x2  }
0x21: {  	[tilespmem:s0+$0xD290] =	vst v0  }
0x22: {  	[tilespmem:s0+$0xD280] =	vst v0  }
0x23: {  	[tilespmem:s0+$0xD260] =	vst v0  }
0x24: {  	[tilespmem:s0+$0xD270] =	vst v0  }
0x25: {  	[spmem:s9] =	stream.linear.scatter [tilespmem:s20], [sflag:$0x3], $0x2000, $0x38;
	[tilespmem:$0x1C260] =	vst v63  }
0x26: {  	_ =	swait.ge [sflag:s21], $0x2000  }
0x27: {  	[sflag:s21] =	ssyncset.done $0x0  }
0x28: {  	s6 =	rddreg [dreg:$0x6];
	[sflag:s21] =	ssyncadd.s32 $0xFFFFE000  }
0x29: {  	[spmem:s6] =	stream.linear.scatter [tilespmem:s20], [sflag:$0x3], $0x2000, $0x38;
	[tilespmem:$0x1C260] =	vst v63  }
0x2a: {  	_ =	swait.ge [sflag:s21], $0x2000  }
0x2b: {  	[sflag:s21] =	ssyncset.done $0x0  }
0x2c: {  	s11 =	rddreg [dreg:$0x7];
	[sflag:s21] =	ssyncadd.s32 $0xFFFFE000  }
0x2d: {  	[spmem:s11] =	stream.linear.scatter [tilespmem:s20], [sflag:$0x3], $0x2000, $0x38;
	[tilespmem:$0x1C260] =	vst v63  }
0x2e: {  	_ =	swait.ge [sflag:s21], $0x2000  }
0x2f: {  	[sflag:s21] =	ssyncset.done $0x0  }
0x30: {  	s12 =	rddreg [dreg:$0x8];
	[sflag:s21] =	ssyncadd.s32 $0xFFFFE000  }
0x31: {  	[spmem:s12] =	stream.linear.scatter [tilespmem:s20], [sflag:$0x3], $0x2000, $0x38;
	[tilespmem:$0x1C260] =	vst v63  }
0x32: {  	_ =	swait.ge [sflag:s21], $0x2000  }
0x33: {  	[sflag:s21] =	ssyncset.done $0x0  }
0x34: {  	s13 =	rddreg [dreg:$0x9];
	[sflag:s21] =	ssyncadd.s32 $0xFFFFE000  }
0x35: {  	[spmem:s13] =	stream.linear.scatter [tilespmem:s20], [sflag:$0x3], $0x2000, $0x38;
	[tilespmem:$0x1C260] =	vst v63  }
0x36: {  	_ =	swait.ge [sflag:s21], $0x2000  }
0x37: {  	[sflag:s21] =	ssyncset.done $0x0  }
0x38: {  	s14 =	rddreg [dreg:$0xa];
	[sflag:s21] =	ssyncadd.s32 $0xFFFFE000  }
0x39: {  	[spmem:s14] =	stream.linear.scatter [tilespmem:s20], [sflag:$0x3], $0x2000, $0x38;
	[tilespmem:$0x1C260] =	vst v63  }
0x3a: {  	_ =	swait.ge [sflag:s21], $0x2000  }
0x3b: {  	[sflag:s21] =	ssyncset.done $0x0  }
0x3c: {  	s15 =	rddreg [dreg:$0xb];
	[sflag:s21] =	ssyncadd.s32 $0xFFFFE000  }
0x3d: {  	[spmem:s15] =	stream.linear.scatter [tilespmem:s20], [sflag:$0x3], $0x1000, $0x38;
	[tilespmem:$0x1C260] =	vst v63  }
0x3e: {  	_ =	swait.ge [sflag:s21], $0x1000  }
0x3f: {  	[sflag:s21] =	ssyncset.done $0x0  }
0x40: {  	s31 =	simm.s32 $0x0;
	s16 =	rddreg [dreg:$0x4];
	[sflag:s21] =	ssyncadd.s32 $0xFFFFF000  }
0x41: {  	[tilespmem:s31], [sflag:$0x3] =	stream.linear.gather [hbm4b:s16+s31], $0x6830, $0x38;
	[tilespmem:$0x1C260] =	vst v63  }
0x42: {  	_ =	swait.ge [sflag:s21], $0x6830  }
0x43: {  	s4 =	simm.s32 $0x6830;
	[sflag:s21] =	ssyncset.done $0x0  }
.Ltmp3:
0x44: {  	s22 =	rddreg [dreg:$0x5];
	[sflag:s21] =	ssyncadd.s32 $0xFFFF97D0;
	(pc) =	sbr.rel .LBB2_4-.Ltmp3, $4  }
0x45: {  	[tilespmem:s4], [sflag:$0x3] =	stream.linear.gather [hbm4b:s22+s31], $0x6830, $0x38;
	[tilespmem:$0x1C260] =	vst v63  }
0x46: {  	_ =	swait.ge [sflag:s21], $0x6830  }
0x47: {  	[sflag:s21] =	ssyncset.done $0x0  }
0x48: {  	[sflag:s21] =	ssyncadd.s32 $0xFFFF97D0  }
.LBB2_11:
0x49: {  	s31 =	sadd.s32 $0x1, s31  }
0x4a: {  	p0 =	sne.s32 s31, $0x1A  }
.Ltmp4:
0x4b: {  	_ = 	snop;
	(pc) =	sbr.rel @!p0 .LBB2_12-.Ltmp4, $1  }
0x4c: {  	_ =	sdelay $0x3  }
.LBB2_4:
0x4d: {  	s0 =	sshll.u32 s31, $0xA  }
0x4e: {  	s4 =	sor.u32 s17, s0  }
0x4f: {  	v3 =	vld [tilespmem:s4+$0x0];
	_ =	sdelay $0x3  }
0x50: {  	v36 =	vld [tilespmem:s4+$0x6840]  }
0x51: {  	(v2sf) =	vpush v3, $0x0;
	_ =	sdelay $0x3  }
0x52: {  	(v2sf) =	vpush v36, $0xF;
	_ =	sdelay $0xa  }
0x53: {  	s22 =	spop (v2sf)  }
0x54: {  	s5 =	sshra.s32 s22, $0x1F  }
0x55: {  	s5 =	sshrl.u32 s5, $0x1D  }
0x56: {  	s0 =	sadd.s32 s5, s22  }
0x57: {  	s6 =	spop (v2sf);
	s5 =	sand.u32 $0xFFFFFFF8, s0  }
0x58: {  	s0 =	ssub.s32 s6, s5  }
0x59: {  	s0 =	sadd.s32 $0x7F, s0  }
0x5a: {  	p0 =	slt.s32 s0, $0x80  }
.Ltmp5:
0x5b: {  	_ = 	snop;
	(pc) =	sbr.rel @p0 .LBB2_11-.Ltmp5, $1  }
0x5c: {  	_ =	sdelay $0x3  }
0x5d: {  	v3 =	vbroadcast v3, $0x0  }
0x5e: {  	v4 =	vbroadcast v36, $0xF;
	v21 =	vbroadcast v36, $0x0  }
0x5f: {  	v22 =	vbroadcast v36, $0x1;
	v23 =	vbroadcast v36, $0x2  }
0x60: {  	v24 =	vbroadcast v36, $0x3;
	v25 =	vbroadcast v36, $0x4  }
0x61: {  	v20 =	vld [tilespmem:s4+$0x6830];
	v26 =	vbroadcast v36, $0x5;
	v27 =	vbroadcast v36, $0x6  }
0x62: {  	v28 =	vbroadcast v36, $0x7;
	v29 =	vbroadcast v36, $0x8  }
0x63: {  	v30 =	vbroadcast v36, $0x9;
	v31 =	vbroadcast v36, $0xA  }
0x64: {  	v33 =	vbroadcast v36, $0xB;
	v34 =	vbroadcast v36, $0xC  }
0x65: {  	v35 =	vbroadcast v36, $0xD;
	v36 =	vbroadcast v36, $0xE  }
0x66: {  	v5 =	vbroadcast v20, $0x0;
	v6 =	vbroadcast v20, $0x1  }
0x67: {  	v7 =	vbroadcast v20, $0x2;
	v8 =	vbroadcast v20, $0x3  }
0x68: {  	v9 =	vbroadcast v20, $0x4;
	v10 =	vbroadcast v20, $0x5  }
0x69: {  	v11 =	vbroadcast v20, $0x6;
	v12 =	vbroadcast v20, $0x7  }
0x6a: {  	s14 =	sshra.s32 s0, $0x1F;
	v13 =	vbroadcast v20, $0x8;
	v14 =	vbroadcast v20, $0x9  }
0x6b: {  	s6 =	smul.u32 $0x186A0, s31;
	s16 =	sadd.s32 s10, s31;
	s4 =	sshrl.u32 s14, $0x19;
	v15 =	vbroadcast v20, $0xA;
	v16 =	vbroadcast v20, $0xB  }
0x6c: {  	v37 =	vmov s16;
	s15 =	sadd.s32 s4, s0;
	s4 =	simm.s32 $0x0;
	v17 =	vbroadcast v20, $0xC;
	v18 =	vbroadcast v20, $0xD  }
0x6d: {  	v32 =	vmov s6;
	s0 =	smov.u32 s5;
	s6 =	simm.s32 $0x0;
	s22 =	sshra.s32 s15, $0x7;
	v19 =	vbroadcast v20, $0xE;
	v20 =	vbroadcast v20, $0xF  }
.LBB2_6:
0x6e: {  	s11 =	sshll.u32 s6, $0x7  }
0x6f: {  	s11 =	sadd.s32 s5, s11  }
0x70: {  	s11 =	sshrl.u32 s11, $0x3  }
0x71: {  	s12 =	sadd.s32 s1, s11  }
0x72: {  	[tilespmem:s23], [sflag:$0x3] =	stream.linear.gather [hbm4b:s12+s4], $0x80, $0x38;
	[tilespmem:$0x1C260] =	vst v63  }
0x73: {  	_ =	swait.ge [sflag:s21], $0x80  }
0x74: {  	[sflag:s21] =	ssyncset.done $0x0  }
0x75: {  	s11 =	sadd.s32 s7, s11;
	[sflag:s21] =	ssyncadd.s32 $0xFFFFFF80  }
0x76: {  	[tilespmem:s24], [sflag:$0x3] =	stream.linear.gather [hbm4b:s11+s4], $0x80, $0x38;
	[tilespmem:$0x1C260] =	vst v63  }
0x77: {  	_ =	swait.ge [sflag:s21], $0x80  }
0x78: {  	[sflag:s21] =	ssyncset.done $0x0  }
0x79: {  	s11 =	simm.s32 $0x0;
	[sflag:s21] =	ssyncadd.s32 $0xFFFFFF80  }
0x7a: {  	v38 =	vld [tilespmem:s11+$0xD0E0];
	_ =	sdelay $0x1  }
0x7b: {  	v39 =	vadd.s32 s0, v1  }
0x7c: {  	vm0 =	vge.s32 v39, v3;
	vm1 =	vlt.s32 v39, v4;
	vm2 =	vge.s32 v39, v5  }
0x7d: {  	vm0 =	vmand vm0, vm1;
	v40 =	vsel vm2, $0x1, v2;
	vm1 =	vge.s32 v39, v6  }
0x7e: {  	v41 =	vsel vm1, $0x1, v2;
	v38 =	vnsel vm0, $0x0, v38;
	vm0 =	vge.s32 v39, v7  }
0x7f: {  	v40 =	vadd.s32 v41, v40;
	v54 =	vsel vm0, $0x1, v2;
	vm0 =	vge.s32 v39, v8  }
0x80: {  	v40 =	vadd.s32 v54, v40;
	v55 =	vsel vm0, $0x1, v2;
	vm0 =	vge.s32 v39, v9  }
0x81: {  	v40 =	vadd.s32 v55, v40;
	v56 =	vsel vm0, $0x1, v2;
	vm0 =	vge.s32 v39, v10  }
0x82: {  	v40 =	vadd.s32 v56, v40;
	v57 =	vsel vm0, $0x1, v2;
	vm0 =	vge.s32 v39, v11  }
0x83: {  	v40 =	vadd.s32 v57, v40;
	v58 =	vsel vm0, $0x1, v2;
	vm0 =	vge.s32 v39, v12  }
0x84: {  	v40 =	vadd.s32 v58, v40;
	v59 =	vsel vm0, $0x1, v2;
	vm0 =	vge.s32 v39, v13  }
0x85: {  	v40 =	vadd.s32 v59, v40;
	v60 =	vsel vm0, $0x1, v2;
	vm0 =	vge.s32 v39, v14  }
0x86: {  	v40 =	vadd.s32 v60, v40;
	v61 =	vsel vm0, $0x1, v2;
	vm0 =	vge.s32 v39, v15  }
0x87: {  	v40 =	vadd.s32 v61, v40;
	v62 =	vsel vm0, $0x1, v2;
	vm0 =	vge.s32 v39, v16  }
0x88: {  	v40 =	vadd.s32 v62, v40;
	v63 =	vsel vm0, $0x1, v2;
	vm0 =	vge.s32 v39, v17  }
0x89: {  	v40 =	vadd.s32 v63, v40;
	v44 =	vsel vm0, $0x1, v2;
	vm0 =	vge.s32 v39, v18  }
0x8a: {  	v40 =	vadd.s32 v44, v40;
	v45 =	vsel vm0, $0x1, v2;
	vm0 =	vge.s32 v39, v19  }
0x8b: {  	v40 =	vadd.s32 v45, v40;
	v46 =	vsel vm0, $0x1, v2;
	vm0 =	vge.s32 v39, v20  }
0x8c: {  	v40 =	vadd.s32 v46, v40;
	v47 =	vsel vm0, $0x1, v2;
	vm0 =	vge.s32 v39, v21  }
0x8d: {  	v40 =	vadd.s32 v47, v40;
	v48 =	vsel vm0, $0x1, v2;
	vm0 =	vge.s32 v39, v22  }
0x8e: {  	v40 =	vadd.s32 v48, v40;
	v49 =	vsel vm0, $0x1, v2;
	vm0 =	vge.s32 v39, v23  }
0x8f: {  	v40 =	vadd.s32 v49, v40;
	v50 =	vsel vm0, $0x1, v2;
	vm0 =	vge.s32 v39, v24  }
0x90: {  	v40 =	vadd.s32 v50, v40;
	v51 =	vsel vm0, $0x1, v2;
	vm0 =	vge.s32 v39, v25  }
0x91: {  	v40 =	vadd.s32 v51, v40;
	v52 =	vsel vm0, $0x1, v2;
	vm0 =	vge.s32 v39, v26  }
0x92: {  	v40 =	vadd.s32 v52, v40;
	v53 =	vsel vm0, $0x1, v2;
	vm0 =	vge.s32 v39, v27  }
0x93: {  	v40 =	vadd.s32 v53, v40;
	v54 =	vsel vm0, $0x1, v2;
	vm0 =	vge.s32 v39, v28  }
0x94: {  	v40 =	vadd.s32 v54, v40;
	v55 =	vsel vm0, $0x1, v2;
	vm0 =	vge.s32 v39, v29  }
0x95: {  	v40 =	vadd.s32 v55, v40;
	v56 =	vsel vm0, $0x1, v2;
	vm0 =	vge.s32 v39, v30  }
0x96: {  	v40 =	vadd.s32 v56, v40;
	v57 =	vsel vm0, $0x1, v2;
	vm0 =	vge.s32 v39, v31  }
0x97: {  	v40 =	vadd.s32 v57, v40;
	v58 =	vsel vm0, $0x1, v2;
	vm0 =	vge.s32 v39, v33  }
0x98: {  	v42 =	vld [tilespmem:s11+$0xD060];
	v40 =	vadd.s32 v58, v40;
	v59 =	vsel vm0, $0x1, v2;
	vm0 =	vge.s32 v39, v34  }
0x99: {  	v40 =	vadd.s32 v59, v40;
	v60 =	vsel vm0, $0x1, v2;
	vm0 =	vge.s32 v39, v35  }
0x9a: {  	s12 =	simm.s32 $0x10;
	[tilespmem:s11+$0xD0E0] =	vst v38;
	v40 =	vadd.s32 v60, v40;
	v61 =	vsel vm0, $0x1, v2;
	vm0 =	vge.s32 v39, v36  }
0x9b: {  	s14 =	sadd.s32 $0x10, s0;
	v41 =	vld [tilespmem:s12+$0xD0E0];
	v40 =	vadd.s32 v61, v40;
	v62 =	vsel vm0, $0x1, v2;
	vm0 =	vge.s32 v39, v4  }
0x9c: {  	v63 =	vadd.s32 v62, v40;
	v39 =	vsel vm0, $0x1, v2;
	v40 =	vadd.s32 s14, v1  }
0x9d: {  	v42 =	vadd.s32 v32, v42;
	v39 =	vadd.s32 v39, v63;
	vm0 =	vge.s32 v40, v3  }
0x9e: {  	s13 =	simm.s32 $0x80;
	s15 =	simm.s32 $0xC0;
	v38 =	vld [tilespmem:s12+$0xD060];
	[tilespmem:s11+$0xD160] =	vst v42;
	vm1 =	vlt.s32 v40, v4;
	vm2 =	vge.s32 v40, v5;
	v39 =	vmin.u32 v39, $0x1F  }
.LBB2_7:
0x9f: {  	p0 =	sne.s32 s15, $0x1C0;
	vm0 =	vmand vm0, vm1;
	v42 =	vsel vm2, $0x1, v2;
	vm1 =	vge.s32 v40, v6  }
0xa0: {  	v41 =	vnsel vm0, $0x0, v41;
	v43 =	vsel vm1, $0x1, v2;
	vm0 =	vge.s32 v40, v7  }
0xa1: {  	[tilespmem:s12+$0xD0E0] =	vst v41;
	v41 =	vadd.s32 v43, v42;
	v42 =	vsel vm0, $0x1, v2;
	vm0 =	vge.s32 v40, v8  }
0xa2: {  	v41 =	vadd.s32 v42, v41;
	v42 =	vsel vm0, $0x1, v2;
	vm0 =	vge.s32 v40, v9  }
0xa3: {  	v41 =	vadd.s32 v42, v41;
	v42 =	vsel vm0, $0x1, v2;
	vm0 =	vge.s32 v40, v10  }
0xa4: {  	v41 =	vadd.s32 v42, v41;
	v42 =	vsel vm0, $0x1, v2;
	vm0 =	vge.s32 v40, v11  }
0xa5: {  	v41 =	vadd.s32 v42, v41;
	v42 =	vsel vm0, $0x1, v2;
	vm0 =	vge.s32 v40, v12  }
0xa6: {  	v41 =	vadd.s32 v42, v41;
	v42 =	vsel vm0, $0x1, v2;
	vm0 =	vge.s32 v40, v13  }
0xa7: {  	v41 =	vadd.s32 v42, v41;
	v42 =	vsel vm0, $0x1, v2;
	vm0 =	vge.s32 v40, v14  }
0xa8: {  	v41 =	vadd.s32 v42, v41;
	v42 =	vsel vm0, $0x1, v2;
	vm0 =	vge.s32 v40, v15  }
0xa9: {  	v41 =	vadd.s32 v42, v41;
	v42 =	vsel vm0, $0x1, v2;
	vm0 =	vge.s32 v40, v16  }
0xaa: {  	v41 =	vadd.s32 v42, v41;
	v42 =	vsel vm0, $0x1, v2;
	vm0 =	vge.s32 v40, v17  }
0xab: {  	v41 =	vadd.s32 v42, v41;
	v42 =	vsel vm0, $0x1, v2;
	vm0 =	vge.s32 v40, v18  }
0xac: {  	v41 =	vadd.s32 v42, v41;
	v42 =	vsel vm0, $0x1, v2;
	vm0 =	vge.s32 v40, v19  }
0xad: {  	v41 =	vadd.s32 v42, v41;
	v42 =	vsel vm0, $0x1, v2;
	vm0 =	vge.s32 v40, v20  }
0xae: {  	v41 =	vadd.s32 v42, v41;
	v42 =	vsel vm0, $0x1, v2;
	vm0 =	vge.s32 v40, v21  }
0xaf: {  	v41 =	vadd.s32 v42, v41;
	v42 =	vsel vm0, $0x1, v2;
	vm0 =	vge.s32 v40, v22  }
0xb0: {  	v41 =	vadd.s32 v42, v41;
	v42 =	vsel vm0, $0x1, v2;
	vm0 =	vge.s32 v40, v23  }
0xb1: {  	v41 =	vadd.s32 v42, v41;
	v42 =	vsel vm0, $0x1, v2;
	vm0 =	vge.s32 v40, v24  }
0xb2: {  	v41 =	vadd.s32 v42, v41;
	v42 =	vsel vm0, $0x1, v2;
	vm0 =	vge.s32 v40, v25  }
0xb3: {  	v41 =	vadd.s32 v42, v41;
	v42 =	vsel vm0, $0x1, v2;
	vm0 =	vge.s32 v40, v26  }
0xb4: {  	v41 =	vadd.s32 v42, v41;
	v42 =	vsel vm0, $0x1, v2;
	vm0 =	vge.s32 v40, v27  }
0xb5: {  	v41 =	vadd.s32 v42, v41;
	v42 =	vsel vm0, $0x1, v2;
	vm0 =	vge.s32 v40, v28  }
0xb6: {  	v41 =	vadd.s32 v42, v41;
	v42 =	vsel vm0, $0x1, v2;
	vm0 =	vge.s32 v40, v29  }
0xb7: {  	v41 =	vadd.s32 v42, v41;
	v42 =	vsel vm0, $0x1, v2;
	vm0 =	vge.s32 v40, v30  }
0xb8: {  	v41 =	vadd.s32 v42, v41;
	v42 =	vsel vm0, $0x1, v2;
	vm0 =	vge.s32 v40, v31  }
0xb9: {  	v41 =	vadd.s32 v42, v41;
	v42 =	vsel vm0, $0x1, v2;
	vm0 =	vge.s32 v40, v33  }
0xba: {  	v41 =	vadd.s32 v42, v41;
	v42 =	vsel vm0, $0x1, v2;
	vm0 =	vge.s32 v40, v34  }
0xbb: {  	v41 =	vadd.s32 v42, v41;
	v42 =	vsel vm0, $0x1, v2;
	vm0 =	vge.s32 v40, v35  }
0xbc: {  	v41 =	vadd.s32 v42, v41;
	v42 =	vsel vm0, $0x1, v2;
	vm0 =	vge.s32 v40, v36  }
.Ltmp6:
0xbd: {  	s16 =	sshra.s32 s13, $0x2;
	s13 =	smov.u32 s15;
	v42 =	vadd.s32 v42, v41;
	v43 =	vsel vm0, $0x1, v2;
	vm0 =	vge.s32 v40, v4;
	(pc) =	sbr.rel @p0 .LBB2_7-.Ltmp6, $4  }
0xbe: {  	v41 =	vld [tilespmem:s16+$0xD0E0];
	v40 =	vadd.s32 v43, v42;
	v42 =	vsel vm0, $0x1, v2;
	v43 =	vmul.u32 $0x1A, v39  }
0xbf: {  	s14 =	sadd.s32 $0x10, s14;
	v39 =	vadd.s32 v32, v38;
	v38 =	vld [tilespmem:s16+$0xD060];
	v42 =	vadd.s32 v42, v40  }
0xc0: {  	v40 =	vadd.s32 s14, v1;
	[tilespmem:s12+$0xD160] =	vst v39;
	v39 =	vmin.u32 v42, $0x1F;
	v42 =	vadd.s32 v37, v43  }
0xc1: {  	s15 =	sadd.s32 $0x40, s15;
	vm0 =	vge.s32 v40, v3;
	vm1 =	vlt.s32 v40, v4;
	vm2 =	vge.s32 v40, v5;
	[tilespmem:s11+$0xD1E0] =	vst v42;
	s11 =	smov.u32 s12;
	s12 =	smov.u32 s16  }
0xc2: {  	vm3 =	vge.s32 v40, v6  }
0xc3: {  	v42 =	vsel vm2, $0x1, v2;
	vm12 =	vge.s32 v40, v7;
	vm13 =	vge.s32 v40, v8  }
0xc4: {  	vm14 =	vge.s32 v40, v9;
	vm15 =	vge.s32 v40, v10;
	vm4 =	vge.s32 v40, v11  }
0xc5: {  	vm5 =	vge.s32 v40, v12;
	vm6 =	vge.s32 v40, v13;
	vm7 =	vge.s32 v40, v14  }
0xc6: {  	vm8 =	vge.s32 v40, v15;
	vm9 =	vge.s32 v40, v16;
	vm10 =	vge.s32 v40, v17  }
0xc7: {  	vm11 =	vge.s32 v40, v18;
	vm0 =	vmand vm0, vm1;
	v39 =	vmul.u32 $0x1A, v39  }
0xc8: {  	v43 =	vsel vm3, $0x1, v2;
	v45 =	vsel vm12, $0x1, v2;
	v46 =	vsel vm13, $0x1, v2  }
0xc9: {  	v47 =	vsel vm14, $0x1, v2;
	v48 =	vsel vm15, $0x1, v2;
	v49 =	vsel vm4, $0x1, v2  }
0xca: {  	v50 =	vsel vm5, $0x1, v2;
	v51 =	vsel vm6, $0x1, v2;
	v52 =	vsel vm7, $0x1, v2  }
0xcb: {  	v53 =	vsel vm8, $0x1, v2;
	v54 =	vsel vm9, $0x1, v2;
	v55 =	vsel vm10, $0x1, v2  }
0xcc: {  	v56 =	vsel vm11, $0x1, v2;
	vm12 =	vge.s32 v40, v19;
	vm13 =	vge.s32 v40, v20  }
0xcd: {  	vm14 =	vge.s32 v40, v21;
	vm15 =	vge.s32 v40, v22;
	vm4 =	vge.s32 v40, v23  }
0xce: {  	vm5 =	vge.s32 v40, v24;
	vm6 =	vge.s32 v40, v25;
	vm7 =	vge.s32 v40, v26  }
0xcf: {  	vm8 =	vge.s32 v40, v27;
	vm9 =	vge.s32 v40, v28;
	vm10 =	vge.s32 v40, v29  }
0xd0: {  	vm11 =	vge.s32 v40, v30;
	v41 =	vnsel vm0, $0x0, v41;
	vm0 =	vge.s32 v40, v4  }
0xd1: {  	v42 =	vadd.s32 v43, v42;
	v57 =	vsel vm12, $0x1, v2;
	v58 =	vsel vm13, $0x1, v2  }
0xd2: {  	v59 =	vsel vm14, $0x1, v2;
	v60 =	vsel vm15, $0x1, v2;
	v61 =	vsel vm4, $0x1, v2  }
0xd3: {  	v62 =	vsel vm5, $0x1, v2;
	v63 =	vsel vm6, $0x1, v2;
	vm12 =	vge.s32 v40, v31  }
0xd4: {  	s14 =	sadd.s32 $0x10, s14;
	vm13 =	vge.s32 v40, v33;
	vm14 =	vge.s32 v40, v34;
	vm15 =	vge.s32 v40, v35  }
0xd5: {  	vm4 =	vge.s32 v40, v36;
	v40 =	vadd.s32 s14, v1;
	v38 =	vadd.s32 v32, v38  }
0xd6: {  	v42 =	vadd.s32 v45, v42;
	v45 =	vsel vm7, $0x1, v2;
	vm5 =	vge.s32 v40, v5  }
0xd7: {  	vm6 =	vge.s32 v40, v6;
	vm7 =	vge.s32 v40, v7;
	v42 =	vadd.s32 v46, v42  }
0xd8: {  	v46 =	vsel vm8, $0x1, v2;
	v44 =	vsel vm6, $0x1, v2;
	vm8 =	vge.s32 v40, v8  }
0xd9: {  	vm6 =	vge.s32 v40, v18;
	v42 =	vadd.s32 v47, v42;
	v47 =	vsel vm9, $0x1, v2  }
0xda: {  	vm9 =	vge.s32 v40, v9;
	v42 =	vadd.s32 v48, v42;
	v48 =	vsel vm10, $0x1, v2  }
0xdb: {  	vm10 =	vge.s32 v40, v10;
	v42 =	vadd.s32 v49, v42;
	v49 =	vsel vm11, $0x1, v2  }
0xdc: {  	vm11 =	vge.s32 v40, v11;
	v42 =	vadd.s32 v50, v42;
	v50 =	vsel vm12, $0x1, v2  }
0xdd: {  	vm12 =	vge.s32 v40, v12;
	v42 =	vadd.s32 v51, v42;
	v51 =	vsel vm13, $0x1, v2  }
0xde: {  	vm13 =	vge.s32 v40, v13;
	v42 =	vadd.s32 v52, v42;
	v52 =	vsel vm14, $0x1, v2  }
0xdf: {  	vm14 =	vge.s32 v40, v14;
	v42 =	vadd.s32 v53, v42;
	v53 =	vsel vm15, $0x1, v2  }
0xe0: {  	vm15 =	vge.s32 v40, v15;
	v42 =	vadd.s32 v54, v42;
	v54 =	vsel vm4, $0x1, v2  }
0xe1: {  	vm4 =	vge.s32 v40, v16;
	v42 =	vadd.s32 v55, v42;
	v55 =	vsel vm5, $0x1, v2  }
0xe2: {  	vm5 =	vge.s32 v40, v17;
	v42 =	vadd.s32 v56, v42;
	v43 =	vadd.s32 v44, v55  }
0xe3: {  	v56 =	vsel vm7, $0x1, v2;
	vm7 =	vge.s32 v40, v19;
	v42 =	vadd.s32 v57, v42  }
0xe4: {  	v43 =	vadd.s32 v56, v43;
	v57 =	vsel vm8, $0x1, v2;
	vm8 =	vge.s32 v40, v20  }
0xe5: {  	v42 =	vadd.s32 v58, v42;
	v43 =	vadd.s32 v57, v43;
	v58 =	vsel vm9, $0x1, v2  }
0xe6: {  	vm9 =	vge.s32 v40, v21;
	v42 =	vadd.s32 v59, v42;
	v43 =	vadd.s32 v58, v43  }
0xe7: {  	v59 =	vsel vm10, $0x1, v2;
	vm10 =	vge.s32 v40, v22;
	v42 =	vadd.s32 v60, v42  }
0xe8: {  	v43 =	vadd.s32 v59, v43;
	v60 =	vsel vm11, $0x1, v2;
	v42 =	vadd.s32 v61, v42  }
0xe9: {  	v55 =	vsel vm10, $0x1, v2;
	vm11 =	vge.s32 v40, v23;
	v42 =	vadd.s32 v62, v42  }
0xea: {  	vm10 =	vge.s32 v40, v35;
	v43 =	vadd.s32 v60, v43;
	v42 =	vadd.s32 v63, v42  }
0xeb: {  	v61 =	vsel vm12, $0x1, v2;
	v56 =	vsel vm11, $0x1, v2;
	v42 =	vadd.s32 v45, v42  }
0xec: {  	v43 =	vadd.s32 v61, v43;
	v62 =	vsel vm13, $0x1, v2;
	v42 =	vadd.s32 v46, v42  }
0xed: {  	v43 =	vadd.s32 v62, v43;
	v63 =	vsel vm14, $0x1, v2;
	v42 =	vadd.s32 v47, v42  }
0xee: {  	v43 =	vadd.s32 v63, v43;
	v42 =	vadd.s32 v48, v42;
	v48 =	vsel vm15, $0x1, v2  }
0xef: {  	v42 =	vadd.s32 v49, v42;
	v43 =	vadd.s32 v48, v43;
	v49 =	vsel vm4, $0x1, v2  }
0xf0: {  	v42 =	vadd.s32 v50, v42;
	v43 =	vadd.s32 v49, v43;
	v50 =	vsel vm5, $0x1, v2  }
0xf1: {  	v42 =	vadd.s32 v51, v42;
	v43 =	vadd.s32 v50, v43;
	v51 =	vsel vm6, $0x1, v2  }
0xf2: {  	v42 =	vadd.s32 v52, v42;
	v43 =	vadd.s32 v51, v43;
	v52 =	vsel vm7, $0x1, v2  }
0xf3: {  	v42 =	vadd.s32 v53, v42;
	v43 =	vadd.s32 v52, v43;
	v53 =	vsel vm8, $0x1, v2  }
0xf4: {  	v42 =	vadd.s32 v54, v42;
	v43 =	vadd.s32 v53, v43;
	v54 =	vsel vm9, $0x1, v2  }
0xf5: {  	vm12 =	vge.s32 v40, v24;
	vm11 =	vge.s32 v40, v36;
	v43 =	vadd.s32 v54, v43  }
0xf6: {  	v57 =	vsel vm12, $0x1, v2;
	vm13 =	vge.s32 v40, v25;
	v43 =	vadd.s32 v55, v43  }
0xf7: {  	vm12 =	vge.s32 v40, v4;
	v58 =	vsel vm13, $0x1, v2;
	v43 =	vadd.s32 v56, v43  }
0xf8: {  	vm14 =	vge.s32 v40, v26;
	vm13 =	vge.s32 v40, v3;
	v43 =	vadd.s32 v57, v43  }
0xf9: {  	v59 =	vsel vm14, $0x1, v2;
	vm15 =	vge.s32 v40, v27;
	v43 =	vadd.s32 v58, v43  }
0xfa: {  	v60 =	vsel vm15, $0x1, v2;
	vm4 =	vge.s32 v40, v28;
	v43 =	vadd.s32 v59, v43  }
0xfb: {  	v61 =	vsel vm4, $0x1, v2;
	vm5 =	vge.s32 v40, v29;
	v43 =	vadd.s32 v60, v43  }
0xfc: {  	v62 =	vsel vm5, $0x1, v2;
	vm6 =	vge.s32 v40, v30;
	v43 =	vadd.s32 v61, v43  }
0xfd: {  	v63 =	vsel vm6, $0x1, v2;
	vm7 =	vge.s32 v40, v31;
	v43 =	vadd.s32 v62, v43  }
0xfe: {  	v48 =	vsel vm7, $0x1, v2;
	vm8 =	vge.s32 v40, v33;
	v43 =	vadd.s32 v63, v43  }
0xff: {  	s13 =	sshra.s32 s13, $0x2;
	[tilespmem:s12+$0xD0E0] =	vst v41;
	v49 =	vsel vm8, $0x1, v2;
	vm9 =	vge.s32 v40, v34;
	v43 =	vadd.s32 v48, v43  }
0x100: {  	v45 =	vsel vm0, $0x1, v2;
	v53 =	vld [tilespmem:s13+$0xD0E0];
	v50 =	vsel vm9, $0x1, v2;
	v43 =	vadd.s32 v49, v43  }
0x101: {  	vm14 =	vlt.s32 v40, v4;
	v52 =	vsel vm10, $0x1, v2;
	v55 =	vld [tilespmem:s13+$0xD060];
	v51 =	vadd.s32 v50, v43  }
0x102: {  	vm15 =	vmand vm13, vm14;
	v54 =	vsel vm11, $0x1, v2;
	v41 =	vadd.s32 v52, v51  }
0x103: {  	v42 =	vadd.s32 v45, v42;
	v56 =	vsel vm12, $0x1, v2;
	v41 =	vadd.s32 v54, v41  }
0x104: {  	v42 =	vmin.u32 v42, $0x1F;
	[tilespmem:s12+$0xD160] =	vst v38;
	v57 =	vadd.s32 v37, v39;
	v58 =	vadd.s32 v56, v41  }
0x105: {  	[tilespmem:s11+$0xD1E0] =	vst v57;
	v59 =	vnsel vm15, $0x0, v53;
	v60 =	vmul.u32 $0x1A, v42;
	v39 =	vmin.u32 v58, $0x1F  }
0x106: {  	[tilespmem:s13+$0xD0E0] =	vst v59;
	v61 =	vadd.s32 v32, v55;
	v39 =	vmul.u32 $0x1A, v39  }
0x107: {  	[tilespmem:s13+$0xD160] =	vst v61;
	v62 =	vadd.s32 v37, v60  }
0x108: {  	[tilespmem:s12+$0xD1E0] =	vst v62;
	v63 =	vadd.s32 v37, v39  }
0x109: {  	[tilespmem:s13+$0xD1E0] =	vst v63  }
0x10a: {  	[tilespmem:s20], [sflag:$0x1] =	stream.indirect.gather [hbm4b:s8+s25], $0x40, s26, s25, $0xb8;
	[tilespmem:$0x1C260] =	vst v63  }
0x10b: {  	_ =	swait.ge [sflag:s28], $0x2000  }
0x10c: {  	[sflag:s28] =	ssyncset.done $0x0  }
0x10d: {  	s11 =	simm.s32 $0x0;
	s12 =	simm.s32 $0xD460;
	[sflag:s28] =	ssyncadd.s32 $0xFFFFE000  }
.LBB2_9:
0x10e: {  	s13 =	sshra.s32 s11, $0x2  }
0x10f: {  	v38 =	vld [tilespmem:s13+$0xD0E0];
	_ =	sdelay $0x1  }
0x110: {  	v39 =	vld [tilespmem:s12+$0xFFFFFE00];
	_ =	sdelay $0x1  }
0x111: {  	v49 =	vld [tilespmem:s12+$0xFFFFFE10]  }
0x112: {  	v40 =	vbroadcast v38, $0x0  }
0x113: {  	v50 =	vld [tilespmem:s12+$0xFFFFFE20]  }
0x114: {  	v39 =	vmul.f32 v40, v39  }
0x115: {  	v51 =	vld [tilespmem:s12+$0xFFFFFE30]  }
0x116: {  	[tilespmem:s12+$0xFFFFFE00] =	vst v39;
	v39 =	vmul.f32 v49, v40  }
0x117: {  	v52 =	vld [tilespmem:s12+$0xFFFFFE40]  }
0x118: {  	[tilespmem:s12+$0xFFFFFE10] =	vst v39;
	v39 =	vmul.f32 v50, v40  }
0x119: {  	v54 =	vld [tilespmem:s12+$0xFFFFFE50]  }
0x11a: {  	v53 =	vbroadcast v38, $0x1;
	[tilespmem:s12+$0xFFFFFE20] =	vst v39;
	v39 =	vmul.f32 v51, v40  }
0x11b: {  	v55 =	vld [tilespmem:s12+$0xFFFFFE60]  }
0x11c: {  	[tilespmem:s12+$0xFFFFFE30] =	vst v39;
	v39 =	vmul.f32 v52, v53  }
0x11d: {  	v56 =	vld [tilespmem:s12+$0xFFFFFE70]  }
0x11e: {  	[tilespmem:s12+$0xFFFFFE40] =	vst v39;
	v39 =	vmul.f32 v54, v53  }
0x11f: {  	v57 =	vld [tilespmem:s12+$0xFFFFFE80]  }
0x120: {  	[tilespmem:s12+$0xFFFFFE50] =	vst v39;
	v39 =	vmul.f32 v55, v53  }
0x121: {  	v59 =	vld [tilespmem:s12+$0xFFFFFE90]  }
0x122: {  	v58 =	vbroadcast v38, $0x2;
	[tilespmem:s12+$0xFFFFFE60] =	vst v39;
	v39 =	vmul.f32 v56, v53  }
0x123: {  	v60 =	vld [tilespmem:s12+$0xFFFFFEA0]  }
0x124: {  	[tilespmem:s12+$0xFFFFFE70] =	vst v39;
	v39 =	vmul.f32 v57, v58  }
0x125: {  	v61 =	vld [tilespmem:s12+$0xFFFFFEB0]  }
0x126: {  	[tilespmem:s12+$0xFFFFFE80] =	vst v39;
	v39 =	vmul.f32 v59, v58  }
0x127: {  	v62 =	vld [tilespmem:s12+$0xFFFFFEC0]  }
0x128: {  	[tilespmem:s12+$0xFFFFFE90] =	vst v39;
	v39 =	vmul.f32 v60, v58  }
0x129: {  	v44 =	vld [tilespmem:s12+$0xFFFFFED0]  }
0x12a: {  	v63 =	vbroadcast v38, $0x3;
	[tilespmem:s12+$0xFFFFFEA0] =	vst v39;
	v39 =	vmul.f32 v61, v58  }
0x12b: {  	v45 =	vld [tilespmem:s12+$0xFFFFFEE0]  }
0x12c: {  	[tilespmem:s12+$0xFFFFFEB0] =	vst v39;
	v39 =	vmul.f32 v62, v63  }
0x12d: {  	v46 =	vld [tilespmem:s12+$0xFFFFFEF0]  }
0x12e: {  	[tilespmem:s12+$0xFFFFFEC0] =	vst v39;
	v39 =	vmul.f32 v44, v63  }
0x12f: {  	v47 =	vld [tilespmem:s12+$0xFFFFFF00]  }
0x130: {  	[tilespmem:s12+$0xFFFFFED0] =	vst v39;
	v39 =	vmul.f32 v45, v63  }
0x131: {  	v49 =	vld [tilespmem:s12+$0xFFFFFF10]  }
0x132: {  	v48 =	vbroadcast v38, $0x4;
	[tilespmem:s12+$0xFFFFFEE0] =	vst v39;
	v39 =	vmul.f32 v46, v63  }
0x133: {  	v50 =	vld [tilespmem:s12+$0xFFFFFF20]  }
0x134: {  	[tilespmem:s12+$0xFFFFFEF0] =	vst v39;
	v39 =	vmul.f32 v47, v48  }
0x135: {  	v51 =	vld [tilespmem:s12+$0xFFFFFF30]  }
0x136: {  	[tilespmem:s12+$0xFFFFFF00] =	vst v39;
	v39 =	vmul.f32 v49, v48  }
0x137: {  	v52 =	vld [tilespmem:s12+$0xFFFFFF40]  }
0x138: {  	[tilespmem:s12+$0xFFFFFF10] =	vst v39;
	v39 =	vmul.f32 v50, v48  }
0x139: {  	v54 =	vld [tilespmem:s12+$0xFFFFFF50]  }
0x13a: {  	v53 =	vbroadcast v38, $0x5;
	[tilespmem:s12+$0xFFFFFF20] =	vst v39;
	v39 =	vmul.f32 v51, v48  }
0x13b: {  	v55 =	vld [tilespmem:s12+$0xFFFFFF60]  }
0x13c: {  	[tilespmem:s12+$0xFFFFFF30] =	vst v39;
	v39 =	vmul.f32 v52, v53  }
0x13d: {  	v56 =	vld [tilespmem:s12+$0xFFFFFF70]  }
0x13e: {  	[tilespmem:s12+$0xFFFFFF40] =	vst v39;
	v39 =	vmul.f32 v54, v53  }
0x13f: {  	v57 =	vld [tilespmem:s12+$0xFFFFFF80]  }
0x140: {  	[tilespmem:s12+$0xFFFFFF50] =	vst v39;
	v39 =	vmul.f32 v55, v53  }
0x141: {  	v59 =	vld [tilespmem:s12+$0xFFFFFF90]  }
0x142: {  	v58 =	vbroadcast v38, $0x6;
	[tilespmem:s12+$0xFFFFFF60] =	vst v39;
	v39 =	vmul.f32 v56, v53  }
0x143: {  	v60 =	vld [tilespmem:s12+$0xFFFFFFA0]  }
0x144: {  	[tilespmem:s12+$0xFFFFFF70] =	vst v39;
	v39 =	vmul.f32 v57, v58  }
0x145: {  	v61 =	vld [tilespmem:s12+$0xFFFFFFB0]  }
0x146: {  	[tilespmem:s12+$0xFFFFFF80] =	vst v39;
	v39 =	vmul.f32 v59, v58  }
0x147: {  	v62 =	vld [tilespmem:s12+$0xFFFFFFC0]  }
0x148: {  	[tilespmem:s12+$0xFFFFFF90] =	vst v39;
	v39 =	vmul.f32 v60, v58  }
0x149: {  	v44 =	vld [tilespmem:s12+$0xFFFFFFD0]  }
0x14a: {  	v63 =	vbroadcast v38, $0x7;
	[tilespmem:s12+$0xFFFFFFA0] =	vst v39;
	v39 =	vmul.f32 v61, v58  }
0x14b: {  	v45 =	vld [tilespmem:s12+$0xFFFFFFE0]  }
0x14c: {  	[tilespmem:s12+$0xFFFFFFB0] =	vst v39;
	v39 =	vmul.f32 v62, v63  }
0x14d: {  	v46 =	vld [tilespmem:s12+$0xFFFFFFF0]  }
0x14e: {  	[tilespmem:s12+$0xFFFFFFC0] =	vst v39;
	v39 =	vmul.f32 v44, v63  }
0x14f: {  	v47 =	vld [tilespmem:s12+$0x0]  }
0x150: {  	[tilespmem:s12+$0xFFFFFFD0] =	vst v39;
	v39 =	vmul.f32 v45, v63  }
0x151: {  	v49 =	vld [tilespmem:s12+$0x10]  }
0x152: {  	v48 =	vbroadcast v38, $0x8;
	[tilespmem:s12+$0xFFFFFFE0] =	vst v39;
	v39 =	vmul.f32 v46, v63  }
0x153: {  	v50 =	vld [tilespmem:s12+$0x20]  }
0x154: {  	[tilespmem:s12+$0xFFFFFFF0] =	vst v39;
	v39 =	vmul.f32 v47, v48  }
0x155: {  	v51 =	vld [tilespmem:s12+$0x30]  }
0x156: {  	[tilespmem:s12+$0x0] =	vst v39;
	v39 =	vmul.f32 v49, v48  }
0x157: {  	v52 =	vld [tilespmem:s12+$0x40]  }
0x158: {  	[tilespmem:s12+$0x10] =	vst v39;
	v39 =	vmul.f32 v50, v48  }
0x159: {  	v54 =	vld [tilespmem:s12+$0x50]  }
0x15a: {  	v53 =	vbroadcast v38, $0x9;
	[tilespmem:s12+$0x20] =	vst v39;
	v39 =	vmul.f32 v51, v48  }
0x15b: {  	v55 =	vld [tilespmem:s12+$0x60]  }
0x15c: {  	[tilespmem:s12+$0x30] =	vst v39;
	v39 =	vmul.f32 v52, v53  }
0x15d: {  	v56 =	vld [tilespmem:s12+$0x70]  }
0x15e: {  	[tilespmem:s12+$0x40] =	vst v39;
	v39 =	vmul.f32 v54, v53  }
0x15f: {  	v57 =	vld [tilespmem:s12+$0x80]  }
0x160: {  	[tilespmem:s12+$0x50] =	vst v39;
	v39 =	vmul.f32 v55, v53  }
0x161: {  	v59 =	vld [tilespmem:s12+$0x90]  }
0x162: {  	v58 =	vbroadcast v38, $0xA;
	[tilespmem:s12+$0x60] =	vst v39;
	v39 =	vmul.f32 v56, v53  }
0x163: {  	v60 =	vld [tilespmem:s12+$0xA0]  }
0x164: {  	[tilespmem:s12+$0x70] =	vst v39;
	v39 =	vmul.f32 v57, v58  }
0x165: {  	v61 =	vld [tilespmem:s12+$0xB0]  }
0x166: {  	[tilespmem:s12+$0x80] =	vst v39;
	v39 =	vmul.f32 v59, v58  }
0x167: {  	v62 =	vld [tilespmem:s12+$0xC0]  }
0x168: {  	[tilespmem:s12+$0x90] =	vst v39;
	v39 =	vmul.f32 v60, v58  }
0x169: {  	v42 =	vld [tilespmem:s12+$0xD0]  }
0x16a: {  	v63 =	vbroadcast v38, $0xB;
	[tilespmem:s12+$0xA0] =	vst v39;
	v39 =	vmul.f32 v61, v58  }
0x16b: {  	v43 =	vld [tilespmem:s12+$0xE0]  }
0x16c: {  	[tilespmem:s12+$0xB0] =	vst v39;
	v39 =	vmul.f32 v62, v63  }
0x16d: {  	v44 =	vld [tilespmem:s12+$0xF0]  }
0x16e: {  	[tilespmem:s12+$0xC0] =	vst v39;
	v39 =	vmul.f32 v42, v63  }
0x16f: {  	v45 =	vld [tilespmem:s12+$0x100]  }
0x170: {  	[tilespmem:s12+$0xD0] =	vst v39;
	v39 =	vmul.f32 v43, v63  }
0x171: {  	v47 =	vld [tilespmem:s12+$0x110]  }
0x172: {  	v46 =	vbroadcast v38, $0xC;
	[tilespmem:s12+$0xE0] =	vst v39;
	v39 =	vmul.f32 v44, v63  }
0x173: {  	v48 =	vld [tilespmem:s12+$0x120]  }
0x174: {  	[tilespmem:s12+$0xF0] =	vst v39;
	v39 =	vmul.f32 v45, v46  }
0x175: {  	v49 =	vld [tilespmem:s12+$0x130]  }
0x176: {  	[tilespmem:s12+$0x100] =	vst v39;
	v39 =	vmul.f32 v47, v46  }
0x177: {  	v50 =	vld [tilespmem:s12+$0x140]  }
0x178: {  	[tilespmem:s12+$0x110] =	vst v39;
	v39 =	vmul.f32 v48, v46  }
0x179: {  	v52 =	vld [tilespmem:s12+$0x150]  }
0x17a: {  	v51 =	vbroadcast v38, $0xD;
	[tilespmem:s12+$0x120] =	vst v39;
	v39 =	vmul.f32 v49, v46  }
0x17b: {  	v53 =	vld [tilespmem:s12+$0x160]  }
0x17c: {  	[tilespmem:s12+$0x130] =	vst v39;
	v39 =	vmul.f32 v50, v51  }
0x17d: {  	v54 =	vld [tilespmem:s12+$0x170]  }
0x17e: {  	[tilespmem:s12+$0x140] =	vst v39;
	v39 =	vmul.f32 v52, v51  }
0x17f: {  	v55 =	vld [tilespmem:s12+$0x180]  }
0x180: {  	[tilespmem:s12+$0x150] =	vst v39;
	v39 =	vmul.f32 v53, v51  }
0x181: {  	v57 =	vld [tilespmem:s12+$0x190]  }
0x182: {  	v56 =	vbroadcast v38, $0xE;
	[tilespmem:s12+$0x160] =	vst v39;
	v39 =	vmul.f32 v54, v51  }
0x183: {  	v58 =	vld [tilespmem:s12+$0x1A0]  }
0x184: {  	[tilespmem:s12+$0x170] =	vst v39;
	v39 =	vmul.f32 v55, v56  }
0x185: {  	v59 =	vld [tilespmem:s12+$0x1B0]  }
0x186: {  	[tilespmem:s12+$0x180] =	vst v39;
	v39 =	vmul.f32 v57, v56  }
0x187: {  	v60 =	vld [tilespmem:s12+$0x1C0]  }
0x188: {  	[tilespmem:s12+$0x190] =	vst v39;
	v39 =	vmul.f32 v58, v56  }
0x189: {  	v61 =	vld [tilespmem:s12+$0x1D0]  }
0x18a: {  	v38 =	vbroadcast v38, $0xF;
	[tilespmem:s12+$0x1A0] =	vst v39;
	v39 =	vmul.f32 v59, v56  }
0x18b: {  	v62 =	vld [tilespmem:s12+$0x1E0]  }
0x18c: {  	v63 =	vld [tilespmem:s12+$0x1F0];
	[tilespmem:s12+$0x1B0] =	vst v39;
	v39 =	vmul.f32 v60, v38;
	_ =	sdelay $0x1  }
0x18d: {  	p0 =	sne.s32 s11, $0x1C0;
	[tilespmem:s12+$0x1C0] =	vst v39;
	v39 =	vmul.f32 v61, v38  }
.Ltmp7:
0x18e: {  	_ = 	snop;
	(pc) =	sbr.rel @p0 .LBB2_9-.Ltmp7, $4  }
0x18f: {  	[tilespmem:s12+$0x1D0] =	vst v39;
	v39 =	vmul.f32 v62, v38  }
0x190: {  	v38 =	vmul.f32 v63, v38  }
0x191: {  	[tilespmem:s12+$0x1E0] =	vst v39  }
0x192: {  	s11 =	sadd.s32 $0x40, s11;
	[tilespmem:s12+$0x1F0] =	vst v38;
	s12 =	sadd.s32 $0x400, s12  }
0x193: {  	[spmem:s2] =	stream.indirect.scatter.add.f32 [tilespmem:s20], [sflag:$0x2], $0x40, s29, s25, $0xb8;
	[tilespmem:$0x1C260] =	vst v63  }
0x194: {  	s6 =	sadd.s32 $0x1, s6  }
0x195: {  	p0 =	sne.s32 s6, s22  }
.Ltmp8:
0x196: {  	_ = 	snop;
	(pc) =	sbr.rel @p0 .LBB2_6-.Ltmp8, $4  }
.Ltmp9:
0x197: {  	_ = 	snop;
	(pc) =	sbr.rel @!p0 .LBB2_11-.Ltmp9, $4  }
0x198: {  	_ =	swait.ge [sflag:s30], $0x2000  }
0x199: {  	[sflag:s30] =	ssyncset.done $0x0  }
0x19a: {  	s0 =	sadd.s32 $0x80, s0;
	[sflag:s30] =	ssyncadd.s32 $0xFFFFE000  }
0x19b: {  	_ = 	snop  }
.LBB2_13:
0x19c: {  	_ =	sfence.sel $0x180000  }
0x19d: {  	[bflag:$0x0] =	sbarrier.arrive $0xFFFF  }
0x19e: {  	_ =	strace $0x90000047  }
0x19f: {  	s0 =	stileid.u32;
	[bflag:$0x2] =	sbarrier.arrive $0xFFFF  }
0x1a0: {  	p0 =	sne.s32 s0, $0x0;
	s0 =	rddreg [dreg:$0x3]  }
0x1a1: {  	s0 =	sadd.s32 @!p0 $0x100000, s0  }
0x1a2: {  	[sflag:s0] =	ssyncadd.tile.s32 @!p0 $0x1;
	_ =	shalt  }
.Lfunc_end2:
_tile_overlayer_lowered:
.L_overlay_start_2:
0x1a3: {  	(tag) =	ssettag $0x2  }
0x1a4: {  	s0 =	rddreg [dreg:$0x0];
	s2 =	stileid.u32  }
0x1a5: {  	s1 =	rddreg [dreg:$0x1];
	p0 =	sne.s32 s2, $0x0  }
0x1a6: {  	s3 =	rddreg [dreg:$0x2];
	[bflag:$0x3] =	sbarrier.arrive $0xFFFF;
	s2 =	simm.s32 @!p0 $0x1C03  }
0x1a7: {  	[timem:s3], [sflag:s2] =	dma.local @!p0 [hbm:s0], s1  }
0x1a8: {  	s0 =	simm.s32 @!p0 $0x3  }
0x1a9: {  	_ =	swait.ge @!p0 [sflag:s0], s1  }
0x1aa: {  	s1 =	ssub.s32 @!p0 $0x0, s1;
	[sflag:s0] =	ssyncset.done @!p0 $0x0  }
0x1ab: {  	[sflag:s0] =	ssyncadd.s32 @!p0 s1  }
0x1ac: {  	[bflag:$0x3] =	sbarrier.arrive $0xFFFF  }
0x1ad: {  	_ =	shalt  }

</sc_bundles>
